<compile_context>
chip_gen: v7x
topology: tpu7x:2x2x1
jax: 0.10.2.dev20260603
libtpu: 0.0.44.dev20260713+nightly
codegen_flags: <defaults>
</compile_context>

<pallas_src>
import functools

import jax
import jax.numpy as jnp
from jax import lax
from jax.experimental import pallas as pl
from jax.experimental.pallas import tpu as pltpu
from jax.experimental.pallas import tpu_sc as plsc

_L = 16
_PW = 136


def _iota():
    return lax.iota(jnp.int32, _L)


@functools.lru_cache(maxsize=None)
def _make_phase_a(d, v):
    info = plsc.get_sparse_core_info()
    nc = info.num_cores
    nw = nc * info.num_subcores
    n_full = v // 128
    rem = v - n_full * 128
    base_cnt, extra = divmod(n_full, nw)
    max_cnt = base_cnt + (1 if extra else 0)
    n_outer = (max_cnt + 1) // 2

    mesh = plsc.VectorSubcoreMesh(core_axis_name="c", subcore_axis_name="s")

    @functools.partial(
        pl.kernel,
        mesh=mesh,
        out_type=jax.ShapeDtypeStruct((v, 128), jnp.float32),
        scratch_types=[
            pltpu.VMEM((2, d, 128), jnp.float32),
            pltpu.VMEM((2, 128, _PW), jnp.float32),
        ]
        + [pltpu.SemaphoreType.DMA] * 4,
        compiler_params=pltpu.CompilerParams(needs_layout_passes=False),
    )
    def phase_a(table_t, tail_pad, scratch, vbuf, tbuf,
                isem0, isem1, osem0, osem1):
        isem = (isem0, isem1)
        osem = (osem0, osem1)
        w = lax.axis_index("s") * nc + lax.axis_index("c")
        cnt = jnp.where(w < extra, base_cnt + 1, base_cnt)
        start = base_cnt * w + jnp.minimum(w, extra)
        l16 = [(_iota() + 16 * l0) for l0 in range(8)]

        def fire_in(i, b):
            pltpu.async_copy(
                table_t.at[:, pl.ds((start + i) * 128, 128)],
                vbuf.at[b], isem[b],
            )

        def drain(sem, buf):
            pltpu.make_async_copy(
                table_t.at[:, pl.ds(0, 128)], buf, sem
            ).wait()

        def transpose_block(b):
            @plsc.parallel_loop(0, d, unroll=8)
            def _(dd):
                for l0 in range(8):
                    vals = vbuf[b, dd, pl.ds(16 * l0, 16)]
                    plsc.store_scatter(
                        tbuf.at[b], [l16[l0], jnp.full((_L,), 0, jnp.int32)
                                     + dd], vals)

        def fire_out(i, b):
            pltpu.async_copy(
                tbuf.at[b, :, pl.ds(0, 128)],
                scratch.at[pl.ds((start + i) * 128, 128), :],
                osem[b],
            )

        fire_in(0, 0)

        def outer(k, carry):
            for b in range(2):
                i = 2 * k + b

                @pl.when(i < cnt)
                def _():
                    @pl.when(i + 1 < cnt)
                    def _():
                        fire_in(i + 1, 1 - b)

                    drain(isem[b], vbuf.at[b])

                    @pl.when(i >= 2)
                    def _():
                        drain(osem[b], tbuf.at[b, :, pl.ds(0, 128)])

                    transpose_block(b)
                    fire_out(i, b)
            return carry

        lax.fori_loop(0, n_outer, outer, 0)
        for b in range(2):
            drain(osem[b], tbuf.at[b, :, pl.ds(0, 128)])

        if rem:
            @pl.when(w == nw - 1)
            def _():
                pltpu.sync_copy(tail_pad, vbuf.at[0, pl.ds(0, rem)])
                pltpu.sync_copy(
                    vbuf.at[0, pl.ds(0, rem)],
                    scratch.at[pl.ds(n_full * 128, rem), :],
                )

    return phase_a


@functools.lru_cache(maxsize=None)
def _make_phase_b(d, v, hist, batch):
    info = plsc.get_sparse_core_info()
    nc = info.num_cores
    nw = nc * info.num_subcores
    n_btile = batch // 128
    cols_per_w = n_btile // nw
    units = hist * cols_per_w
    lanes_per_w = cols_per_w * 128

    mesh = plsc.VectorSubcoreMesh(core_axis_name="c", subcore_axis_name="s")

    @functools.partial(
        pl.kernel,
        mesh=mesh,
        out_type=jax.ShapeDtypeStruct((hist, d, batch), jnp.float32),
        scratch_types=[
            pltpu.VMEM((hist, lanes_per_w), jnp.int32),
            pltpu.VMEM((4, 128, 128), jnp.float32),
            pltpu.VMEM((2, d, _PW), jnp.float32),
        ]
        + [pltpu.SemaphoreType.DMA] * 6,
        compiler_params=pltpu.CompilerParams(
            needs_layout_passes=False, disable_bounds_checks=True),
    )
    def phase_b(scratch, idx_t, out, ibuf, gbuf, tbuf, *sems):
        gsem = sems[:4]
        osem = sems[4:]
        w = lax.axis_index("s") * nc + lax.axis_index("c")
        base_lane = w * lanes_per_w
        pltpu.sync_copy(idx_t.at[:, pl.ds(base_lane, lanes_per_w)], ibuf)
        c16 = [(_iota() + 16 * cc) for cc in range(d // 16)]

        def unit_hj(i):
            return i // cols_per_w, lax.rem(i, cols_per_w)

        def fire_gather(i, b):
            h, jc = unit_hj(i)
            pltpu.async_copy(
                scratch.at[ibuf.at[h, pl.ds(jc * 128, 128)]],
                gbuf.at[b], gsem[b],
            )

        def drain(sem, buf):
            pltpu.make_async_copy(scratch.at[pl.ds(0, 128)], buf, sem).wait()

        def transpose_out(j, nb):
            h, jc = unit_hj(j)
            tb = nb % 2

            @pl.when(j >= 2)
            def _():
                drain(osem[tb], tbuf.at[tb, :, pl.ds(0, 128)])

            @plsc.parallel_loop(0, 128, unroll=16)
            def _(p):
                pvec = jnp.full((_L,), p, jnp.int32)
                for cc in range(d // 16):
                    vals = gbuf[nb, p, pl.ds(16 * cc, 16)]
                    plsc.store_scatter(tbuf.at[tb], [c16[cc], pvec], vals)

            pltpu.async_copy(
                tbuf.at[tb, :, pl.ds(0, 128)],
                out.at[h, :, pl.ds(base_lane + jc * 128, 128)],
                osem[tb],
            )

        for b in range(3):
            fire_gather(b, b)

        def outer(k, carry):
            for b in range(4):
                i = 4 * k + b

                @pl.when(i + 3 < units)
                def _():
                    fire_gather(i + 3, (b + 3) % 4)

                drain(gsem[b], gbuf.at[b])
                transpose_out(i, b)
            return carry

        lax.fori_loop(0, units // 4, outer, 0)
        for b in range(2):
            drain(osem[b], tbuf.at[b, :, pl.ds(0, 128)])

    return phase_b


def kernel(batch_data, item_embeddings):
    batch, hist = batch_data.shape
    v, d = item_embeddings.shape
    idx_t = batch_data.T.astype(jnp.int32)
    table_pad = jnp.pad(item_embeddings, ((0, 0), (0, 128 - d)))
    out3 = _make_phase_b(d, v, hist, batch)(table_pad, idx_t)
    return out3.transpose(2, 0, 1)

# --- scband reference (transcript-rebuilt; emitter-appended) ---
"""Pipeline reference for scband-light-gcn-item-encoder-69569880261267 (READ-ONLY COPY).

The authoritative reference and input builder live on the scoring server;
editing this copy changes nothing except your own understanding.
"""

import jax, jax.numpy as jnp
import numpy as np

VOCAB = 1000000
EMBED_DIM = 64
BATCH = 16384
HIST_LEN = 50

def setup_inputs(seed: int = 0) -> dict:
    key = jax.random.key(seed)
    k1, k2 = jax.random.split(key)
    batch_data = jax.random.randint(k1, (BATCH, HIST_LEN), 0, VOCAB, dtype=jnp.int64 if jax.config.jax_enable_x64 else jnp.int32)
    item_embeddings = jax.random.normal(k2, (VOCAB, EMBED_DIM), dtype=jnp.float32)
    return {"batch_data": batch_data, "item_embeddings": item_embeddings}

def reference(batch_data, item_embeddings):
    # Faithful translation of: self.item_embeddings[batch_data]
    return jnp.take(item_embeddings, batch_data, axis=0)

if __name__ == "__main__":
    import jax
    _d = setup_inputs()
    print(jax.jit(kernel)(*tuple(_d.values())))

</pallas_src>

<mosaic_0001>
#map = affine_map<(d0, d1) -> (0, 0)>
#map1 = affine_map<(d0, d1) -> (0, 0, 0)>
module attributes {stable_mosaic.version = 14 : i64} {
  func.func @phase_b(%arg0: i32, %arg1: i32, %arg2: memref<1000000x128xf32, #tpu.memory_space<hbm>>, %arg3: memref<50x16384xi32, #tpu.memory_space<hbm>>, %arg4: memref<50x64x16384xf32, #tpu.memory_space<hbm>>, %arg5: memref<50x512xi32, #tpu.memory_space<vmem>>, %arg6: memref<4x128x128xf32, #tpu.memory_space<vmem>>, %arg7: memref<2x64x136xf32, #tpu.memory_space<vmem>>, %arg8: memref<!tpu.dma_semaphore, #tpu.memory_space<semaphore_mem>>, %arg9: memref<!tpu.dma_semaphore, #tpu.memory_space<semaphore_mem>>, %arg10: memref<!tpu.dma_semaphore, #tpu.memory_space<semaphore_mem>>, %arg11: memref<!tpu.dma_semaphore, #tpu.memory_space<semaphore_mem>>, %arg12: memref<!tpu.dma_semaphore, #tpu.memory_space<semaphore_mem>>, %arg13: memref<!tpu.dma_semaphore, #tpu.memory_space<semaphore_mem>>) attributes {dimension_semantics = [#tpu.dimension_semantics<core_parallel>, #tpu.dimension_semantics<subcore_parallel>], iteration_bounds = array<i64: 2, 16>, scalar_prefetch = 0 : i64, scratch_operands = 9 : i64, tpu.core_type = #tpu.core_type<sc_vector_subcore>, window_params = [{transform_indices = #map}, {transform_indices = #map}, {transform_indices = #map1}]} {
    %mul3A = arith.constant 2 : i32
    %mul3A_0 = arith.muli %arg1, %mul3A : i32
    %add3A = arith.addi %mul3A_0, %arg0 : i32
    %mul3A_1 = arith.constant 512 : i32
    %mul3A_2 = arith.muli %add3A, %mul3A_1 : i32
    "tpu.region"() ({
      %run_scoped3A = tpu.sem_alloc : memref<!tpu.dma_semaphore, #tpu.memory_space<semaphore_mem>>
      %dma_start3A_98 = arith.constant 0 : i32
      %dma_start3A_99 = tpu.memref_slice %arg3[%dma_start3A_98, %mul3A_2] : memref<50x16384xi32, #tpu.memory_space<hbm>> -> memref<50x512xi32, #tpu.memory_space<hbm>>
      %dma_start3A_100 = arith.constant 0 : i32
      %dma_start3A_101 = tpu.memref_slice %arg3[%dma_start3A_100, %mul3A_2] : memref<50x16384xi32, #tpu.memory_space<hbm>> -> memref<50x512xi32, #tpu.memory_space<hbm>>
      tpu.enqueue_dma source(%dma_start3A_101 : memref<50x512xi32, #tpu.memory_space<hbm>>) target(%arg5 : memref<50x512xi32, #tpu.memory_space<vmem>>) target_semaphore(%run_scoped3A : memref<!tpu.dma_semaphore, #tpu.memory_space<semaphore_mem>>)
      %dma_wait3A_102 = arith.constant 0 : i32
      %dma_wait3A_103 = tpu.memref_slice %arg3[%dma_wait3A_102, %mul3A_2] : memref<50x16384xi32, #tpu.memory_space<hbm>> -> memref<50x512xi32, #tpu.memory_space<hbm>>
      %dma_wait3A_104 = arith.constant 0 : i32
      %dma_wait3A_105 = tpu.memref_slice %arg3[%dma_wait3A_104, %mul3A_2] : memref<50x16384xi32, #tpu.memory_space<hbm>> -> memref<50x512xi32, #tpu.memory_space<hbm>>
      tpu.wait_dma2 semaphore(%run_scoped3A : memref<!tpu.dma_semaphore, #tpu.memory_space<semaphore_mem>>) src(%dma_wait3A_105 : memref<50x512xi32, #tpu.memory_space<hbm>>) dst(%arg5 : memref<50x512xi32, #tpu.memory_space<vmem>>)
      tpu.yield
    }) : () -> ()
    %iota3A = tpu.iota {dimensions = array<i32: 0>} : vector<16xi32>
    %add3A_3 = arith.constant 0 : i32
    %add3A_4 = vector.broadcast %add3A_3 : i32 to vector<16xi32>
    %add3A_5 = arith.addi %iota3A, %add3A_4 : vector<16xi32>
    %iota3A_6 = tpu.iota {dimensions = array<i32: 0>} : vector<16xi32>
    %add3A_7 = arith.constant 16 : i32
    %add3A_8 = vector.broadcast %add3A_7 : i32 to vector<16xi32>
    %add3A_9 = arith.addi %iota3A_6, %add3A_8 : vector<16xi32>
    %iota3A_10 = tpu.iota {dimensions = array<i32: 0>} : vector<16xi32>
    %add3A_11 = arith.constant 32 : i32
    %add3A_12 = vector.broadcast %add3A_11 : i32 to vector<16xi32>
    %add3A_13 = arith.addi %iota3A_10, %add3A_12 : vector<16xi32>
    %iota3A_14 = tpu.iota {dimensions = array<i32: 0>} : vector<16xi32>
    %add3A_15 = arith.constant 48 : i32
    %add3A_16 = vector.broadcast %add3A_15 : i32 to vector<16xi32>
    %add3A_17 = arith.addi %iota3A_14, %add3A_16 : vector<16xi32>
    %rem3A = arith.constant 0 : i32
    %rem3A_18 = arith.constant 4 : i32
    %rem3A_19 = arith.remsi %rem3A, %rem3A_18 : i32
    %mul3A_20 = arith.constant 128 : i32
    %mul3A_21 = arith.muli %rem3A_19, %mul3A_20 : i32
    %dma_start3A = arith.constant 0 : i32
    %dma_start3A_22 = arith.constant 0 : i32
    %dma_start3A_23 = arith.constant 0 : i32
    %dma_start3A_24 = arith.constant 0 : i32
    %dma_start3A_25 = tpu.memref_slice %arg6[%dma_start3A_22, %dma_start3A_23, %dma_start3A_24] : memref<4x128x128xf32, #tpu.memory_space<vmem>> -> memref<1x128x128xf32, #tpu.memory_space<vmem>>
    %dma_start3A_26 = tpu.memref_squeeze %dma_start3A_25 : memref<1x128x128xf32, #tpu.memory_space<vmem>> -> memref<128x128xf32, #tpu.memory_space<vmem>>
    %dma_start3A_27 = tpu.memref_slice %arg5[%dma_start3A, %mul3A_21] : memref<50x512xi32, #tpu.memory_space<vmem>> -> memref<1x128xi32, #tpu.memory_space<vmem>>
    %dma_start3A_28 = tpu.memref_squeeze %dma_start3A_27 : memref<1x128xi32, #tpu.memory_space<vmem>> -> memref<128xi32, #tpu.memory_space<vmem>>
    %dma_start3A_29 = arith.constant 0 : i32
    %dma_start3A_30 = arith.constant 0 : i32
    %dma_start3A_31 = tpu.memref_slice %arg2[%dma_start3A_29, %dma_start3A_30] : memref<1000000x128xf32, #tpu.memory_space<hbm>> -> memref<1000000x128xf32, #tpu.memory_space<hbm>>
    tpu.enqueue_indirect_dma source(%dma_start3A_31 : memref<1000000x128xf32, #tpu.memory_space<hbm>>) target(%dma_start3A_26 : memref<128x128xf32, #tpu.memory_space<vmem>>) offsets(%dma_start3A_28 : memref<128xi32, #tpu.memory_space<vmem>>) semaphore(%arg8 : memref<!tpu.dma_semaphore, #tpu.memory_space<semaphore_mem>>)
    %rem3A_32 = arith.constant 1 : i32
    %rem3A_33 = arith.constant 4 : i32
    %rem3A_34 = arith.remsi %rem3A_32, %rem3A_33 : i32
    %mul3A_35 = arith.constant 128 : i32
    %mul3A_36 = arith.muli %rem3A_34, %mul3A_35 : i32
    %dma_start3A_37 = arith.constant 0 : i32
    %dma_start3A_38 = arith.constant 1 : i32
    %dma_start3A_39 = arith.constant 0 : i32
    %dma_start3A_40 = arith.constant 0 : i32
    %dma_start3A_41 = tpu.memref_slice %arg6[%dma_start3A_38, %dma_start3A_39, %dma_start3A_40] : memref<4x128x128xf32, #tpu.memory_space<vmem>> -> memref<1x128x128xf32, #tpu.memory_space<vmem>>
    %dma_start3A_42 = tpu.memref_squeeze %dma_start3A_41 : memref<1x128x128xf32, #tpu.memory_space<vmem>> -> memref<128x128xf32, #tpu.memory_space<vmem>>
    %dma_start3A_43 = tpu.memref_slice %arg5[%dma_start3A_37, %mul3A_36] : memref<50x512xi32, #tpu.memory_space<vmem>> -> memref<1x128xi32, #tpu.memory_space<vmem>>
    %dma_start3A_44 = tpu.memref_squeeze %dma_start3A_43 : memref<1x128xi32, #tpu.memory_space<vmem>> -> memref<128xi32, #tpu.memory_space<vmem>>
    %dma_start3A_45 = arith.constant 0 : i32
    %dma_start3A_46 = arith.constant 0 : i32
    %dma_start3A_47 = tpu.memref_slice %arg2[%dma_start3A_45, %dma_start3A_46] : memref<1000000x128xf32, #tpu.memory_space<hbm>> -> memref<1000000x128xf32, #tpu.memory_space<hbm>>
    tpu.enqueue_indirect_dma source(%dma_start3A_47 : memref<1000000x128xf32, #tpu.memory_space<hbm>>) target(%dma_start3A_42 : memref<128x128xf32, #tpu.memory_space<vmem>>) offsets(%dma_start3A_44 : memref<128xi32, #tpu.memory_space<vmem>>) semaphore(%arg9 : memref<!tpu.dma_semaphore, #tpu.memory_space<semaphore_mem>>)
    %rem3A_48 = arith.constant 2 : i32
    %rem3A_49 = arith.constant 4 : i32
    %rem3A_50 = arith.remsi %rem3A_48, %rem3A_49 : i32
    %mul3A_51 = arith.constant 128 : i32
    %mul3A_52 = arith.muli %rem3A_50, %mul3A_51 : i32
    %dma_start3A_53 = arith.constant 0 : i32
    %dma_start3A_54 = arith.constant 2 : i32
    %dma_start3A_55 = arith.constant 0 : i32
    %dma_start3A_56 = arith.constant 0 : i32
    %dma_start3A_57 = tpu.memref_slice %arg6[%dma_start3A_54, %dma_start3A_55, %dma_start3A_56] : memref<4x128x128xf32, #tpu.memory_space<vmem>> -> memref<1x128x128xf32, #tpu.memory_space<vmem>>
    %dma_start3A_58 = tpu.memref_squeeze %dma_start3A_57 : memref<1x128x128xf32, #tpu.memory_space<vmem>> -> memref<128x128xf32, #tpu.memory_space<vmem>>
    %dma_start3A_59 = tpu.memref_slice %arg5[%dma_start3A_53, %mul3A_52] : memref<50x512xi32, #tpu.memory_space<vmem>> -> memref<1x128xi32, #tpu.memory_space<vmem>>
    %dma_start3A_60 = tpu.memref_squeeze %dma_start3A_59 : memref<1x128xi32, #tpu.memory_space<vmem>> -> memref<128xi32, #tpu.memory_space<vmem>>
    %dma_start3A_61 = arith.constant 0 : i32
    %dma_start3A_62 = arith.constant 0 : i32
    %dma_start3A_63 = tpu.memref_slice %arg2[%dma_start3A_61, %dma_start3A_62] : memref<1000000x128xf32, #tpu.memory_space<hbm>> -> memref<1000000x128xf32, #tpu.memory_space<hbm>>
    tpu.enqueue_indirect_dma source(%dma_start3A_63 : memref<1000000x128xf32, #tpu.memory_space<hbm>>) target(%dma_start3A_58 : memref<128x128xf32, #tpu.memory_space<vmem>>) offsets(%dma_start3A_60 : memref<128xi32, #tpu.memory_space<vmem>>) semaphore(%arg10 : memref<!tpu.dma_semaphore, #tpu.memory_space<semaphore_mem>>)
    %scan3A = arith.constant 0 : i32
    %scan3A_64 = arith.constant 0 : i32
    %scan3A_65 = arith.constant 50 : i32
    %scan3A_66 = arith.addi %scan3A_64, %scan3A_65 : i32
    %scan3A_67 = arith.constant 1 : i32
    scf.for %scan3A_98 = %scan3A_64 to %scan3A_66 step %scan3A_67  : i32 {
      %mul3A_99 = arith.constant 4 : i32
      %mul3A_100 = arith.muli %mul3A_99, %scan3A_98 : i32
      %add3A_101 = arith.constant 0 : i32
      %add3A_102 = arith.addi %mul3A_100, %add3A_101 : i32
      %add3A_103 = arith.constant 3 : i32
      %add3A_104 = arith.addi %add3A_102, %add3A_103 : i32
      %lt3A = arith.constant 200 : i32
      %lt3A_105 = arith.cmpi slt, %add3A_104, %lt3A : i32
      %convert_element_type3A = arith.extui %lt3A_105 : i1 to i32
      %cond3A = arith.constant 0 : i32
      %cond3A_106 = arith.cmpi ne, %convert_element_type3A, %cond3A : i32
      scf.if %cond3A_106 {
        %add3A_399 = arith.constant 3 : i32
        %add3A_400 = arith.addi %add3A_102, %add3A_399 : i32
        %jit3A_401 = arith.constant 4 : i32
        %div3A_402 = arith.divsi %add3A_400, %jit3A_401 : i32
        %sign3A_403 = arith.constant 0 : i32
        %sign3A_404 = arith.cmpi sgt, %add3A_400, %sign3A_403 : i32
        %sign3A_405 = arith.extui %sign3A_404 : i1 to i32
        %sign3A_406 = arith.constant 0 : i32
        %sign3A_407 = arith.cmpi slt, %add3A_400, %sign3A_406 : i32
        %sign3A_408 = arith.extui %sign3A_407 : i1 to i32
        %sign3A_409 = arith.subi %sign3A_405, %sign3A_408 : i32
        %sign3A_410 = arith.constant 0 : i32
        %sign3A_411 = arith.cmpi sgt, %jit3A_401, %sign3A_410 : i32
        %sign3A_412 = arith.extui %sign3A_411 : i1 to i32
        %sign3A_413 = arith.constant 0 : i32
        %sign3A_414 = arith.cmpi slt, %jit3A_401, %sign3A_413 : i32
        %sign3A_415 = arith.extui %sign3A_414 : i1 to i32
        %sign3A_416 = arith.subi %sign3A_412, %sign3A_415 : i32
        %ne3A_417 = arith.cmpi ne, %sign3A_409, %sign3A_416 : i32
        %rem3A_418 = arith.remsi %add3A_400, %jit3A_401 : i32
        %ne3A_419 = arith.constant 0 : i32
        %ne3A_420 = arith.cmpi ne, %rem3A_418, %ne3A_419 : i32
        %and3A_421 = arith.andi %ne3A_417, %ne3A_420 : i1
        %sub3A_422 = arith.constant 1 : i32
        %sub3A_423 = arith.subi %div3A_402, %sub3A_422 : i32
        %select_n3A_424 = arith.select %and3A_421, %sub3A_423, %div3A_402 : i32
        %rem3A_425 = arith.constant 4 : i32
        %rem3A_426 = arith.remsi %add3A_400, %rem3A_425 : i32
        %mul3A_427 = arith.constant 128 : i32
        %mul3A_428 = arith.muli %rem3A_426, %mul3A_427 : i32
        %dma_start3A_429 = arith.constant 3 : i32
        %dma_start3A_430 = arith.constant 0 : i32
        %dma_start3A_431 = arith.constant 0 : i32
        %dma_start3A_432 = tpu.memref_slice %arg6[%dma_start3A_429, %dma_start3A_430, %dma_start3A_431] : memref<4x128x128xf32, #tpu.memory_space<vmem>> -> memref<1x128x128xf32, #tpu.memory_space<vmem>>
        %dma_start3A_433 = tpu.memref_squeeze %dma_start3A_432 : memref<1x128x128xf32, #tpu.memory_space<vmem>> -> memref<128x128xf32, #tpu.memory_space<vmem>>
        %dma_start3A_434 = tpu.memref_slice %arg5[%select_n3A_424, %mul3A_428] : memref<50x512xi32, #tpu.memory_space<vmem>> -> memref<1x128xi32, #tpu.memory_space<vmem>>
        %dma_start3A_435 = tpu.memref_squeeze %dma_start3A_434 : memref<1x128xi32, #tpu.memory_space<vmem>> -> memref<128xi32, #tpu.memory_space<vmem>>
        %dma_start3A_436 = arith.constant 0 : i32
        %dma_start3A_437 = arith.constant 0 : i32
        %dma_start3A_438 = tpu.memref_slice %arg2[%dma_start3A_436, %dma_start3A_437] : memref<1000000x128xf32, #tpu.memory_space<hbm>> -> memref<1000000x128xf32, #tpu.memory_space<hbm>>
        tpu.enqueue_indirect_dma source(%dma_start3A_438 : memref<1000000x128xf32, #tpu.memory_space<hbm>>) target(%dma_start3A_433 : memref<128x128xf32, #tpu.memory_space<vmem>>) offsets(%dma_start3A_435 : memref<128xi32, #tpu.memory_space<vmem>>) semaphore(%arg11 : memref<!tpu.dma_semaphore, #tpu.memory_space<semaphore_mem>>)
      } else {
      }
      %dma_wait3A_107 = arith.constant 0 : i32
      %dma_wait3A_108 = arith.constant 0 : i32
      %dma_wait3A_109 = arith.constant 0 : i32
      %dma_wait3A_110 = tpu.memref_slice %arg6[%dma_wait3A_107, %dma_wait3A_108, %dma_wait3A_109] : memref<4x128x128xf32, #tpu.memory_space<vmem>> -> memref<1x128x128xf32, #tpu.memory_space<vmem>>
      %dma_wait3A_111 = tpu.memref_squeeze %dma_wait3A_110 : memref<1x128x128xf32, #tpu.memory_space<vmem>> -> memref<128x128xf32, #tpu.memory_space<vmem>>
      %dma_wait3A_112 = arith.constant 0 : i32
      %dma_wait3A_113 = arith.constant 0 : i32
      %dma_wait3A_114 = tpu.memref_slice %arg2[%dma_wait3A_112, %dma_wait3A_113] : memref<1000000x128xf32, #tpu.memory_space<hbm>> -> memref<128x128xf32, #tpu.memory_space<hbm>>
      %dma_wait3A_115 = arith.constant 0 : i32
      %dma_wait3A_116 = arith.constant 0 : i32
      %dma_wait3A_117 = tpu.memref_slice %arg6[%dma_wait3A_107, %dma_wait3A_115, %dma_wait3A_116] : memref<4x128x128xf32, #tpu.memory_space<vmem>> -> memref<1x128x128xf32, #tpu.memory_space<vmem>>
      %dma_wait3A_118 = tpu.memref_squeeze %dma_wait3A_117 : memref<1x128x128xf32, #tpu.memory_space<vmem>> -> memref<128x128xf32, #tpu.memory_space<vmem>>
      %dma_wait3A_119 = arith.constant 0 : i32
      %dma_wait3A_120 = arith.constant 0 : i32
      %dma_wait3A_121 = tpu.memref_slice %arg2[%dma_wait3A_119, %dma_wait3A_120] : memref<1000000x128xf32, #tpu.memory_space<hbm>> -> memref<128x128xf32, #tpu.memory_space<hbm>>
      tpu.wait_dma2 semaphore(%arg8 : memref<!tpu.dma_semaphore, #tpu.memory_space<semaphore_mem>>) src(%dma_wait3A_121 : memref<128x128xf32, #tpu.memory_space<hbm>>) dst(%dma_wait3A_118 : memref<128x128xf32, #tpu.memory_space<vmem>>)
      %jit3A = arith.constant 4 : i32
      %div3A = arith.divsi %add3A_102, %jit3A : i32
      %sign3A = arith.constant 0 : i32
      %sign3A_122 = arith.cmpi sgt, %add3A_102, %sign3A : i32
      %sign3A_123 = arith.extui %sign3A_122 : i1 to i32
      %sign3A_124 = arith.constant 0 : i32
      %sign3A_125 = arith.cmpi slt, %add3A_102, %sign3A_124 : i32
      %sign3A_126 = arith.extui %sign3A_125 : i1 to i32
      %sign3A_127 = arith.subi %sign3A_123, %sign3A_126 : i32
      %sign3A_128 = arith.constant 0 : i32
      %sign3A_129 = arith.cmpi sgt, %jit3A, %sign3A_128 : i32
      %sign3A_130 = arith.extui %sign3A_129 : i1 to i32
      %sign3A_131 = arith.constant 0 : i32
      %sign3A_132 = arith.cmpi slt, %jit3A, %sign3A_131 : i32
      %sign3A_133 = arith.extui %sign3A_132 : i1 to i32
      %sign3A_134 = arith.subi %sign3A_130, %sign3A_133 : i32
      %ne3A = arith.cmpi ne, %sign3A_127, %sign3A_134 : i32
      %rem3A_135 = arith.remsi %add3A_102, %jit3A : i32
      %ne3A_136 = arith.constant 0 : i32
      %ne3A_137 = arith.cmpi ne, %rem3A_135, %ne3A_136 : i32
      %and3A = arith.andi %ne3A, %ne3A_137 : i1
      %sub3A = arith.constant 1 : i32
      %sub3A_138 = arith.subi %div3A, %sub3A : i32
      %select_n3A = arith.select %and3A, %sub3A_138, %div3A : i32
      %rem3A_139 = arith.constant 4 : i32
      %rem3A_140 = arith.remsi %add3A_102, %rem3A_139 : i32
      %ge3A = arith.constant 2 : i32
      %ge3A_141 = arith.cmpi sge, %add3A_102, %ge3A : i32
      %convert_element_type3A_142 = arith.extui %ge3A_141 : i1 to i32
      %cond3A_143 = arith.constant 0 : i32
      %cond3A_144 = arith.cmpi ne, %convert_element_type3A_142, %cond3A_143 : i32
      scf.if %cond3A_144 {
        %dma_wait3A_399 = arith.constant 0 : i32
        %dma_wait3A_400 = arith.constant 0 : i32
        %dma_wait3A_401 = arith.constant 0 : i32
        %dma_wait3A_402 = tpu.memref_slice %arg7[%dma_wait3A_399, %dma_wait3A_400, %dma_wait3A_401] : memref<2x64x136xf32, #tpu.memory_space<vmem>> -> memref<1x64x128xf32, #tpu.memory_space<vmem>>
        %dma_wait3A_403 = tpu.memref_squeeze %dma_wait3A_402 : memref<1x64x128xf32, #tpu.memory_space<vmem>> -> memref<64x128xf32, #tpu.memory_space<vmem>>
        %dma_wait3A_404 = arith.constant 0 : i32
        %dma_wait3A_405 = arith.constant 0 : i32
        %dma_wait3A_406 = tpu.memref_slice %arg2[%dma_wait3A_404, %dma_wait3A_405] : memref<1000000x128xf32, #tpu.memory_space<hbm>> -> memref<128x128xf32, #tpu.memory_space<hbm>>
        %dma_wait3A_407 = arith.constant 0 : i32
        %dma_wait3A_408 = arith.constant 0 : i32
        %dma_wait3A_409 = tpu.memref_slice %arg7[%dma_wait3A_399, %dma_wait3A_407, %dma_wait3A_408] : memref<2x64x136xf32, #tpu.memory_space<vmem>> -> memref<1x64x128xf32, #tpu.memory_space<vmem>>
        %dma_wait3A_410 = tpu.memref_squeeze %dma_wait3A_409 : memref<1x64x128xf32, #tpu.memory_space<vmem>> -> memref<64x128xf32, #tpu.memory_space<vmem>>
        %dma_wait3A_411 = arith.constant 0 : i32
        %dma_wait3A_412 = arith.constant 0 : i32
        %dma_wait3A_413 = tpu.memref_slice %arg2[%dma_wait3A_411, %dma_wait3A_412] : memref<1000000x128xf32, #tpu.memory_space<hbm>> -> memref<128x128xf32, #tpu.memory_space<hbm>>
        tpu.wait_dma2 semaphore(%arg12 : memref<!tpu.dma_semaphore, #tpu.memory_space<semaphore_mem>>) src(%dma_wait3A_413 : memref<128x128xf32, #tpu.memory_space<hbm>>) dst(%dma_wait3A_410 : memref<64x128xf32, #tpu.memory_space<vmem>>)
      } else {
      }
      %parallel_loop3A = arith.constant 0 : i32
      %parallel_loop3A_145 = arith.constant 128 : i32
      %parallel_loop3A_146 = arith.constant 1 : i32
      scf.for %parallel_loop3A_399 = %parallel_loop3A to %parallel_loop3A_145 step %parallel_loop3A_146  : i32 {
        %parallel_loop3A_400 = vector.broadcast %parallel_loop3A_399 : i32 to vector<16xi32>
        %parallel_loop3A_401 = arith.constant 0 : i32
        %parallel_loop3A_402 = arith.index_cast %parallel_loop3A_401 : i32 to index
        %parallel_loop3A_403 = arith.index_cast %parallel_loop3A_399 : i32 to index
        %parallel_loop3A_404 = arith.constant 0 : index
        %parallel_loop3A_405 = tpu.vector_load %arg6[%parallel_loop3A_402, %parallel_loop3A_403, %parallel_loop3A_404] {strides = array<i32>} : memref<4x128x128xf32, #tpu.memory_space<vmem>>, vector<16xf32>,
        %parallel_loop3A_406 = arith.constant 0 : i32
        %parallel_loop3A_407 = arith.constant 0 : i32
        %parallel_loop3A_408 = arith.constant 0 : i32
        %parallel_loop3A_409 = tpu.memref_slice %arg7[%parallel_loop3A_406, %parallel_loop3A_407, %parallel_loop3A_408] : memref<2x64x136xf32, #tpu.memory_space<vmem>> -> memref<1x64x136xf32, #tpu.memory_space<vmem>>
        %parallel_loop3A_410 = tpu.memref_squeeze %parallel_loop3A_409 : memref<1x64x136xf32, #tpu.memory_space<vmem>> -> memref<64x136xf32, #tpu.memory_space<vmem>>
        tpu.vector_store_idx %parallel_loop3A_410[%add3A_5, %parallel_loop3A_400], %parallel_loop3A_405 : memref<64x136xf32, #tpu.memory_space<vmem>>[vector<16xi32>, vector<16xi32>], vector<16xf32>,
        %parallel_loop3A_411 = arith.constant 0 : i32
        %parallel_loop3A_412 = arith.index_cast %parallel_loop3A_411 : i32 to index
        %parallel_loop3A_413 = arith.index_cast %parallel_loop3A_399 : i32 to index
        %parallel_loop3A_414 = arith.constant 16 : index
        %parallel_loop3A_415 = tpu.vector_load %arg6[%parallel_loop3A_412, %parallel_loop3A_413, %parallel_loop3A_414] {strides = array<i32>} : memref<4x128x128xf32, #tpu.memory_space<vmem>>, vector<16xf32>,
        %parallel_loop3A_416 = arith.constant 0 : i32
        %parallel_loop3A_417 = arith.constant 0 : i32
        %parallel_loop3A_418 = arith.constant 0 : i32
        %parallel_loop3A_419 = tpu.memref_slice %arg7[%parallel_loop3A_416, %parallel_loop3A_417, %parallel_loop3A_418] : memref<2x64x136xf32, #tpu.memory_space<vmem>> -> memref<1x64x136xf32, #tpu.memory_space<vmem>>
        %parallel_loop3A_420 = tpu.memref_squeeze %parallel_loop3A_419 : memref<1x64x136xf32, #tpu.memory_space<vmem>> -> memref<64x136xf32, #tpu.memory_space<vmem>>
        tpu.vector_store_idx %parallel_loop3A_420[%add3A_9, %parallel_loop3A_400], %parallel_loop3A_415 : memref<64x136xf32, #tpu.memory_space<vmem>>[vector<16xi32>, vector<16xi32>], vector<16xf32>,
        %parallel_loop3A_421 = arith.constant 0 : i32
        %parallel_loop3A_422 = arith.index_cast %parallel_loop3A_421 : i32 to index
        %parallel_loop3A_423 = arith.index_cast %parallel_loop3A_399 : i32 to index
        %parallel_loop3A_424 = arith.constant 32 : index
        %parallel_loop3A_425 = tpu.vector_load %arg6[%parallel_loop3A_422, %parallel_loop3A_423, %parallel_loop3A_424] {strides = array<i32>} : memref<4x128x128xf32, #tpu.memory_space<vmem>>, vector<16xf32>,
        %parallel_loop3A_426 = arith.constant 0 : i32
        %parallel_loop3A_427 = arith.constant 0 : i32
        %parallel_loop3A_428 = arith.constant 0 : i32
        %parallel_loop3A_429 = tpu.memref_slice %arg7[%parallel_loop3A_426, %parallel_loop3A_427, %parallel_loop3A_428] : memref<2x64x136xf32, #tpu.memory_space<vmem>> -> memref<1x64x136xf32, #tpu.memory_space<vmem>>
        %parallel_loop3A_430 = tpu.memref_squeeze %parallel_loop3A_429 : memref<1x64x136xf32, #tpu.memory_space<vmem>> -> memref<64x136xf32, #tpu.memory_space<vmem>>
        tpu.vector_store_idx %parallel_loop3A_430[%add3A_13, %parallel_loop3A_400], %parallel_loop3A_425 : memref<64x136xf32, #tpu.memory_space<vmem>>[vector<16xi32>, vector<16xi32>], vector<16xf32>,
        %parallel_loop3A_431 = arith.constant 0 : i32
        %parallel_loop3A_432 = arith.index_cast %parallel_loop3A_431 : i32 to index
        %parallel_loop3A_433 = arith.index_cast %parallel_loop3A_399 : i32 to index
        %parallel_loop3A_434 = arith.constant 48 : index
        %parallel_loop3A_435 = tpu.vector_load %arg6[%parallel_loop3A_432, %parallel_loop3A_433, %parallel_loop3A_434] {strides = array<i32>} : memref<4x128x128xf32, #tpu.memory_space<vmem>>, vector<16xf32>,
        %parallel_loop3A_436 = arith.constant 0 : i32
        %parallel_loop3A_437 = arith.constant 0 : i32
        %parallel_loop3A_438 = arith.constant 0 : i32
        %parallel_loop3A_439 = tpu.memref_slice %arg7[%parallel_loop3A_436, %parallel_loop3A_437, %parallel_loop3A_438] : memref<2x64x136xf32, #tpu.memory_space<vmem>> -> memref<1x64x136xf32, #tpu.memory_space<vmem>>
        %parallel_loop3A_440 = tpu.memref_squeeze %parallel_loop3A_439 : memref<1x64x136xf32, #tpu.memory_space<vmem>> -> memref<64x136xf32, #tpu.memory_space<vmem>>
        tpu.vector_store_idx %parallel_loop3A_440[%add3A_17, %parallel_loop3A_400], %parallel_loop3A_435 : memref<64x136xf32, #tpu.memory_space<vmem>>[vector<16xi32>, vector<16xi32>], vector<16xf32>,
      } {sc.loop_unroll_factor = 16 : i64, sc.parallel_access}
      %mul3A_147 = arith.constant 128 : i32
      %mul3A_148 = arith.muli %rem3A_140, %mul3A_147 : i32
      %add3A_149 = arith.addi %mul3A_2, %mul3A_148 : i32
      %dma_start3A_150 = arith.constant 0 : i32
      %dma_start3A_151 = arith.constant 0 : i32
      %dma_start3A_152 = arith.constant 0 : i32
      %dma_start3A_153 = tpu.memref_slice %arg7[%dma_start3A_150, %dma_start3A_151, %dma_start3A_152] : memref<2x64x136xf32, #tpu.memory_space<vmem>> -> memref<1x64x128xf32, #tpu.memory_space<vmem>>
      %dma_start3A_154 = tpu.memref_squeeze %dma_start3A_153 : memref<1x64x128xf32, #tpu.memory_space<vmem>> -> memref<64x128xf32, #tpu.memory_space<vmem>>
      %dma_start3A_155 = arith.constant 0 : i32
      %dma_start3A_156 = tpu.memref_slice %arg4[%select_n3A, %dma_start3A_155, %add3A_149] : memref<50x64x16384xf32, #tpu.memory_space<hbm>> -> memref<1x64x128xf32, #tpu.memory_space<hbm>>
      %dma_start3A_157 = tpu.memref_squeeze %dma_start3A_156 : memref<1x64x128xf32, #tpu.memory_space<hbm>> -> memref<64x128xf32, #tpu.memory_space<hbm>>
      %dma_start3A_158 = arith.constant 0 : i32
      %dma_start3A_159 = tpu.memref_slice %arg4[%select_n3A, %dma_start3A_158, %add3A_149] : memref<50x64x16384xf32, #tpu.memory_space<hbm>> -> memref<1x64x128xf32, #tpu.memory_space<hbm>>
      %dma_start3A_160 = tpu.memref_squeeze %dma_start3A_159 : memref<1x64x128xf32, #tpu.memory_space<hbm>> -> memref<64x128xf32, #tpu.memory_space<hbm>>
      %dma_start3A_161 = arith.constant 0 : i32
      %dma_start3A_162 = arith.constant 0 : i32
      %dma_start3A_163 = tpu.memref_slice %arg7[%dma_start3A_150, %dma_start3A_161, %dma_start3A_162] : memref<2x64x136xf32, #tpu.memory_space<vmem>> -> memref<1x64x128xf32, #tpu.memory_space<vmem>>
      %dma_start3A_164 = tpu.memref_squeeze %dma_start3A_163 : memref<1x64x128xf32, #tpu.memory_space<vmem>> -> memref<64x128xf32, #tpu.memory_space<vmem>>
      tpu.enqueue_dma source(%dma_start3A_164 : memref<64x128xf32, #tpu.memory_space<vmem>>) target(%dma_start3A_160 : memref<64x128xf32, #tpu.memory_space<hbm>>) target_semaphore(%arg12 : memref<!tpu.dma_semaphore, #tpu.memory_space<semaphore_mem>>)
      %mul3A_165 = arith.constant 4 : i32
      %mul3A_166 = arith.muli %mul3A_165, %scan3A_98 : i32
      %add3A_167 = arith.constant 1 : i32
      %add3A_168 = arith.addi %mul3A_166, %add3A_167 : i32
      %add3A_169 = arith.constant 3 : i32
      %add3A_170 = arith.addi %add3A_168, %add3A_169 : i32
      %lt3A_171 = arith.constant 200 : i32
      %lt3A_172 = arith.cmpi slt, %add3A_170, %lt3A_171 : i32
      %convert_element_type3A_173 = arith.extui %lt3A_172 : i1 to i32
      %cond3A_174 = arith.constant 0 : i32
      %cond3A_175 = arith.cmpi ne, %convert_element_type3A_173, %cond3A_174 : i32
      scf.if %cond3A_175 {
        %add3A_399 = arith.constant 3 : i32
        %add3A_400 = arith.addi %add3A_168, %add3A_399 : i32
        %jit3A_401 = arith.constant 4 : i32
        %div3A_402 = arith.divsi %add3A_400, %jit3A_401 : i32
        %sign3A_403 = arith.constant 0 : i32
        %sign3A_404 = arith.cmpi sgt, %add3A_400, %sign3A_403 : i32
        %sign3A_405 = arith.extui %sign3A_404 : i1 to i32
        %sign3A_406 = arith.constant 0 : i32
        %sign3A_407 = arith.cmpi slt, %add3A_400, %sign3A_406 : i32
        %sign3A_408 = arith.extui %sign3A_407 : i1 to i32
        %sign3A_409 = arith.subi %sign3A_405, %sign3A_408 : i32
        %sign3A_410 = arith.constant 0 : i32
        %sign3A_411 = arith.cmpi sgt, %jit3A_401, %sign3A_410 : i32
        %sign3A_412 = arith.extui %sign3A_411 : i1 to i32
        %sign3A_413 = arith.constant 0 : i32
        %sign3A_414 = arith.cmpi slt, %jit3A_401, %sign3A_413 : i32
        %sign3A_415 = arith.extui %sign3A_414 : i1 to i32
        %sign3A_416 = arith.subi %sign3A_412, %sign3A_415 : i32
        %ne3A_417 = arith.cmpi ne, %sign3A_409, %sign3A_416 : i32
        %rem3A_418 = arith.remsi %add3A_400, %jit3A_401 : i32
        %ne3A_419 = arith.constant 0 : i32
        %ne3A_420 = arith.cmpi ne, %rem3A_418, %ne3A_419 : i32
        %and3A_421 = arith.andi %ne3A_417, %ne3A_420 : i1
        %sub3A_422 = arith.constant 1 : i32
        %sub3A_423 = arith.subi %div3A_402, %sub3A_422 : i32
        %select_n3A_424 = arith.select %and3A_421, %sub3A_423, %div3A_402 : i32
        %rem3A_425 = arith.constant 4 : i32
        %rem3A_426 = arith.remsi %add3A_400, %rem3A_425 : i32
        %mul3A_427 = arith.constant 128 : i32
        %mul3A_428 = arith.muli %rem3A_426, %mul3A_427 : i32
        %dma_start3A_429 = arith.constant 0 : i32
        %dma_start3A_430 = arith.constant 0 : i32
        %dma_start3A_431 = arith.constant 0 : i32
        %dma_start3A_432 = tpu.memref_slice %arg6[%dma_start3A_429, %dma_start3A_430, %dma_start3A_431] : memref<4x128x128xf32, #tpu.memory_space<vmem>> -> memref<1x128x128xf32, #tpu.memory_space<vmem>>
        %dma_start3A_433 = tpu.memref_squeeze %dma_start3A_432 : memref<1x128x128xf32, #tpu.memory_space<vmem>> -> memref<128x128xf32, #tpu.memory_space<vmem>>
        %dma_start3A_434 = tpu.memref_slice %arg5[%select_n3A_424, %mul3A_428] : memref<50x512xi32, #tpu.memory_space<vmem>> -> memref<1x128xi32, #tpu.memory_space<vmem>>
        %dma_start3A_435 = tpu.memref_squeeze %dma_start3A_434 : memref<1x128xi32, #tpu.memory_space<vmem>> -> memref<128xi32, #tpu.memory_space<vmem>>
        %dma_start3A_436 = arith.constant 0 : i32
        %dma_start3A_437 = arith.constant 0 : i32
        %dma_start3A_438 = tpu.memref_slice %arg2[%dma_start3A_436, %dma_start3A_437] : memref<1000000x128xf32, #tpu.memory_space<hbm>> -> memref<1000000x128xf32, #tpu.memory_space<hbm>>
        tpu.enqueue_indirect_dma source(%dma_start3A_438 : memref<1000000x128xf32, #tpu.memory_space<hbm>>) target(%dma_start3A_433 : memref<128x128xf32, #tpu.memory_space<vmem>>) offsets(%dma_start3A_435 : memref<128xi32, #tpu.memory_space<vmem>>) semaphore(%arg8 : memref<!tpu.dma_semaphore, #tpu.memory_space<semaphore_mem>>)
      } else {
      }
      %dma_wait3A_176 = arith.constant 1 : i32
      %dma_wait3A_177 = arith.constant 0 : i32
      %dma_wait3A_178 = arith.constant 0 : i32
      %dma_wait3A_179 = tpu.memref_slice %arg6[%dma_wait3A_176, %dma_wait3A_177, %dma_wait3A_178] : memref<4x128x128xf32, #tpu.memory_space<vmem>> -> memref<1x128x128xf32, #tpu.memory_space<vmem>>
      %dma_wait3A_180 = tpu.memref_squeeze %dma_wait3A_179 : memref<1x128x128xf32, #tpu.memory_space<vmem>> -> memref<128x128xf32, #tpu.memory_space<vmem>>
      %dma_wait3A_181 = arith.constant 0 : i32
      %dma_wait3A_182 = arith.constant 0 : i32
      %dma_wait3A_183 = tpu.memref_slice %arg2[%dma_wait3A_181, %dma_wait3A_182] : memref<1000000x128xf32, #tpu.memory_space<hbm>> -> memref<128x128xf32, #tpu.memory_space<hbm>>
      %dma_wait3A_184 = arith.constant 0 : i32
      %dma_wait3A_185 = arith.constant 0 : i32
      %dma_wait3A_186 = tpu.memref_slice %arg6[%dma_wait3A_176, %dma_wait3A_184, %dma_wait3A_185] : memref<4x128x128xf32, #tpu.memory_space<vmem>> -> memref<1x128x128xf32, #tpu.memory_space<vmem>>
      %dma_wait3A_187 = tpu.memref_squeeze %dma_wait3A_186 : memref<1x128x128xf32, #tpu.memory_space<vmem>> -> memref<128x128xf32, #tpu.memory_space<vmem>>
      %dma_wait3A_188 = arith.constant 0 : i32
      %dma_wait3A_189 = arith.constant 0 : i32
      %dma_wait3A_190 = tpu.memref_slice %arg2[%dma_wait3A_188, %dma_wait3A_189] : memref<1000000x128xf32, #tpu.memory_space<hbm>> -> memref<128x128xf32, #tpu.memory_space<hbm>>
      tpu.wait_dma2 semaphore(%arg9 : memref<!tpu.dma_semaphore, #tpu.memory_space<semaphore_mem>>) src(%dma_wait3A_190 : memref<128x128xf32, #tpu.memory_space<hbm>>) dst(%dma_wait3A_187 : memref<128x128xf32, #tpu.memory_space<vmem>>)
      %jit3A_191 = arith.constant 4 : i32
      %div3A_192 = arith.divsi %add3A_168, %jit3A_191 : i32
      %sign3A_193 = arith.constant 0 : i32
      %sign3A_194 = arith.cmpi sgt, %add3A_168, %sign3A_193 : i32
      %sign3A_195 = arith.extui %sign3A_194 : i1 to i32
      %sign3A_196 = arith.constant 0 : i32
      %sign3A_197 = arith.cmpi slt, %add3A_168, %sign3A_196 : i32
      %sign3A_198 = arith.extui %sign3A_197 : i1 to i32
      %sign3A_199 = arith.subi %sign3A_195, %sign3A_198 : i32
      %sign3A_200 = arith.constant 0 : i32
      %sign3A_201 = arith.cmpi sgt, %jit3A_191, %sign3A_200 : i32
      %sign3A_202 = arith.extui %sign3A_201 : i1 to i32
      %sign3A_203 = arith.constant 0 : i32
      %sign3A_204 = arith.cmpi slt, %jit3A_191, %sign3A_203 : i32
      %sign3A_205 = arith.extui %sign3A_204 : i1 to i32
      %sign3A_206 = arith.subi %sign3A_202, %sign3A_205 : i32
      %ne3A_207 = arith.cmpi ne, %sign3A_199, %sign3A_206 : i32
      %rem3A_208 = arith.remsi %add3A_168, %jit3A_191 : i32
      %ne3A_209 = arith.constant 0 : i32
      %ne3A_210 = arith.cmpi ne, %rem3A_208, %ne3A_209 : i32
      %and3A_211 = arith.andi %ne3A_207, %ne3A_210 : i1
      %sub3A_212 = arith.constant 1 : i32
      %sub3A_213 = arith.subi %div3A_192, %sub3A_212 : i32
      %select_n3A_214 = arith.select %and3A_211, %sub3A_213, %div3A_192 : i32
      %rem3A_215 = arith.constant 4 : i32
      %rem3A_216 = arith.remsi %add3A_168, %rem3A_215 : i32
      %ge3A_217 = arith.constant 2 : i32
      %ge3A_218 = arith.cmpi sge, %add3A_168, %ge3A_217 : i32
      %convert_element_type3A_219 = arith.extui %ge3A_218 : i1 to i32
      %cond3A_220 = arith.constant 0 : i32
      %cond3A_221 = arith.cmpi ne, %convert_element_type3A_219, %cond3A_220 : i32
      scf.if %cond3A_221 {
        %dma_wait3A_399 = arith.constant 1 : i32
        %dma_wait3A_400 = arith.constant 0 : i32
        %dma_wait3A_401 = arith.constant 0 : i32
        %dma_wait3A_402 = tpu.memref_slice %arg7[%dma_wait3A_399, %dma_wait3A_400, %dma_wait3A_401] : memref<2x64x136xf32, #tpu.memory_space<vmem>> -> memref<1x64x128xf32, #tpu.memory_space<vmem>>
        %dma_wait3A_403 = tpu.memref_squeeze %dma_wait3A_402 : memref<1x64x128xf32, #tpu.memory_space<vmem>> -> memref<64x128xf32, #tpu.memory_space<vmem>>
        %dma_wait3A_404 = arith.constant 0 : i32
        %dma_wait3A_405 = arith.constant 0 : i32
        %dma_wait3A_406 = tpu.memref_slice %arg2[%dma_wait3A_404, %dma_wait3A_405] : memref<1000000x128xf32, #tpu.memory_space<hbm>> -> memref<128x128xf32, #tpu.memory_space<hbm>>
        %dma_wait3A_407 = arith.constant 0 : i32
        %dma_wait3A_408 = arith.constant 0 : i32
        %dma_wait3A_409 = tpu.memref_slice %arg7[%dma_wait3A_399, %dma_wait3A_407, %dma_wait3A_408] : memref<2x64x136xf32, #tpu.memory_space<vmem>> -> memref<1x64x128xf32, #tpu.memory_space<vmem>>
        %dma_wait3A_410 = tpu.memref_squeeze %dma_wait3A_409 : memref<1x64x128xf32, #tpu.memory_space<vmem>> -> memref<64x128xf32, #tpu.memory_space<vmem>>
        %dma_wait3A_411 = arith.constant 0 : i32
        %dma_wait3A_412 = arith.constant 0 : i32
        %dma_wait3A_413 = tpu.memref_slice %arg2[%dma_wait3A_411, %dma_wait3A_412] : memref<1000000x128xf32, #tpu.memory_space<hbm>> -> memref<128x128xf32, #tpu.memory_space<hbm>>
        tpu.wait_dma2 semaphore(%arg13 : memref<!tpu.dma_semaphore, #tpu.memory_space<semaphore_mem>>) src(%dma_wait3A_413 : memref<128x128xf32, #tpu.memory_space<hbm>>) dst(%dma_wait3A_410 : memref<64x128xf32, #tpu.memory_space<vmem>>)
      } else {
      }
      %parallel_loop3A_222 = arith.constant 0 : i32
      %parallel_loop3A_223 = arith.constant 128 : i32
      %parallel_loop3A_224 = arith.constant 1 : i32
      scf.for %parallel_loop3A_399 = %parallel_loop3A_222 to %parallel_loop3A_223 step %parallel_loop3A_224  : i32 {
        %parallel_loop3A_400 = vector.broadcast %parallel_loop3A_399 : i32 to vector<16xi32>
        %parallel_loop3A_401 = arith.constant 1 : i32
        %parallel_loop3A_402 = arith.index_cast %parallel_loop3A_401 : i32 to index
        %parallel_loop3A_403 = arith.index_cast %parallel_loop3A_399 : i32 to index
        %parallel_loop3A_404 = arith.constant 0 : index
        %parallel_loop3A_405 = tpu.vector_load %arg6[%parallel_loop3A_402, %parallel_loop3A_403, %parallel_loop3A_404] {strides = array<i32>} : memref<4x128x128xf32, #tpu.memory_space<vmem>>, vector<16xf32>,
        %parallel_loop3A_406 = arith.constant 1 : i32
        %parallel_loop3A_407 = arith.constant 0 : i32
        %parallel_loop3A_408 = arith.constant 0 : i32
        %parallel_loop3A_409 = tpu.memref_slice %arg7[%parallel_loop3A_406, %parallel_loop3A_407, %parallel_loop3A_408] : memref<2x64x136xf32, #tpu.memory_space<vmem>> -> memref<1x64x136xf32, #tpu.memory_space<vmem>>
        %parallel_loop3A_410 = tpu.memref_squeeze %parallel_loop3A_409 : memref<1x64x136xf32, #tpu.memory_space<vmem>> -> memref<64x136xf32, #tpu.memory_space<vmem>>
        tpu.vector_store_idx %parallel_loop3A_410[%add3A_5, %parallel_loop3A_400], %parallel_loop3A_405 : memref<64x136xf32, #tpu.memory_space<vmem>>[vector<16xi32>, vector<16xi32>], vector<16xf32>,
        %parallel_loop3A_411 = arith.constant 1 : i32
        %parallel_loop3A_412 = arith.index_cast %parallel_loop3A_411 : i32 to index
        %parallel_loop3A_413 = arith.index_cast %parallel_loop3A_399 : i32 to index
        %parallel_loop3A_414 = arith.constant 16 : index
        %parallel_loop3A_415 = tpu.vector_load %arg6[%parallel_loop3A_412, %parallel_loop3A_413, %parallel_loop3A_414] {strides = array<i32>} : memref<4x128x128xf32, #tpu.memory_space<vmem>>, vector<16xf32>,
        %parallel_loop3A_416 = arith.constant 1 : i32
        %parallel_loop3A_417 = arith.constant 0 : i32
        %parallel_loop3A_418 = arith.constant 0 : i32
        %parallel_loop3A_419 = tpu.memref_slice %arg7[%parallel_loop3A_416, %parallel_loop3A_417, %parallel_loop3A_418] : memref<2x64x136xf32, #tpu.memory_space<vmem>> -> memref<1x64x136xf32, #tpu.memory_space<vmem>>
        %parallel_loop3A_420 = tpu.memref_squeeze %parallel_loop3A_419 : memref<1x64x136xf32, #tpu.memory_space<vmem>> -> memref<64x136xf32, #tpu.memory_space<vmem>>
        tpu.vector_store_idx %parallel_loop3A_420[%add3A_9, %parallel_loop3A_400], %parallel_loop3A_415 : memref<64x136xf32, #tpu.memory_space<vmem>>[vector<16xi32>, vector<16xi32>], vector<16xf32>,
        %parallel_loop3A_421 = arith.constant 1 : i32
        %parallel_loop3A_422 = arith.index_cast %parallel_loop3A_421 : i32 to index
        %parallel_loop3A_423 = arith.index_cast %parallel_loop3A_399 : i32 to index
        %parallel_loop3A_424 = arith.constant 32 : index
        %parallel_loop3A_425 = tpu.vector_load %arg6[%parallel_loop3A_422, %parallel_loop3A_423, %parallel_loop3A_424] {strides = array<i32>} : memref<4x128x128xf32, #tpu.memory_space<vmem>>, vector<16xf32>,
        %parallel_loop3A_426 = arith.constant 1 : i32
        %parallel_loop3A_427 = arith.constant 0 : i32
        %parallel_loop3A_428 = arith.constant 0 : i32
        %parallel_loop3A_429 = tpu.memref_slice %arg7[%parallel_loop3A_426, %parallel_loop3A_427, %parallel_loop3A_428] : memref<2x64x136xf32, #tpu.memory_space<vmem>> -> memref<1x64x136xf32, #tpu.memory_space<vmem>>
        %parallel_loop3A_430 = tpu.memref_squeeze %parallel_loop3A_429 : memref<1x64x136xf32, #tpu.memory_space<vmem>> -> memref<64x136xf32, #tpu.memory_space<vmem>>
        tpu.vector_store_idx %parallel_loop3A_430[%add3A_13, %parallel_loop3A_400], %parallel_loop3A_425 : memref<64x136xf32, #tpu.memory_space<vmem>>[vector<16xi32>, vector<16xi32>], vector<16xf32>,
        %parallel_loop3A_431 = arith.constant 1 : i32
        %parallel_loop3A_432 = arith.index_cast %parallel_loop3A_431 : i32 to index
        %parallel_loop3A_433 = arith.index_cast %parallel_loop3A_399 : i32 to index
        %parallel_loop3A_434 = arith.constant 48 : index
        %parallel_loop3A_435 = tpu.vector_load %arg6[%parallel_loop3A_432, %parallel_loop3A_433, %parallel_loop3A_434] {strides = array<i32>} : memref<4x128x128xf32, #tpu.memory_space<vmem>>, vector<16xf32>,
        %parallel_loop3A_436 = arith.constant 1 : i32
        %parallel_loop3A_437 = arith.constant 0 : i32
        %parallel_loop3A_438 = arith.constant 0 : i32
        %parallel_loop3A_439 = tpu.memref_slice %arg7[%parallel_loop3A_436, %parallel_loop3A_437, %parallel_loop3A_438] : memref<2x64x136xf32, #tpu.memory_space<vmem>> -> memref<1x64x136xf32, #tpu.memory_space<vmem>>
        %parallel_loop3A_440 = tpu.memref_squeeze %parallel_loop3A_439 : memref<1x64x136xf32, #tpu.memory_space<vmem>> -> memref<64x136xf32, #tpu.memory_space<vmem>>
        tpu.vector_store_idx %parallel_loop3A_440[%add3A_17, %parallel_loop3A_400], %parallel_loop3A_435 : memref<64x136xf32, #tpu.memory_space<vmem>>[vector<16xi32>, vector<16xi32>], vector<16xf32>,
      } {sc.loop_unroll_factor = 16 : i64, sc.parallel_access}
      %mul3A_225 = arith.constant 128 : i32
      %mul3A_226 = arith.muli %rem3A_216, %mul3A_225 : i32
      %add3A_227 = arith.addi %mul3A_2, %mul3A_226 : i32
      %dma_start3A_228 = arith.constant 1 : i32
      %dma_start3A_229 = arith.constant 0 : i32
      %dma_start3A_230 = arith.constant 0 : i32
      %dma_start3A_231 = tpu.memref_slice %arg7[%dma_start3A_228, %dma_start3A_229, %dma_start3A_230] : memref<2x64x136xf32, #tpu.memory_space<vmem>> -> memref<1x64x128xf32, #tpu.memory_space<vmem>>
      %dma_start3A_232 = tpu.memref_squeeze %dma_start3A_231 : memref<1x64x128xf32, #tpu.memory_space<vmem>> -> memref<64x128xf32, #tpu.memory_space<vmem>>
      %dma_start3A_233 = arith.constant 0 : i32
      %dma_start3A_234 = tpu.memref_slice %arg4[%select_n3A_214, %dma_start3A_233, %add3A_227] : memref<50x64x16384xf32, #tpu.memory_space<hbm>> -> memref<1x64x128xf32, #tpu.memory_space<hbm>>
      %dma_start3A_235 = tpu.memref_squeeze %dma_start3A_234 : memref<1x64x128xf32, #tpu.memory_space<hbm>> -> memref<64x128xf32, #tpu.memory_space<hbm>>
      %dma_start3A_236 = arith.constant 0 : i32
      %dma_start3A_237 = tpu.memref_slice %arg4[%select_n3A_214, %dma_start3A_236, %add3A_227] : memref<50x64x16384xf32, #tpu.memory_space<hbm>> -> memref<1x64x128xf32, #tpu.memory_space<hbm>>
      %dma_start3A_238 = tpu.memref_squeeze %dma_start3A_237 : memref<1x64x128xf32, #tpu.memory_space<hbm>> -> memref<64x128xf32, #tpu.memory_space<hbm>>
      %dma_start3A_239 = arith.constant 0 : i32
      %dma_start3A_240 = arith.constant 0 : i32
      %dma_start3A_241 = tpu.memref_slice %arg7[%dma_start3A_228, %dma_start3A_239, %dma_start3A_240] : memref<2x64x136xf32, #tpu.memory_space<vmem>> -> memref<1x64x128xf32, #tpu.memory_space<vmem>>
      %dma_start3A_242 = tpu.memref_squeeze %dma_start3A_241 : memref<1x64x128xf32, #tpu.memory_space<vmem>> -> memref<64x128xf32, #tpu.memory_space<vmem>>
      tpu.enqueue_dma source(%dma_start3A_242 : memref<64x128xf32, #tpu.memory_space<vmem>>) target(%dma_start3A_238 : memref<64x128xf32, #tpu.memory_space<hbm>>) target_semaphore(%arg13 : memref<!tpu.dma_semaphore, #tpu.memory_space<semaphore_mem>>)
      %mul3A_243 = arith.constant 4 : i32
      %mul3A_244 = arith.muli %mul3A_243, %scan3A_98 : i32
      %add3A_245 = arith.constant 2 : i32
      %add3A_246 = arith.addi %mul3A_244, %add3A_245 : i32
      %add3A_247 = arith.constant 3 : i32
      %add3A_248 = arith.addi %add3A_246, %add3A_247 : i32
      %lt3A_249 = arith.constant 200 : i32
      %lt3A_250 = arith.cmpi slt, %add3A_248, %lt3A_249 : i32
      %convert_element_type3A_251 = arith.extui %lt3A_250 : i1 to i32
      %cond3A_252 = arith.constant 0 : i32
      %cond3A_253 = arith.cmpi ne, %convert_element_type3A_251, %cond3A_252 : i32
      scf.if %cond3A_253 {
        %add3A_399 = arith.constant 3 : i32
        %add3A_400 = arith.addi %add3A_246, %add3A_399 : i32
        %jit3A_401 = arith.constant 4 : i32
        %div3A_402 = arith.divsi %add3A_400, %jit3A_401 : i32
        %sign3A_403 = arith.constant 0 : i32
        %sign3A_404 = arith.cmpi sgt, %add3A_400, %sign3A_403 : i32
        %sign3A_405 = arith.extui %sign3A_404 : i1 to i32
        %sign3A_406 = arith.constant 0 : i32
        %sign3A_407 = arith.cmpi slt, %add3A_400, %sign3A_406 : i32
        %sign3A_408 = arith.extui %sign3A_407 : i1 to i32
        %sign3A_409 = arith.subi %sign3A_405, %sign3A_408 : i32
        %sign3A_410 = arith.constant 0 : i32
        %sign3A_411 = arith.cmpi sgt, %jit3A_401, %sign3A_410 : i32
        %sign3A_412 = arith.extui %sign3A_411 : i1 to i32
        %sign3A_413 = arith.constant 0 : i32
        %sign3A_414 = arith.cmpi slt, %jit3A_401, %sign3A_413 : i32
        %sign3A_415 = arith.extui %sign3A_414 : i1 to i32
        %sign3A_416 = arith.subi %sign3A_412, %sign3A_415 : i32
        %ne3A_417 = arith.cmpi ne, %sign3A_409, %sign3A_416 : i32
        %rem3A_418 = arith.remsi %add3A_400, %jit3A_401 : i32
        %ne3A_419 = arith.constant 0 : i32
        %ne3A_420 = arith.cmpi ne, %rem3A_418, %ne3A_419 : i32
        %and3A_421 = arith.andi %ne3A_417, %ne3A_420 : i1
        %sub3A_422 = arith.constant 1 : i32
        %sub3A_423 = arith.subi %div3A_402, %sub3A_422 : i32
        %select_n3A_424 = arith.select %and3A_421, %sub3A_423, %div3A_402 : i32
        %rem3A_425 = arith.constant 4 : i32
        %rem3A_426 = arith.remsi %add3A_400, %rem3A_425 : i32
        %mul3A_427 = arith.constant 128 : i32
        %mul3A_428 = arith.muli %rem3A_426, %mul3A_427 : i32
        %dma_start3A_429 = arith.constant 1 : i32
        %dma_start3A_430 = arith.constant 0 : i32
        %dma_start3A_431 = arith.constant 0 : i32
        %dma_start3A_432 = tpu.memref_slice %arg6[%dma_start3A_429, %dma_start3A_430, %dma_start3A_431] : memref<4x128x128xf32, #tpu.memory_space<vmem>> -> memref<1x128x128xf32, #tpu.memory_space<vmem>>
        %dma_start3A_433 = tpu.memref_squeeze %dma_start3A_432 : memref<1x128x128xf32, #tpu.memory_space<vmem>> -> memref<128x128xf32, #tpu.memory_space<vmem>>
        %dma_start3A_434 = tpu.memref_slice %arg5[%select_n3A_424, %mul3A_428] : memref<50x512xi32, #tpu.memory_space<vmem>> -> memref<1x128xi32, #tpu.memory_space<vmem>>
        %dma_start3A_435 = tpu.memref_squeeze %dma_start3A_434 : memref<1x128xi32, #tpu.memory_space<vmem>> -> memref<128xi32, #tpu.memory_space<vmem>>
        %dma_start3A_436 = arith.constant 0 : i32
        %dma_start3A_437 = arith.constant 0 : i32
        %dma_start3A_438 = tpu.memref_slice %arg2[%dma_start3A_436, %dma_start3A_437] : memref<1000000x128xf32, #tpu.memory_space<hbm>> -> memref<1000000x128xf32, #tpu.memory_space<hbm>>
        tpu.enqueue_indirect_dma source(%dma_start3A_438 : memref<1000000x128xf32, #tpu.memory_space<hbm>>) target(%dma_start3A_433 : memref<128x128xf32, #tpu.memory_space<vmem>>) offsets(%dma_start3A_435 : memref<128xi32, #tpu.memory_space<vmem>>) semaphore(%arg9 : memref<!tpu.dma_semaphore, #tpu.memory_space<semaphore_mem>>)
      } else {
      }
      %dma_wait3A_254 = arith.constant 2 : i32
      %dma_wait3A_255 = arith.constant 0 : i32
      %dma_wait3A_256 = arith.constant 0 : i32
      %dma_wait3A_257 = tpu.memref_slice %arg6[%dma_wait3A_254, %dma_wait3A_255, %dma_wait3A_256] : memref<4x128x128xf32, #tpu.memory_space<vmem>> -> memref<1x128x128xf32, #tpu.memory_space<vmem>>
      %dma_wait3A_258 = tpu.memref_squeeze %dma_wait3A_257 : memref<1x128x128xf32, #tpu.memory_space<vmem>> -> memref<128x128xf32, #tpu.memory_space<vmem>>
      %dma_wait3A_259 = arith.constant 0 : i32
      %dma_wait3A_260 = arith.constant 0 : i32
      %dma_wait3A_261 = tpu.memref_slice %arg2[%dma_wait3A_259, %dma_wait3A_260] : memref<1000000x128xf32, #tpu.memory_space<hbm>> -> memref<128x128xf32, #tpu.memory_space<hbm>>
      %dma_wait3A_262 = arith.constant 0 : i32
      %dma_wait3A_263 = arith.constant 0 : i32
      %dma_wait3A_264 = tpu.memref_slice %arg6[%dma_wait3A_254, %dma_wait3A_262, %dma_wait3A_263] : memref<4x128x128xf32, #tpu.memory_space<vmem>> -> memref<1x128x128xf32, #tpu.memory_space<vmem>>
      %dma_wait3A_265 = tpu.memref_squeeze %dma_wait3A_264 : memref<1x128x128xf32, #tpu.memory_space<vmem>> -> memref<128x128xf32, #tpu.memory_space<vmem>>
      %dma_wait3A_266 = arith.constant 0 : i32
      %dma_wait3A_267 = arith.constant 0 : i32
      %dma_wait3A_268 = tpu.memref_slice %arg2[%dma_wait3A_266, %dma_wait3A_267] : memref<1000000x128xf32, #tpu.memory_space<hbm>> -> memref<128x128xf32, #tpu.memory_space<hbm>>
      tpu.wait_dma2 semaphore(%arg10 : memref<!tpu.dma_semaphore, #tpu.memory_space<semaphore_mem>>) src(%dma_wait3A_268 : memref<128x128xf32, #tpu.memory_space<hbm>>) dst(%dma_wait3A_265 : memref<128x128xf32, #tpu.memory_space<vmem>>)
      %jit3A_269 = arith.constant 4 : i32
      %div3A_270 = arith.divsi %add3A_246, %jit3A_269 : i32
      %sign3A_271 = arith.constant 0 : i32
      %sign3A_272 = arith.cmpi sgt, %add3A_246, %sign3A_271 : i32
      %sign3A_273 = arith.extui %sign3A_272 : i1 to i32
      %sign3A_274 = arith.constant 0 : i32
      %sign3A_275 = arith.cmpi slt, %add3A_246, %sign3A_274 : i32
      %sign3A_276 = arith.extui %sign3A_275 : i1 to i32
      %sign3A_277 = arith.subi %sign3A_273, %sign3A_276 : i32
      %sign3A_278 = arith.constant 0 : i32
      %sign3A_279 = arith.cmpi sgt, %jit3A_269, %sign3A_278 : i32
      %sign3A_280 = arith.extui %sign3A_279 : i1 to i32
      %sign3A_281 = arith.constant 0 : i32
      %sign3A_282 = arith.cmpi slt, %jit3A_269, %sign3A_281 : i32
      %sign3A_283 = arith.extui %sign3A_282 : i1 to i32
      %sign3A_284 = arith.subi %sign3A_280, %sign3A_283 : i32
      %ne3A_285 = arith.cmpi ne, %sign3A_277, %sign3A_284 : i32
      %rem3A_286 = arith.remsi %add3A_246, %jit3A_269 : i32
      %ne3A_287 = arith.constant 0 : i32
      %ne3A_288 = arith.cmpi ne, %rem3A_286, %ne3A_287 : i32
      %and3A_289 = arith.andi %ne3A_285, %ne3A_288 : i1
      %sub3A_290 = arith.constant 1 : i32
      %sub3A_291 = arith.subi %div3A_270, %sub3A_290 : i32
      %select_n3A_292 = arith.select %and3A_289, %sub3A_291, %div3A_270 : i32
      %rem3A_293 = arith.constant 4 : i32
      %rem3A_294 = arith.remsi %add3A_246, %rem3A_293 : i32
      %ge3A_295 = arith.constant 2 : i32
      %ge3A_296 = arith.cmpi sge, %add3A_246, %ge3A_295 : i32
      %convert_element_type3A_297 = arith.extui %ge3A_296 : i1 to i32
      %cond3A_298 = arith.constant 0 : i32
      %cond3A_299 = arith.cmpi ne, %convert_element_type3A_297, %cond3A_298 : i32
      scf.if %cond3A_299 {
        %dma_wait3A_399 = arith.constant 0 : i32
        %dma_wait3A_400 = arith.constant 0 : i32
        %dma_wait3A_401 = arith.constant 0 : i32
        %dma_wait3A_402 = tpu.memref_slice %arg7[%dma_wait3A_399, %dma_wait3A_400, %dma_wait3A_401] : memref<2x64x136xf32, #tpu.memory_space<vmem>> -> memref<1x64x128xf32, #tpu.memory_space<vmem>>
        %dma_wait3A_403 = tpu.memref_squeeze %dma_wait3A_402 : memref<1x64x128xf32, #tpu.memory_space<vmem>> -> memref<64x128xf32, #tpu.memory_space<vmem>>
        %dma_wait3A_404 = arith.constant 0 : i32
        %dma_wait3A_405 = arith.constant 0 : i32
        %dma_wait3A_406 = tpu.memref_slice %arg2[%dma_wait3A_404, %dma_wait3A_405] : memref<1000000x128xf32, #tpu.memory_space<hbm>> -> memref<128x128xf32, #tpu.memory_space<hbm>>
        %dma_wait3A_407 = arith.constant 0 : i32
        %dma_wait3A_408 = arith.constant 0 : i32
        %dma_wait3A_409 = tpu.memref_slice %arg7[%dma_wait3A_399, %dma_wait3A_407, %dma_wait3A_408] : memref<2x64x136xf32, #tpu.memory_space<vmem>> -> memref<1x64x128xf32, #tpu.memory_space<vmem>>
        %dma_wait3A_410 = tpu.memref_squeeze %dma_wait3A_409 : memref<1x64x128xf32, #tpu.memory_space<vmem>> -> memref<64x128xf32, #tpu.memory_space<vmem>>
        %dma_wait3A_411 = arith.constant 0 : i32
        %dma_wait3A_412 = arith.constant 0 : i32
        %dma_wait3A_413 = tpu.memref_slice %arg2[%dma_wait3A_411, %dma_wait3A_412] : memref<1000000x128xf32, #tpu.memory_space<hbm>> -> memref<128x128xf32, #tpu.memory_space<hbm>>
        tpu.wait_dma2 semaphore(%arg12 : memref<!tpu.dma_semaphore, #tpu.memory_space<semaphore_mem>>) src(%dma_wait3A_413 : memref<128x128xf32, #tpu.memory_space<hbm>>) dst(%dma_wait3A_410 : memref<64x128xf32, #tpu.memory_space<vmem>>)
      } else {
      }
      %parallel_loop3A_300 = arith.constant 0 : i32
      %parallel_loop3A_301 = arith.constant 128 : i32
      %parallel_loop3A_302 = arith.constant 1 : i32
      scf.for %parallel_loop3A_399 = %parallel_loop3A_300 to %parallel_loop3A_301 step %parallel_loop3A_302  : i32 {
        %parallel_loop3A_400 = vector.broadcast %parallel_loop3A_399 : i32 to vector<16xi32>
        %parallel_loop3A_401 = arith.constant 2 : i32
        %parallel_loop3A_402 = arith.index_cast %parallel_loop3A_401 : i32 to index
        %parallel_loop3A_403 = arith.index_cast %parallel_loop3A_399 : i32 to index
        %parallel_loop3A_404 = arith.constant 0 : index
        %parallel_loop3A_405 = tpu.vector_load %arg6[%parallel_loop3A_402, %parallel_loop3A_403, %parallel_loop3A_404] {strides = array<i32>} : memref<4x128x128xf32, #tpu.memory_space<vmem>>, vector<16xf32>,
        %parallel_loop3A_406 = arith.constant 0 : i32
        %parallel_loop3A_407 = arith.constant 0 : i32
        %parallel_loop3A_408 = arith.constant 0 : i32
        %parallel_loop3A_409 = tpu.memref_slice %arg7[%parallel_loop3A_406, %parallel_loop3A_407, %parallel_loop3A_408] : memref<2x64x136xf32, #tpu.memory_space<vmem>> -> memref<1x64x136xf32, #tpu.memory_space<vmem>>
        %parallel_loop3A_410 = tpu.memref_squeeze %parallel_loop3A_409 : memref<1x64x136xf32, #tpu.memory_space<vmem>> -> memref<64x136xf32, #tpu.memory_space<vmem>>
        tpu.vector_store_idx %parallel_loop3A_410[%add3A_5, %parallel_loop3A_400], %parallel_loop3A_405 : memref<64x136xf32, #tpu.memory_space<vmem>>[vector<16xi32>, vector<16xi32>], vector<16xf32>,
        %parallel_loop3A_411 = arith.constant 2 : i32
        %parallel_loop3A_412 = arith.index_cast %parallel_loop3A_411 : i32 to index
        %parallel_loop3A_413 = arith.index_cast %parallel_loop3A_399 : i32 to index
        %parallel_loop3A_414 = arith.constant 16 : index
        %parallel_loop3A_415 = tpu.vector_load %arg6[%parallel_loop3A_412, %parallel_loop3A_413, %parallel_loop3A_414] {strides = array<i32>} : memref<4x128x128xf32, #tpu.memory_space<vmem>>, vector<16xf32>,
        %parallel_loop3A_416 = arith.constant 0 : i32
        %parallel_loop3A_417 = arith.constant 0 : i32
        %parallel_loop3A_418 = arith.constant 0 : i32
        %parallel_loop3A_419 = tpu.memref_slice %arg7[%parallel_loop3A_416, %parallel_loop3A_417, %parallel_loop3A_418] : memref<2x64x136xf32, #tpu.memory_space<vmem>> -> memref<1x64x136xf32, #tpu.memory_space<vmem>>
        %parallel_loop3A_420 = tpu.memref_squeeze %parallel_loop3A_419 : memref<1x64x136xf32, #tpu.memory_space<vmem>> -> memref<64x136xf32, #tpu.memory_space<vmem>>
        tpu.vector_store_idx %parallel_loop3A_420[%add3A_9, %parallel_loop3A_400], %parallel_loop3A_415 : memref<64x136xf32, #tpu.memory_space<vmem>>[vector<16xi32>, vector<16xi32>], vector<16xf32>,
        %parallel_loop3A_421 = arith.constant 2 : i32
        %parallel_loop3A_422 = arith.index_cast %parallel_loop3A_421 : i32 to index
        %parallel_loop3A_423 = arith.index_cast %parallel_loop3A_399 : i32 to index
        %parallel_loop3A_424 = arith.constant 32 : index
        %parallel_loop3A_425 = tpu.vector_load %arg6[%parallel_loop3A_422, %parallel_loop3A_423, %parallel_loop3A_424] {strides = array<i32>} : memref<4x128x128xf32, #tpu.memory_space<vmem>>, vector<16xf32>,
        %parallel_loop3A_426 = arith.constant 0 : i32
        %parallel_loop3A_427 = arith.constant 0 : i32
        %parallel_loop3A_428 = arith.constant 0 : i32
        %parallel_loop3A_429 = tpu.memref_slice %arg7[%parallel_loop3A_426, %parallel_loop3A_427, %parallel_loop3A_428] : memref<2x64x136xf32, #tpu.memory_space<vmem>> -> memref<1x64x136xf32, #tpu.memory_space<vmem>>
        %parallel_loop3A_430 = tpu.memref_squeeze %parallel_loop3A_429 : memref<1x64x136xf32, #tpu.memory_space<vmem>> -> memref<64x136xf32, #tpu.memory_space<vmem>>
        tpu.vector_store_idx %parallel_loop3A_430[%add3A_13, %parallel_loop3A_400], %parallel_loop3A_425 : memref<64x136xf32, #tpu.memory_space<vmem>>[vector<16xi32>, vector<16xi32>], vector<16xf32>,
        %parallel_loop3A_431 = arith.constant 2 : i32
        %parallel_loop3A_432 = arith.index_cast %parallel_loop3A_431 : i32 to index
        %parallel_loop3A_433 = arith.index_cast %parallel_loop3A_399 : i32 to index
        %parallel_loop3A_434 = arith.constant 48 : index
        %parallel_loop3A_435 = tpu.vector_load %arg6[%parallel_loop3A_432, %parallel_loop3A_433, %parallel_loop3A_434] {strides = array<i32>} : memref<4x128x128xf32, #tpu.memory_space<vmem>>, vector<16xf32>,
        %parallel_loop3A_436 = arith.constant 0 : i32
        %parallel_loop3A_437 = arith.constant 0 : i32
        %parallel_loop3A_438 = arith.constant 0 : i32
        %parallel_loop3A_439 = tpu.memref_slice %arg7[%parallel_loop3A_436, %parallel_loop3A_437, %parallel_loop3A_438] : memref<2x64x136xf32, #tpu.memory_space<vmem>> -> memref<1x64x136xf32, #tpu.memory_space<vmem>>
        %parallel_loop3A_440 = tpu.memref_squeeze %parallel_loop3A_439 : memref<1x64x136xf32, #tpu.memory_space<vmem>> -> memref<64x136xf32, #tpu.memory_space<vmem>>
        tpu.vector_store_idx %parallel_loop3A_440[%add3A_17, %parallel_loop3A_400], %parallel_loop3A_435 : memref<64x136xf32, #tpu.memory_space<vmem>>[vector<16xi32>, vector<16xi32>], vector<16xf32>,
      } {sc.loop_unroll_factor = 16 : i64, sc.parallel_access}
      %mul3A_303 = arith.constant 128 : i32
      %mul3A_304 = arith.muli %rem3A_294, %mul3A_303 : i32
      %add3A_305 = arith.addi %mul3A_2, %mul3A_304 : i32
      %dma_start3A_306 = arith.constant 0 : i32
      %dma_start3A_307 = arith.constant 0 : i32
      %dma_start3A_308 = arith.constant 0 : i32
      %dma_start3A_309 = tpu.memref_slice %arg7[%dma_start3A_306, %dma_start3A_307, %dma_start3A_308] : memref<2x64x136xf32, #tpu.memory_space<vmem>> -> memref<1x64x128xf32, #tpu.memory_space<vmem>>
      %dma_start3A_310 = tpu.memref_squeeze %dma_start3A_309 : memref<1x64x128xf32, #tpu.memory_space<vmem>> -> memref<64x128xf32, #tpu.memory_space<vmem>>
      %dma_start3A_311 = arith.constant 0 : i32
      %dma_start3A_312 = tpu.memref_slice %arg4[%select_n3A_292, %dma_start3A_311, %add3A_305] : memref<50x64x16384xf32, #tpu.memory_space<hbm>> -> memref<1x64x128xf32, #tpu.memory_space<hbm>>
      %dma_start3A_313 = tpu.memref_squeeze %dma_start3A_312 : memref<1x64x128xf32, #tpu.memory_space<hbm>> -> memref<64x128xf32, #tpu.memory_space<hbm>>
      %dma_start3A_314 = arith.constant 0 : i32
      %dma_start3A_315 = tpu.memref_slice %arg4[%select_n3A_292, %dma_start3A_314, %add3A_305] : memref<50x64x16384xf32, #tpu.memory_space<hbm>> -> memref<1x64x128xf32, #tpu.memory_space<hbm>>
      %dma_start3A_316 = tpu.memref_squeeze %dma_start3A_315 : memref<1x64x128xf32, #tpu.memory_space<hbm>> -> memref<64x128xf32, #tpu.memory_space<hbm>>
      %dma_start3A_317 = arith.constant 0 : i32
      %dma_start3A_318 = arith.constant 0 : i32
      %dma_start3A_319 = tpu.memref_slice %arg7[%dma_start3A_306, %dma_start3A_317, %dma_start3A_318] : memref<2x64x136xf32, #tpu.memory_space<vmem>> -> memref<1x64x128xf32, #tpu.memory_space<vmem>>
      %dma_start3A_320 = tpu.memref_squeeze %dma_start3A_319 : memref<1x64x128xf32, #tpu.memory_space<vmem>> -> memref<64x128xf32, #tpu.memory_space<vmem>>
      tpu.enqueue_dma source(%dma_start3A_320 : memref<64x128xf32, #tpu.memory_space<vmem>>) target(%dma_start3A_316 : memref<64x128xf32, #tpu.memory_space<hbm>>) target_semaphore(%arg12 : memref<!tpu.dma_semaphore, #tpu.memory_space<semaphore_mem>>)
      %mul3A_321 = arith.constant 4 : i32
      %mul3A_322 = arith.muli %mul3A_321, %scan3A_98 : i32
      %add3A_323 = arith.constant 3 : i32
      %add3A_324 = arith.addi %mul3A_322, %add3A_323 : i32
      %add3A_325 = arith.constant 3 : i32
      %add3A_326 = arith.addi %add3A_324, %add3A_325 : i32
      %lt3A_327 = arith.constant 200 : i32
      %lt3A_328 = arith.cmpi slt, %add3A_326, %lt3A_327 : i32
      %convert_element_type3A_329 = arith.extui %lt3A_328 : i1 to i32
      %cond3A_330 = arith.constant 0 : i32
      %cond3A_331 = arith.cmpi ne, %convert_element_type3A_329, %cond3A_330 : i32
      scf.if %cond3A_331 {
        %add3A_399 = arith.constant 3 : i32
        %add3A_400 = arith.addi %add3A_324, %add3A_399 : i32
        %jit3A_401 = arith.constant 4 : i32
        %div3A_402 = arith.divsi %add3A_400, %jit3A_401 : i32
        %sign3A_403 = arith.constant 0 : i32
        %sign3A_404 = arith.cmpi sgt, %add3A_400, %sign3A_403 : i32
        %sign3A_405 = arith.extui %sign3A_404 : i1 to i32
        %sign3A_406 = arith.constant 0 : i32
        %sign3A_407 = arith.cmpi slt, %add3A_400, %sign3A_406 : i32
        %sign3A_408 = arith.extui %sign3A_407 : i1 to i32
        %sign3A_409 = arith.subi %sign3A_405, %sign3A_408 : i32
        %sign3A_410 = arith.constant 0 : i32
        %sign3A_411 = arith.cmpi sgt, %jit3A_401, %sign3A_410 : i32
        %sign3A_412 = arith.extui %sign3A_411 : i1 to i32
        %sign3A_413 = arith.constant 0 : i32
        %sign3A_414 = arith.cmpi slt, %jit3A_401, %sign3A_413 : i32
        %sign3A_415 = arith.extui %sign3A_414 : i1 to i32
        %sign3A_416 = arith.subi %sign3A_412, %sign3A_415 : i32
        %ne3A_417 = arith.cmpi ne, %sign3A_409, %sign3A_416 : i32
        %rem3A_418 = arith.remsi %add3A_400, %jit3A_401 : i32
        %ne3A_419 = arith.constant 0 : i32
        %ne3A_420 = arith.cmpi ne, %rem3A_418, %ne3A_419 : i32
        %and3A_421 = arith.andi %ne3A_417, %ne3A_420 : i1
        %sub3A_422 = arith.constant 1 : i32
        %sub3A_423 = arith.subi %div3A_402, %sub3A_422 : i32
        %select_n3A_424 = arith.select %and3A_421, %sub3A_423, %div3A_402 : i32
        %rem3A_425 = arith.constant 4 : i32
        %rem3A_426 = arith.remsi %add3A_400, %rem3A_425 : i32
        %mul3A_427 = arith.constant 128 : i32
        %mul3A_428 = arith.muli %rem3A_426, %mul3A_427 : i32
        %dma_start3A_429 = arith.constant 2 : i32
        %dma_start3A_430 = arith.constant 0 : i32
        %dma_start3A_431 = arith.constant 0 : i32
        %dma_start3A_432 = tpu.memref_slice %arg6[%dma_start3A_429, %dma_start3A_430, %dma_start3A_431] : memref<4x128x128xf32, #tpu.memory_space<vmem>> -> memref<1x128x128xf32, #tpu.memory_space<vmem>>
        %dma_start3A_433 = tpu.memref_squeeze %dma_start3A_432 : memref<1x128x128xf32, #tpu.memory_space<vmem>> -> memref<128x128xf32, #tpu.memory_space<vmem>>
        %dma_start3A_434 = tpu.memref_slice %arg5[%select_n3A_424, %mul3A_428] : memref<50x512xi32, #tpu.memory_space<vmem>> -> memref<1x128xi32, #tpu.memory_space<vmem>>
        %dma_start3A_435 = tpu.memref_squeeze %dma_start3A_434 : memref<1x128xi32, #tpu.memory_space<vmem>> -> memref<128xi32, #tpu.memory_space<vmem>>
        %dma_start3A_436 = arith.constant 0 : i32
        %dma_start3A_437 = arith.constant 0 : i32
        %dma_start3A_438 = tpu.memref_slice %arg2[%dma_start3A_436, %dma_start3A_437] : memref<1000000x128xf32, #tpu.memory_space<hbm>> -> memref<1000000x128xf32, #tpu.memory_space<hbm>>
        tpu.enqueue_indirect_dma source(%dma_start3A_438 : memref<1000000x128xf32, #tpu.memory_space<hbm>>) target(%dma_start3A_433 : memref<128x128xf32, #tpu.memory_space<vmem>>) offsets(%dma_start3A_435 : memref<128xi32, #tpu.memory_space<vmem>>) semaphore(%arg10 : memref<!tpu.dma_semaphore, #tpu.memory_space<semaphore_mem>>)
      } else {
      }
      %dma_wait3A_332 = arith.constant 3 : i32
      %dma_wait3A_333 = arith.constant 0 : i32
      %dma_wait3A_334 = arith.constant 0 : i32
      %dma_wait3A_335 = tpu.memref_slice %arg6[%dma_wait3A_332, %dma_wait3A_333, %dma_wait3A_334] : memref<4x128x128xf32, #tpu.memory_space<vmem>> -> memref<1x128x128xf32, #tpu.memory_space<vmem>>
      %dma_wait3A_336 = tpu.memref_squeeze %dma_wait3A_335 : memref<1x128x128xf32, #tpu.memory_space<vmem>> -> memref<128x128xf32, #tpu.memory_space<vmem>>
      %dma_wait3A_337 = arith.constant 0 : i32
      %dma_wait3A_338 = arith.constant 0 : i32
      %dma_wait3A_339 = tpu.memref_slice %arg2[%dma_wait3A_337, %dma_wait3A_338] : memref<1000000x128xf32, #tpu.memory_space<hbm>> -> memref<128x128xf32, #tpu.memory_space<hbm>>
      %dma_wait3A_340 = arith.constant 0 : i32
      %dma_wait3A_341 = arith.constant 0 : i32
      %dma_wait3A_342 = tpu.memref_slice %arg6[%dma_wait3A_332, %dma_wait3A_340, %dma_wait3A_341] : memref<4x128x128xf32, #tpu.memory_space<vmem>> -> memref<1x128x128xf32, #tpu.memory_space<vmem>>
      %dma_wait3A_343 = tpu.memref_squeeze %dma_wait3A_342 : memref<1x128x128xf32, #tpu.memory_space<vmem>> -> memref<128x128xf32, #tpu.memory_space<vmem>>
      %dma_wait3A_344 = arith.constant 0 : i32
      %dma_wait3A_345 = arith.constant 0 : i32
      %dma_wait3A_346 = tpu.memref_slice %arg2[%dma_wait3A_344, %dma_wait3A_345] : memref<1000000x128xf32, #tpu.memory_space<hbm>> -> memref<128x128xf32, #tpu.memory_space<hbm>>
      tpu.wait_dma2 semaphore(%arg11 : memref<!tpu.dma_semaphore, #tpu.memory_space<semaphore_mem>>) src(%dma_wait3A_346 : memref<128x128xf32, #tpu.memory_space<hbm>>) dst(%dma_wait3A_343 : memref<128x128xf32, #tpu.memory_space<vmem>>)
      %jit3A_347 = arith.constant 4 : i32
      %div3A_348 = arith.divsi %add3A_324, %jit3A_347 : i32
      %sign3A_349 = arith.constant 0 : i32
      %sign3A_350 = arith.cmpi sgt, %add3A_324, %sign3A_349 : i32
      %sign3A_351 = arith.extui %sign3A_350 : i1 to i32
      %sign3A_352 = arith.constant 0 : i32
      %sign3A_353 = arith.cmpi slt, %add3A_324, %sign3A_352 : i32
      %sign3A_354 = arith.extui %sign3A_353 : i1 to i32
      %sign3A_355 = arith.subi %sign3A_351, %sign3A_354 : i32
      %sign3A_356 = arith.constant 0 : i32
      %sign3A_357 = arith.cmpi sgt, %jit3A_347, %sign3A_356 : i32
      %sign3A_358 = arith.extui %sign3A_357 : i1 to i32
      %sign3A_359 = arith.constant 0 : i32
      %sign3A_360 = arith.cmpi slt, %jit3A_347, %sign3A_359 : i32
      %sign3A_361 = arith.extui %sign3A_360 : i1 to i32
      %sign3A_362 = arith.subi %sign3A_358, %sign3A_361 : i32
      %ne3A_363 = arith.cmpi ne, %sign3A_355, %sign3A_362 : i32
      %rem3A_364 = arith.remsi %add3A_324, %jit3A_347 : i32
      %ne3A_365 = arith.constant 0 : i32
      %ne3A_366 = arith.cmpi ne, %rem3A_364, %ne3A_365 : i32
      %and3A_367 = arith.andi %ne3A_363, %ne3A_366 : i1
      %sub3A_368 = arith.constant 1 : i32
      %sub3A_369 = arith.subi %div3A_348, %sub3A_368 : i32
      %select_n3A_370 = arith.select %and3A_367, %sub3A_369, %div3A_348 : i32
      %rem3A_371 = arith.constant 4 : i32
      %rem3A_372 = arith.remsi %add3A_324, %rem3A_371 : i32
      %ge3A_373 = arith.constant 2 : i32
      %ge3A_374 = arith.cmpi sge, %add3A_324, %ge3A_373 : i32
      %convert_element_type3A_375 = arith.extui %ge3A_374 : i1 to i32
      %cond3A_376 = arith.constant 0 : i32
      %cond3A_377 = arith.cmpi ne, %convert_element_type3A_375, %cond3A_376 : i32
      scf.if %cond3A_377 {
        %dma_wait3A_399 = arith.constant 1 : i32
        %dma_wait3A_400 = arith.constant 0 : i32
        %dma_wait3A_401 = arith.constant 0 : i32
        %dma_wait3A_402 = tpu.memref_slice %arg7[%dma_wait3A_399, %dma_wait3A_400, %dma_wait3A_401] : memref<2x64x136xf32, #tpu.memory_space<vmem>> -> memref<1x64x128xf32, #tpu.memory_space<vmem>>
        %dma_wait3A_403 = tpu.memref_squeeze %dma_wait3A_402 : memref<1x64x128xf32, #tpu.memory_space<vmem>> -> memref<64x128xf32, #tpu.memory_space<vmem>>
        %dma_wait3A_404 = arith.constant 0 : i32
        %dma_wait3A_405 = arith.constant 0 : i32
        %dma_wait3A_406 = tpu.memref_slice %arg2[%dma_wait3A_404, %dma_wait3A_405] : memref<1000000x128xf32, #tpu.memory_space<hbm>> -> memref<128x128xf32, #tpu.memory_space<hbm>>
        %dma_wait3A_407 = arith.constant 0 : i32
        %dma_wait3A_408 = arith.constant 0 : i32
        %dma_wait3A_409 = tpu.memref_slice %arg7[%dma_wait3A_399, %dma_wait3A_407, %dma_wait3A_408] : memref<2x64x136xf32, #tpu.memory_space<vmem>> -> memref<1x64x128xf32, #tpu.memory_space<vmem>>
        %dma_wait3A_410 = tpu.memref_squeeze %dma_wait3A_409 : memref<1x64x128xf32, #tpu.memory_space<vmem>> -> memref<64x128xf32, #tpu.memory_space<vmem>>
        %dma_wait3A_411 = arith.constant 0 : i32
        %dma_wait3A_412 = arith.constant 0 : i32
        %dma_wait3A_413 = tpu.memref_slice %arg2[%dma_wait3A_411, %dma_wait3A_412] : memref<1000000x128xf32, #tpu.memory_space<hbm>> -> memref<128x128xf32, #tpu.memory_space<hbm>>
        tpu.wait_dma2 semaphore(%arg13 : memref<!tpu.dma_semaphore, #tpu.memory_space<semaphore_mem>>) src(%dma_wait3A_413 : memref<128x128xf32, #tpu.memory_space<hbm>>) dst(%dma_wait3A_410 : memref<64x128xf32, #tpu.memory_space<vmem>>)
      } else {
      }
      %parallel_loop3A_378 = arith.constant 0 : i32
      %parallel_loop3A_379 = arith.constant 128 : i32
      %parallel_loop3A_380 = arith.constant 1 : i32
      scf.for %parallel_loop3A_399 = %parallel_loop3A_378 to %parallel_loop3A_379 step %parallel_loop3A_380  : i32 {
        %parallel_loop3A_400 = vector.broadcast %parallel_loop3A_399 : i32 to vector<16xi32>
        %parallel_loop3A_401 = arith.constant 3 : i32
        %parallel_loop3A_402 = arith.index_cast %parallel_loop3A_401 : i32 to index
        %parallel_loop3A_403 = arith.index_cast %parallel_loop3A_399 : i32 to index
        %parallel_loop3A_404 = arith.constant 0 : index
        %parallel_loop3A_405 = tpu.vector_load %arg6[%parallel_loop3A_402, %parallel_loop3A_403, %parallel_loop3A_404] {strides = array<i32>} : memref<4x128x128xf32, #tpu.memory_space<vmem>>, vector<16xf32>,
        %parallel_loop3A_406 = arith.constant 1 : i32
        %parallel_loop3A_407 = arith.constant 0 : i32
        %parallel_loop3A_408 = arith.constant 0 : i32
        %parallel_loop3A_409 = tpu.memref_slice %arg7[%parallel_loop3A_406, %parallel_loop3A_407, %parallel_loop3A_408] : memref<2x64x136xf32, #tpu.memory_space<vmem>> -> memref<1x64x136xf32, #tpu.memory_space<vmem>>
        %parallel_loop3A_410 = tpu.memref_squeeze %parallel_loop3A_409 : memref<1x64x136xf32, #tpu.memory_space<vmem>> -> memref<64x136xf32, #tpu.memory_space<vmem>>
        tpu.vector_store_idx %parallel_loop3A_410[%add3A_5, %parallel_loop3A_400], %parallel_loop3A_405 : memref<64x136xf32, #tpu.memory_space<vmem>>[vector<16xi32>, vector<16xi32>], vector<16xf32>,
        %parallel_loop3A_411 = arith.constant 3 : i32
        %parallel_loop3A_412 = arith.index_cast %parallel_loop3A_411 : i32 to index
        %parallel_loop3A_413 = arith.index_cast %parallel_loop3A_399 : i32 to index
        %parallel_loop3A_414 = arith.constant 16 : index
        %parallel_loop3A_415 = tpu.vector_load %arg6[%parallel_loop3A_412, %parallel_loop3A_413, %parallel_loop3A_414] {strides = array<i32>} : memref<4x128x128xf32, #tpu.memory_space<vmem>>, vector<16xf32>,
        %parallel_loop3A_416 = arith.constant 1 : i32
        %parallel_loop3A_417 = arith.constant 0 : i32
        %parallel_loop3A_418 = arith.constant 0 : i32
        %parallel_loop3A_419 = tpu.memref_slice %arg7[%parallel_loop3A_416, %parallel_loop3A_417, %parallel_loop3A_418] : memref<2x64x136xf32, #tpu.memory_space<vmem>> -> memref<1x64x136xf32, #tpu.memory_space<vmem>>
        %parallel_loop3A_420 = tpu.memref_squeeze %parallel_loop3A_419 : memref<1x64x136xf32, #tpu.memory_space<vmem>> -> memref<64x136xf32, #tpu.memory_space<vmem>>
        tpu.vector_store_idx %parallel_loop3A_420[%add3A_9, %parallel_loop3A_400], %parallel_loop3A_415 : memref<64x136xf32, #tpu.memory_space<vmem>>[vector<16xi32>, vector<16xi32>], vector<16xf32>,
        %parallel_loop3A_421 = arith.constant 3 : i32
        %parallel_loop3A_422 = arith.index_cast %parallel_loop3A_421 : i32 to index
        %parallel_loop3A_423 = arith.index_cast %parallel_loop3A_399 : i32 to index
        %parallel_loop3A_424 = arith.constant 32 : index
        %parallel_loop3A_425 = tpu.vector_load %arg6[%parallel_loop3A_422, %parallel_loop3A_423, %parallel_loop3A_424] {strides = array<i32>} : memref<4x128x128xf32, #tpu.memory_space<vmem>>, vector<16xf32>,
        %parallel_loop3A_426 = arith.constant 1 : i32
        %parallel_loop3A_427 = arith.constant 0 : i32
        %parallel_loop3A_428 = arith.constant 0 : i32
        %parallel_loop3A_429 = tpu.memref_slice %arg7[%parallel_loop3A_426, %parallel_loop3A_427, %parallel_loop3A_428] : memref<2x64x136xf32, #tpu.memory_space<vmem>> -> memref<1x64x136xf32, #tpu.memory_space<vmem>>
        %parallel_loop3A_430 = tpu.memref_squeeze %parallel_loop3A_429 : memref<1x64x136xf32, #tpu.memory_space<vmem>> -> memref<64x136xf32, #tpu.memory_space<vmem>>
        tpu.vector_store_idx %parallel_loop3A_430[%add3A_13, %parallel_loop3A_400], %parallel_loop3A_425 : memref<64x136xf32, #tpu.memory_space<vmem>>[vector<16xi32>, vector<16xi32>], vector<16xf32>,
        %parallel_loop3A_431 = arith.constant 3 : i32
        %parallel_loop3A_432 = arith.index_cast %parallel_loop3A_431 : i32 to index
        %parallel_loop3A_433 = arith.index_cast %parallel_loop3A_399 : i32 to index
        %parallel_loop3A_434 = arith.constant 48 : index
        %parallel_loop3A_435 = tpu.vector_load %arg6[%parallel_loop3A_432, %parallel_loop3A_433, %parallel_loop3A_434] {strides = array<i32>} : memref<4x128x128xf32, #tpu.memory_space<vmem>>, vector<16xf32>,
        %parallel_loop3A_436 = arith.constant 1 : i32
        %parallel_loop3A_437 = arith.constant 0 : i32
        %parallel_loop3A_438 = arith.constant 0 : i32
        %parallel_loop3A_439 = tpu.memref_slice %arg7[%parallel_loop3A_436, %parallel_loop3A_437, %parallel_loop3A_438] : memref<2x64x136xf32, #tpu.memory_space<vmem>> -> memref<1x64x136xf32, #tpu.memory_space<vmem>>
        %parallel_loop3A_440 = tpu.memref_squeeze %parallel_loop3A_439 : memref<1x64x136xf32, #tpu.memory_space<vmem>> -> memref<64x136xf32, #tpu.memory_space<vmem>>
        tpu.vector_store_idx %parallel_loop3A_440[%add3A_17, %parallel_loop3A_400], %parallel_loop3A_435 : memref<64x136xf32, #tpu.memory_space<vmem>>[vector<16xi32>, vector<16xi32>], vector<16xf32>,
      } {sc.loop_unroll_factor = 16 : i64, sc.parallel_access}
      %mul3A_381 = arith.constant 128 : i32
      %mul3A_382 = arith.muli %rem3A_372, %mul3A_381 : i32
      %add3A_383 = arith.addi %mul3A_2, %mul3A_382 : i32
      %dma_start3A_384 = arith.constant 1 : i32
      %dma_start3A_385 = arith.constant 0 : i32
      %dma_start3A_386 = arith.constant 0 : i32
      %dma_start3A_387 = tpu.memref_slice %arg7[%dma_start3A_384, %dma_start3A_385, %dma_start3A_386] : memref<2x64x136xf32, #tpu.memory_space<vmem>> -> memref<1x64x128xf32, #tpu.memory_space<vmem>>
      %dma_start3A_388 = tpu.memref_squeeze %dma_start3A_387 : memref<1x64x128xf32, #tpu.memory_space<vmem>> -> memref<64x128xf32, #tpu.memory_space<vmem>>
      %dma_start3A_389 = arith.constant 0 : i32
      %dma_start3A_390 = tpu.memref_slice %arg4[%select_n3A_370, %dma_start3A_389, %add3A_383] : memref<50x64x16384xf32, #tpu.memory_space<hbm>> -> memref<1x64x128xf32, #tpu.memory_space<hbm>>
      %dma_start3A_391 = tpu.memref_squeeze %dma_start3A_390 : memref<1x64x128xf32, #tpu.memory_space<hbm>> -> memref<64x128xf32, #tpu.memory_space<hbm>>
      %dma_start3A_392 = arith.constant 0 : i32
      %dma_start3A_393 = tpu.memref_slice %arg4[%select_n3A_370, %dma_start3A_392, %add3A_383] : memref<50x64x16384xf32, #tpu.memory_space<hbm>> -> memref<1x64x128xf32, #tpu.memory_space<hbm>>
      %dma_start3A_394 = tpu.memref_squeeze %dma_start3A_393 : memref<1x64x128xf32, #tpu.memory_space<hbm>> -> memref<64x128xf32, #tpu.memory_space<hbm>>
      %dma_start3A_395 = arith.constant 0 : i32
      %dma_start3A_396 = arith.constant 0 : i32
      %dma_start3A_397 = tpu.memref_slice %arg7[%dma_start3A_384, %dma_start3A_395, %dma_start3A_396] : memref<2x64x136xf32, #tpu.memory_space<vmem>> -> memref<1x64x128xf32, #tpu.memory_space<vmem>>
      %dma_start3A_398 = tpu.memref_squeeze %dma_start3A_397 : memref<1x64x128xf32, #tpu.memory_space<vmem>> -> memref<64x128xf32, #tpu.memory_space<vmem>>
      tpu.enqueue_dma source(%dma_start3A_398 : memref<64x128xf32, #tpu.memory_space<vmem>>) target(%dma_start3A_394 : memref<64x128xf32, #tpu.memory_space<hbm>>) target_semaphore(%arg13 : memref<!tpu.dma_semaphore, #tpu.memory_space<semaphore_mem>>)
    }
    %scan3A_68 = arith.constant 50 : i32
    %dma_wait3A = arith.constant 0 : i32
    %dma_wait3A_69 = arith.constant 0 : i32
    %dma_wait3A_70 = arith.constant 0 : i32
    %dma_wait3A_71 = tpu.memref_slice %arg7[%dma_wait3A, %dma_wait3A_69, %dma_wait3A_70] : memref<2x64x136xf32, #tpu.memory_space<vmem>> -> memref<1x64x128xf32, #tpu.memory_space<vmem>>
    %dma_wait3A_72 = tpu.memref_squeeze %dma_wait3A_71 : memref<1x64x128xf32, #tpu.memory_space<vmem>> -> memref<64x128xf32, #tpu.memory_space<vmem>>
    %dma_wait3A_73 = arith.constant 0 : i32
    %dma_wait3A_74 = arith.constant 0 : i32
    %dma_wait3A_75 = tpu.memref_slice %arg2[%dma_wait3A_73, %dma_wait3A_74] : memref<1000000x128xf32, #tpu.memory_space<hbm>> -> memref<128x128xf32, #tpu.memory_space<hbm>>
    %dma_wait3A_76 = arith.constant 0 : i32
    %dma_wait3A_77 = arith.constant 0 : i32
    %dma_wait3A_78 = tpu.memref_slice %arg7[%dma_wait3A, %dma_wait3A_76, %dma_wait3A_77] : memref<2x64x136xf32, #tpu.memory_space<vmem>> -> memref<1x64x128xf32, #tpu.memory_space<vmem>>
    %dma_wait3A_79 = tpu.memref_squeeze %dma_wait3A_78 : memref<1x64x128xf32, #tpu.memory_space<vmem>> -> memref<64x128xf32, #tpu.memory_space<vmem>>
    %dma_wait3A_80 = arith.constant 0 : i32
    %dma_wait3A_81 = arith.constant 0 : i32
    %dma_wait3A_82 = tpu.memref_slice %arg2[%dma_wait3A_80, %dma_wait3A_81] : memref<1000000x128xf32, #tpu.memory_space<hbm>> -> memref<128x128xf32, #tpu.memory_space<hbm>>
    tpu.wait_dma2 semaphore(%arg12 : memref<!tpu.dma_semaphore, #tpu.memory_space<semaphore_mem>>) src(%dma_wait3A_82 : memref<128x128xf32, #tpu.memory_space<hbm>>) dst(%dma_wait3A_79 : memref<64x128xf32, #tpu.memory_space<vmem>>)
    %dma_wait3A_83 = arith.constant 1 : i32
    %dma_wait3A_84 = arith.constant 0 : i32
    %dma_wait3A_85 = arith.constant 0 : i32
    %dma_wait3A_86 = tpu.memref_slice %arg7[%dma_wait3A_83, %dma_wait3A_84, %dma_wait3A_85] : memref<2x64x136xf32, #tpu.memory_space<vmem>> -> memref<1x64x128xf32, #tpu.memory_space<vmem>>
    %dma_wait3A_87 = tpu.memref_squeeze %dma_wait3A_86 : memref<1x64x128xf32, #tpu.memory_space<vmem>> -> memref<64x128xf32, #tpu.memory_space<vmem>>
    %dma_wait3A_88 = arith.constant 0 : i32
    %dma_wait3A_89 = arith.constant 0 : i32
    %dma_wait3A_90 = tpu.memref_slice %arg2[%dma_wait3A_88, %dma_wait3A_89] : memref<1000000x128xf32, #tpu.memory_space<hbm>> -> memref<128x128xf32, #tpu.memory_space<hbm>>
    %dma_wait3A_91 = arith.constant 0 : i32
    %dma_wait3A_92 = arith.constant 0 : i32
    %dma_wait3A_93 = tpu.memref_slice %arg7[%dma_wait3A_83, %dma_wait3A_91, %dma_wait3A_92] : memref<2x64x136xf32, #tpu.memory_space<vmem>> -> memref<1x64x128xf32, #tpu.memory_space<vmem>>
    %dma_wait3A_94 = tpu.memref_squeeze %dma_wait3A_93 : memref<1x64x128xf32, #tpu.memory_space<vmem>> -> memref<64x128xf32, #tpu.memory_space<vmem>>
    %dma_wait3A_95 = arith.constant 0 : i32
    %dma_wait3A_96 = arith.constant 0 : i32
    %dma_wait3A_97 = tpu.memref_slice %arg2[%dma_wait3A_95, %dma_wait3A_96] : memref<1000000x128xf32, #tpu.memory_space<hbm>> -> memref<128x128xf32, #tpu.memory_space<hbm>>
    tpu.wait_dma2 semaphore(%arg13 : memref<!tpu.dma_semaphore, #tpu.memory_space<semaphore_mem>>) src(%dma_wait3A_97 : memref<128x128xf32, #tpu.memory_space<hbm>>) dst(%dma_wait3A_94 : memref<64x128xf32, #tpu.memory_space<vmem>>)
    return
  }
}

</mosaic_0001>

<sc_bundles>
// kernel: kernel.3.cloned.1.call-start
scs
__scs_entry_jumppad:
0x0: {  	(pc) =	sbr.rel $0x88, $3  }
0x1: {  	(tag) =	ssettag $0x0;
	lr =	simm.s32 $0x1  }
0x2: {  	[smem:$0x3F9F] =	sst lr;
	_ =	strace $0xD0000000  }
0x3: {  	_ = 	snop  }
0x4: {  	_ = 	snop  }
0x5: {  	_ = 	snop  }
0x6: {  	_ = 	snop  }
0x7: {  	_ = 	snop  }
__scs_overlays_trampoline_lowered:
0x8: {  	[smem:$0x3FAE] =	sst s0  }
0x9: {  	[smem:$0x3FAF] =	sst s1  }
0xa: {  	[smem:$0x3FB0] =	sst s2  }
0xb: {  	[smem:$0x3FB1] =	sst s3  }
0xc: {  	[smem:$0x3FB2] =	sst s4  }
0xd: {  	[smem:$0x3FB3] =	sst s5  }
0xe: {  	[smem:$0x3FB4] =	sst s6  }
0xf: {  	[smem:$0x3FB5] =	sst s7  }
0x10: {  	[smem:$0x3FB6] =	sst s8  }
0x11: {  	[smem:$0x3FB7] =	sst s9;
	s0 =	simm.s32 @!p0 $0x0  }
0x12: {  	s1 =	sld [smem:$0x3F9D];
	s0 =	simm.s32 @p0 $0x1  }
0x13: {  	[smem:$0x3FB8] =	sst s0;
	s0 =	simm.s32 @!p1 $0x0  }
0x14: {  	s2 =	sld [smem:$0x3F9C];
	s0 =	simm.s32 @p1 $0x1  }
0x15: {  	[smem:$0x3FB9] =	sst s0;
	s0 =	simm.s32 @!p2 $0x0  }
0x16: {  	s3 =	sld [smem:$0x3FDB];
	s0 =	simm.s32 @p2 $0x1  }
0x17: {  	s4 =	simm.s32 $0x1BF5;
	[smem:$0x3FBB] =	sst s0  }
0x18: {  	s0 =	sld [smem:$0x3F9E];
	_ =	swait.ge [sflag:s4], $0x0  }
0x19: {  	s7 =	sld [smem:$0x3F9F]  }
0x1a: {  	s8 =	sadd.s32 $0xFFFFE003, lr  }
0x1b: {  	s9 =	sadd.s32 $0xFFFFFEF7, lr;
	s5 =	simm.s32 $0xFFFFFFFF;
	p2 =	slt.u32 s8, $0xFFFFF086  }
0x1c: {  	p1 =	slt.u32 s9, $0xF7A;
	s5 =	simm.s32 @!p2 $0x0  }
0x1d: {  	s5 =	simm.s32 @p1 $0x1;
	p0 =	seq.s32 s7, s2  }
0x1e: {  	s7 =	smul.u32 @!p0 $0xF7A, s2;
	p2 =	seq.s32 @!p0 s5, $0x0  }
0x1f: {  	s9 =	smul.u32 $0xF7A, s1;
	s8 =	simm.s32 @!p0 $0x1BF5;
	p2 =	por !p2, p0  }
0x20: {  	[sflag:s8] =	ssyncset.s32 @!p0 $0xFFFFF086;
	s6 =	sadd.s32 @!p0 s3, s7;
	s7 =	simm.s32 @!p0 $0x108  }
0x21: {  	s3 =	sadd.s32 s3, s9;
	s6 =	sadd.s32 @!p0 $0x88, s6;
	s7 =	simm.s32 @p2 $0x1082  }
0x22: {  	[simem:s7], [sflag:s8] =	dma.local @!p0 [hbm:s6], $0xF7A  }
0x23: {  	s9 =	sor.u32 $0xD0000000, s2;
	s6 =	simm.s32 $0x108;
	_ =	swait.ge @!p0 [sflag:s8], $0x0  }
0x24: {  	s3 =	sadd.s32 $0x88, s3;
	s6 =	simm.s32 @!p1 $0x1082;
	[sflag:s4] =	ssyncset.s32 $0xFFFFF086  }
0x25: {  	[simem:s6], [sflag:s4] =	dma.local [hbm:s3], $0xF7A  }
0x26: {  	[smem:$0x3F9F] =	sst s1;
	(tag) =	ssettag s2;
	_ =	strace s9  }
0x27: {  	s1 =	sld [smem:$0x3FAF]  }
0x28: {  	s2 =	sld [smem:$0x3FB0]  }
0x29: {  	s4 =	sld [smem:$0x3FB2]  }
0x2a: {  	p0 =	seq.s32 s5, $0x0;
	s5 =	sld [smem:$0x3FB3]  }
0x2b: {  	s6 =	sld [smem:$0x3FB4]  }
0x2c: {  	s7 =	sld [smem:$0x3FB5]  }
0x2d: {  	s3 =	simm.s32 $0x108;
	s8 =	sld [smem:$0x3FB6]  }
0x2e: {  	s3 =	simm.s32 @!p0 $0x1082;
	s9 =	sld [smem:$0x3FB7]  }
0x2f: {  	lr =	sadd.s32 s0, s3;
	s0 =	sld [smem:$0x3FAE]  }
0x30: {  	s3 =	sld [smem:$0x3FB1]  }
0x31: {  	[smem:$0x3FBA] =	sst s10  }
0x32: {  	s10 =	sld [smem:$0x3FB8];
	_ =	sdelay $0x3  }
0x33: {  	p0 =	seq.s32 s10, $0x1;
	s10 =	sld [smem:$0x3FBA];
	_ =	sdelay $0x3  }
0x34: {  	[smem:$0x3FBA] =	sst s10  }
0x35: {  	s10 =	sld [smem:$0x3FB9];
	_ =	sdelay $0x3  }
0x36: {  	p1 =	seq.s32 s10, $0x1;
	s10 =	sld [smem:$0x3FBA];
	_ =	sdelay $0x3  }
0x37: {  	[smem:$0x3FBA] =	sst s10  }
0x38: {  	s10 =	sld [smem:$0x3FBB]  }
0x39: {  	_ = 	snop;
	(pc) =	sbr.ind lr, $3  }
0x3a: {  	_ = 	snop  }
0x3b: {  	_ = 	snop  }
0x3c: {  	p2 =	seq.s32 s10, $0x1;
	s10 =	sld [smem:$0x3FBA]  }
0x3d: {  	_ =	shalt  }
0x3e: {  	_ =	shalt  }
0x3f: {  	_ =	shalt  }
0x40: {  	_ =	shalt  }
0x41: {  	_ =	shalt  }
0x42: {  	_ =	shalt  }
0x43: {  	_ =	shalt  }
0x44: {  	_ =	shalt  }
0x45: {  	_ =	shalt  }
0x46: {  	_ =	shalt  }
0x47: {  	_ =	shalt  }
0x48: {  	_ =	shalt  }
0x49: {  	_ =	shalt  }
0x4a: {  	_ =	shalt  }
0x4b: {  	_ =	shalt  }
0x4c: {  	_ =	shalt  }
0x4d: {  	_ =	shalt  }
0x4e: {  	_ =	shalt  }
0x4f: {  	_ =	shalt  }
0x50: {  	_ =	shalt  }
0x51: {  	_ =	shalt  }
0x52: {  	_ =	shalt  }
0x53: {  	_ =	shalt  }
0x54: {  	_ =	shalt  }
0x55: {  	_ =	shalt  }
0x56: {  	_ =	shalt  }
0x57: {  	_ =	shalt  }
0x58: {  	_ =	shalt  }
0x59: {  	_ =	shalt  }
0x5a: {  	_ =	shalt  }
0x5b: {  	_ =	shalt  }
0x5c: {  	_ =	shalt  }
0x5d: {  	_ =	shalt  }
0x5e: {  	_ =	shalt  }
0x5f: {  	_ =	shalt  }
0x60: {  	_ =	shalt  }
0x61: {  	_ =	shalt  }
0x62: {  	_ =	shalt  }
0x63: {  	_ =	shalt  }
0x64: {  	_ =	shalt  }
0x65: {  	_ =	shalt  }
0x66: {  	_ =	shalt  }
0x67: {  	_ =	shalt  }
0x68: {  	_ =	shalt  }
0x69: {  	_ =	shalt  }
0x6a: {  	_ =	shalt  }
0x6b: {  	_ =	shalt  }
0x6c: {  	_ =	shalt  }
0x6d: {  	_ =	shalt  }
0x6e: {  	_ =	shalt  }
0x6f: {  	_ =	shalt  }
0x70: {  	_ =	shalt  }
0x71: {  	_ =	shalt  }
0x72: {  	_ =	shalt  }
0x73: {  	_ =	shalt  }
0x74: {  	_ =	shalt  }
0x75: {  	_ =	shalt  }
0x76: {  	_ =	shalt  }
0x77: {  	_ =	shalt  }
0x78: {  	_ =	shalt  }
0x79: {  	_ =	shalt  }
0x7a: {  	_ =	shalt  }
0x7b: {  	_ =	shalt  }
0x7c: {  	_ =	shalt  }
0x7d: {  	_ =	shalt  }
0x7e: {  	_ =	shalt  }
0x7f: {  	_ =	shalt  }
0x80: {  	_ =	shalt  }
0x81: {  	_ =	shalt  }
0x82: {  	_ =	shalt  }
0x83: {  	_ =	shalt  }
0x84: {  	_ =	shalt  }
0x85: {  	_ =	shalt  }
0x86: {  	_ =	shalt  }
0x87: {  	_ =	shalt  }
.Lfunc_end0:
.L_simem_size_0:
called_computation_lowered:
.L_overlay_start_0:
0x88: {  	s2 =	sld [smem:$0x3FD9]  }
0x89: {  	s3 =	sld [smem:$0x3FFE];
	_ =	sdelay $0x1  }
0x8a: {  	s1 =	srdreg.scid  }
0x8b: {  	s0 =	sand.u32 $0x1, s1  }
0x8c: {  	s17 =	sshll.u32 s0, $0xA;
	s2 =	sadd.s32 s3, s2  }
0x8d: {  	s2 =	sadd.s32 s2, s17  }
0x8e: {  	[smem:$0x3FC6] =	sst s2  }
0x8f: {  	_ = 	snop  }
0x90: {  	s2 =	sld [smem:$0x3FC9]  }
0x91: {  	s18 =	sld [smem:$0x3FD0];
	(tm) =	ssettm $0x1  }
0x92: {  	s4 =	sld [smem:$0x3FFB];
	_ =	sdelay $0x3  }
0x93: {  	_ =	strace s4  }
0x94: {  	s4 =	sld [smem:$0x3FFC];
	_ =	sdelay $0x3  }
0x95: {  	_ =	strace s4  }
0x96: {  	s4 =	sld [smem:$0x3FFD];
	_ =	sdelay $0x3  }
0x97: {  	_ =	strace s4  }
0x98: {  	_ =	strace $0x8FFFFFFF  }
0x99: {  	s19 =	sld [smem:$0x3FDB];
	_ =	sdelay $0x1  }
0x9a: {  	s5 =	simm.s32 $_scs_section_size  }
0x9b: {  	s6 =	simm.s32 $_size__tile_overlayer_lowered;
	s7 =	simm.s32 $_tile_overlayer_lowered  }
0x9c: {  	s22 =	simm.s32 $0x1BFF;
	s21 =	sshll.u32 s7, $0x1;
	s4 =	sadd.s32 s5, s19  }
0x9d: {  	s8 =	simm.s32 $0x0;
	s20 =	sshll.u32 s6, $0x1;
	s6 =	sadd.s32 s21, s4  }
0x9e: {  	[timem:s8], [sflag:s22] =	dma.local [hbm:s6], s20  }
0x9f: {  	_ =	swait.ge [sflag:s22], s20  }
0xa0: {  	s5 =	ssub.s32 $0x0, s20;
	[sflag:s22] =	ssyncset.done $0x0  }
0xa1: {  	[sflag:s22] =	ssyncadd.s32 s5;
	_ =	sdelay $0x1  }
0xa2: {  	s23 =	simm.s32 $0x1B8B  }
0xa3: {  	_ =	swait.ge [sflag:s23], $0x1  }
0xa4: {  	[sflag:s23] =	ssyncset.done $0x0  }
0xa5: {  	s25 =	simm.s32 $0x1B8E;
	s24 =	sld [smem:$0x3FFE];
	[sflag:s23] =	ssyncadd.s32 $0xFFFFFFFF  }
0xa6: {  	s26 =	simm.s32 $execute0_lowered;
	[smem:$0x3FD2] =	sst s25  }
0xa7: {  	s6 =	sshll.u32 s26, $0x1;
	_ =	strace $0x80000046;
	[dreg:$0x1] =	wrdreg $0xFFFFFFFF  }
0xa8: {  	s28 =	simm.s32 $_size_execute0_lowered;
	s4 =	sadd.s32 s4, s6;
	[dreg:$0x0] =	wrdreg $0x0  }
0xa9: {  	s6 =	sshll.u32 s28, $0x1;
	[dreg:$0x2] =	wrdreg s4  }
0xaa: {  	[dreg:$0x3] =	wrdreg s6  }
0xab: {  	[dreg:$0x4] =	wrdreg $0xC0  }
0xac: {  	_ =	task [dreg:s8], $0x5FFFF  }
0xad: {  	[dreg:$0x1] =	wrdreg $0xFFFFFFFF  }
0xae: {  	[dreg:$0x0] =	wrdreg $0x60  }
0xaf: {  	[dreg:$0x2] =	wrdreg s24  }
0xb0: {  	[dreg:$0x3] =	wrdreg s2  }
0xb1: {  	[dreg:$0x4] =	wrdreg s18  }
0xb2: {  	[dreg:$0x5] =	wrdreg $0x9  }
0xb3: {  	_ =	task.clear_ibuf [dreg:s8], $0x6FFFF;
	_ =	strace $0x90000046  }
0xb4: {  	s29 =	simm.s32 $0x9;
	_ =	strace $0x80000048  }
0xb5: {  	_ =	swait.ge [sflag:s29], $0x1  }
0xb6: {  	[sflag:s29] =	ssyncadd.s32 $0xFFFFFFFF  }
0xb7: {  	_ =	strace $0x90000048  }
0xb8: {  	_ =	sfence  }
0xb9: {  	s30 =	sld [smem:$0x0];
	_ =	sdelay $0x2  }
0xba: {  	s31 =	sshll.u32 s1, $0xD;
	s1 =	sshrl.u32 s1, $0x2  }
0xbb: {  	s3 =	sand.u32 $0x4000, s31;
	s1 =	sadd.s32 s1, s30  }
0xbc: {  	s0 =	sor.u32 s3, s0;
	s1 =	sshll.u32 s1, $0x11  }
0xbd: {  	s0 =	sor.u32 s1, s0  }
0xbe: {  	s0 =	sadd.s32 $0x8F2B, s0  }
0xbf: {  	[sflag:s0] =	ssyncadd.remote.s32 $0x1  }
0xc0: {  	_ =	sfence.sel $0xFFFF  }
0xc1: {  	[dreg:$0x0] =	wrdreg $0xFFFFFFFF;
	(pc) =	sbr.abs _section_cstart, $3  }
0xc2: {  	[dreg:$0x1] =	wrdreg $0xFFFFFFFF  }
0xc3: {  	_ =	task.clear_ibuf [dreg:s8], $0x2FFFF;
	_ =	strace $0x9FFFFFFF  }
0xc4: {  	(tm) =	ssettm $0x7FFFFFFF  }
0xc5: {  	_ =	shalt  }
tec
execute0_lowered:
.L_overlay_start_1:
0x0: {  	(tag) =	ssettag $0x1  }
0x1: {  	v0 =	vimm.s32 $0xB80  }
0x2: {  	vm14 =	vcmask $0x300;
	vm13 =	vcmask $0x704;
	vm12 =	vcmask $0xB08  }
0x3: {  	vm11 =	vcmask $0xF0C;
	vm10 =	vcmask $0x1310;
	vm9 =	vcmask $0x1714  }
0x4: {  	vm8 =	vcmask $0x1B18;
	vm7 =	vcmask $0x1F1C;
	vm6 =	vcmask $0x2320  }
0x5: {  	vm5 =	vcmask $0x2724;
	vm4 =	vcmask $0x2B28;
	vm3 =	vcmask $0x2F2C  }
0x6: {  	vm2 =	vcmask $0x3330;
	vm1 =	vcmask $0x3734;
	vm0 =	vcmask $0x3B38  }
0x7: {  	v1 =	vimm.s32 $0x1B80;
	v2 =	vimm.s32 $0x2B80;
	v3 =	vimm.s32 $0x3B80  }
0x8: {  	v0 =	vsel vm14, $0x0, v0;
	v1 =	vsel vm14, $0x1000, v1;
	v2 =	vsel vm14, $0x2000, v2  }
0x9: {  	v3 =	vsel vm14, $0x3000, v3;
	v0 =	vsel vm13, $0x80, v0;
	v1 =	vsel vm13, $0x1080, v1  }
0xa: {  	v2 =	vsel vm13, $0x2080, v2;
	v3 =	vsel vm13, $0x3080, v3;
	v0 =	vsel vm12, $0x100, v0  }
0xb: {  	v1 =	vsel vm12, $0x1100, v1;
	v2 =	vsel vm12, $0x2100, v2;
	v3 =	vsel vm12, $0x3100, v3  }
0xc: {  	v0 =	vsel vm11, $0x180, v0;
	v1 =	vsel vm11, $0x1180, v1;
	v2 =	vsel vm11, $0x2180, v2  }
0xd: {  	v3 =	vsel vm11, $0x3180, v3;
	v0 =	vsel vm10, $0x200, v0;
	v1 =	vsel vm10, $0x1200, v1  }
0xe: {  	s0 =	rddreg [dreg:$0x0];
	v2 =	vsel vm10, $0x2200, v2;
	v3 =	vsel vm10, $0x3200, v3;
	v0 =	vsel vm9, $0x280, v0  }
0xf: {  	s1 =	rddreg [dreg:$0x1];
	v1 =	vsel vm9, $0x1280, v1;
	v2 =	vsel vm9, $0x2280, v2;
	v3 =	vsel vm9, $0x3280, v3  }
0x10: {  	s4 =	rddreg [dreg:$0x2];
	v0 =	vsel vm8, $0x300, v0;
	v1 =	vsel vm8, $0x1300, v1;
	v2 =	vsel vm8, $0x2300, v2  }
0x11: {  	s3 =	srdreg.scid;
	s2 =	simm.s32 $0x0;
	s5 =	stileid.u32;
	v3 =	vsel vm8, $0x3300, v3;
	v0 =	vsel vm7, $0x380, v0;
	v1 =	vsel vm7, $0x1380, v1  }
0x12: {  	s21 =	simm.s32 $0x17000;
	s30 =	simm.s32 $0x2;
	s3 =	sand.u32 $0x1, s3;
	v2 =	vsel vm7, $0x2380, v2;
	v3 =	vsel vm7, $0x3380, v3;
	v0 =	vsel vm6, $0x800, v0  }
0x13: {  	s31 =	simm.s32 $0x6;
	s5 =	sshll.u32 s5, $0xA;
	s6 =	sshll.u32 s3, $0x9;
	v1 =	vsel vm6, $0x1800, v1;
	v2 =	vsel vm6, $0x2800, v2;
	v3 =	vsel vm6, $0x3800, v3  }
0x14: {  	s9 =	simm.s32 $0x5;
	[smem:$0x7FF] =	sst s2;
	s5 =	sor.u32 s6, s5;
	v0 =	vsel vm5, $0x880, v0;
	v1 =	vsel vm5, $0x1880, v1;
	v2 =	vsel vm5, $0x2880, v2  }
0x15: {  	s12 =	simm.s32 $0x4;
	_ =	strace $0x80000047;
	s1 =	sadd.s32 s1, s5;
	v3 =	vsel vm5, $0x3880, v3;
	v0 =	vsel vm4, $0x900, v0;
	v1 =	vsel vm4, $0x1900, v1  }
0x16: {  	s7 =	ssub.s32 $0x2, s3;
	s4 =	sadd.s32 s4, s5;
	[dreg:$0x5] =	wrdreg s1;
	v2 =	vsel vm4, $0x2900, v2;
	v3 =	vsel vm4, $0x3900, v3;
	v0 =	vsel vm3, $0x980, v0  }
0x17: {  	s3 =	sadd.s32 $0xF42800, s0;
	s26 =	sadd.s32 $0x80, s4;
	[dreg:$0x4] =	wrdreg s4;
	v1 =	vsel vm3, $0x1980, v1;
	v2 =	vsel vm3, $0x2980, v2;
	v3 =	vsel vm3, $0x3980, v3  }
0x18: {  	s25 =	sshrl.u32 s7, $0x1;
	s28 =	sadd.s32 $0x100, s4;
	[dreg:$0x6] =	wrdreg s26;
	v0 =	vsel vm2, $0xA00, v0;
	v1 =	vsel vm2, $0x1A00, v1;
	v2 =	vsel vm2, $0x2A00, v2  }
0x19: {  	s0 =	ssub.s32 s7, s25;
	s29 =	sadd.s32 $0x180, s4;
	[dreg:$0x7] =	wrdreg s28;
	v3 =	vsel vm2, $0x3A00, v3;
	v0 =	vsel vm1, $0xA80, v0;
	v1 =	vsel vm1, $0x1A80, v1  }
0x1a: {  	s5 =	simm.s32 $0x3;
	s0 =	smax.u32 s0, $0x1;
	[dreg:$0x8] =	wrdreg s29;
	v2 =	vsel vm1, $0x2A80, v2;
	v3 =	vsel vm1, $0x3A80, v3;
	v0 =	vsel vm0, $0xB00, v0  }
0x1b: {  	s4 =	simm.s32 $0x0;
	[dreg:$0x9] =	wrdreg s0;
	s0 =	simm.s32 $0x1B000;
	v1 =	vsel vm0, $0x1B00, v1;
	v2 =	vsel vm0, $0x2B00, v2;
	v3 =	vsel vm0, $0x3B00, v3  }
.LBB2_1:
0x1c: {  	[dreg:$0xa] =	wrdreg s4  }
0x1d: {  	s1 =	rddreg [dreg:$0x5]  }
0x1e: {  	s20 =	simm.s32 $0x1000;
	s6 =	simm.s32 $0x20000;
	s22 =	simm.s32 $0x7  }
0x1f: {  	[tilespmem:s2], [sflag:$0x7] =	stream.strided.gather [hbm4b:s1+s20], $0x7000, s6, s20, $0x38;
	[tilespmem:$0x1F000] =	vst v63  }
0x20: {  	_ =	swait.ge [sflag:s22], $0x7000  }
0x21: {  	[sflag:s22] =	ssyncset.done $0x0  }
0x22: {  	s23 =	simm.s32 $0x80;
	s24 =	simm.s32 $0x7000;
	[sflag:s22] =	ssyncadd.s32 $0xFFFF9000  }
0x23: {  	[tilespmem:s24], [sflag:$0x1] =	stream.indirect.gather [hbm4b:s3+s23], $0x80, s2, s23, $0xb8;
	[tilespmem:$0x1F000] =	vst v63  }
0x24: {  	s25 =	simm.s32 $0x400;
	s26 =	simm.s32 $0xB000  }
0x25: {  	[tilespmem:s26], [sflag:$0x2] =	stream.indirect.gather [hbm4b:s3+s23], $0x80, s25, s23, $0xb8;
	[tilespmem:$0x1F000] =	vst v63  }
0x26: {  	s28 =	simm.s32 $0x800;
	s29 =	simm.s32 $0xF000;
	s14 =	simm.s32 $0x0  }
0x27: {  	[tilespmem:s29], [sflag:$0x3] =	stream.indirect.gather [hbm4b:s3+s23], $0x80, s28, s23, $0xb8;
	[tilespmem:$0x1F000] =	vst v63  }
.LBB2_2:
0x28: {  	s1 =	sshll.u32 s14, $0x9;
	s4 =	sshll.u32 s14, $0x7  }
0x29: {  	s1 =	sand.u32 $0x7000, s1;
	s4 =	sand.u32 $0x380, s4  }
0x2a: {  	s24 =	simm.s32 $0x80;
	s1 =	sor.u32 s4, s1  }
0x2b: {  	s6 =	simm.s32 $0x13000;
	s25 =	simm.s32 $0x1;
	s1 =	sor.u32 $0xC00, s1  }
0x2c: {  	[tilespmem:s6], [sflag:$0x4] =	stream.indirect.gather [hbm4b:s3+s24], $0x80, s1, s24, $0xb8;
	[tilespmem:$0x1F000] =	vst v63  }
0x2d: {  	_ =	swait.ge [sflag:s25], $0x4000  }
0x2e: {  	p0 =	seq.s32 s14, $0x0;
	[sflag:s25] =	ssyncset.done $0x0  }
0x2f: {  	s1 =	simm.s32 @!p0 $0x5;
	[sflag:s25] =	ssyncadd.s32 $0xFFFFC000  }
0x30: {  	_ =	swait.ge @!p0 [sflag:s1], $0x2000  }
0x31: {  	[sflag:s1] =	ssyncset.done @!p0 $0x0  }
0x32: {  	s26 =	simm.s32 $0x7400;
	s19 =	simm.s32 $0xF;
	[sflag:s1] =	ssyncadd.s32 @!p0 $0xFFFFE000  }
0x33: {  	s28 =	simm.s32 $0x1;
	v5 =	vor.u32 s19, v0;
	v4 =	vld [tilespmem:s26+$0x380]  }
0x34: {  	s7 =	simm.s32 $0x2;
	v7 =	vor.u32 s28, v0;
	v6 =	vld [tilespmem:s26+$0xFFFFFC80]  }
0x35: {  	s8 =	simm.s32 $0x3;
	v9 =	vor.u32 s7, v0;
	v8 =	vld [tilespmem:s26+$0xFFFFFD00]  }
0x36: {  	s10 =	simm.s32 $0x4;
	v11 =	vor.u32 s8, v0;
	v10 =	vld [tilespmem:s26+$0xFFFFFD80]  }
0x37: {  	s29 =	simm.s32 $0x5;
	v13 =	vor.u32 s10, v0;
	v12 =	vld [tilespmem:s26+$0xFFFFFE00]  }
0x38: {  	s11 =	simm.s32 $0x6;
	v15 =	vor.u32 s29, v0;
	v14 =	vld [tilespmem:s26+$0xFFFFFE80];
	[tilespmem:v5+s21+$0x0] =	vst.idx.msk $0xffff, v4  }
0x39: {  	s13 =	simm.s32 $0x7;
	[tilespmem:v7+s21+$0x0] =	vst.idx.msk $0xffff, v6;
	v6 =	vld [tilespmem:s26+$0xFFFFFF00];
	v7 =	vor.u32 s11, v0  }
0x3a: {  	s15 =	simm.s32 $0x8;
	[tilespmem:v9+s21+$0x0] =	vst.idx.msk $0xffff, v8;
	v8 =	vld [tilespmem:s26+$0xFFFFFF80];
	v9 =	vor.u32 s13, v0  }
0x3b: {  	[tilespmem:v11+s21+$0x0] =	vst.idx.msk $0xffff, v10;
	v10 =	vld [tilespmem:s26+$0x0];
	v11 =	vor.u32 s15, v0  }
0x3c: {  	s16 =	simm.s32 $0x9;
	v5 =	vor.u32 s19, v1;
	[tilespmem:v13+s21+$0x0] =	vst.idx.msk $0xffff, v12;
	v4 =	vld [tilespmem:s26+$0x390]  }
0x3d: {  	s17 =	simm.s32 $0xA;
	[tilespmem:v15+s21+$0x0] =	vst.idx.msk $0xffff, v14;
	v12 =	vld [tilespmem:s26+$0x80];
	v13 =	vor.u32 s16, v0  }
0x3e: {  	s18 =	simm.s32 $0xB;
	v14 =	vld [tilespmem:s26+$0x100];
	v15 =	vor.u32 s17, v0;
	[tilespmem:v7+s21+$0x0] =	vst.idx.msk $0xffff, v6  }
0x3f: {  	s20 =	simm.s32 $0xC;
	[tilespmem:v9+s21+$0x0] =	vst.idx.msk $0xffff, v8;
	v6 =	vld [tilespmem:s26+$0x180];
	v7 =	vor.u32 s18, v0  }
0x40: {  	s23 =	simm.s32 $0xD;
	[tilespmem:v11+s21+$0x0] =	vst.idx.msk $0xffff, v10;
	v8 =	vld [tilespmem:s26+$0x200];
	v9 =	vor.u32 s20, v0  }
0x41: {  	v10 =	vld [tilespmem:s26+$0x280];
	v11 =	vor.u32 s23, v0;
	[tilespmem:v5+s21+$0x0] =	vst.idx.msk $0xffff, v4  }
0x42: {  	s24 =	simm.s32 $0xE;
	[tilespmem:v13+s21+$0x0] =	vst.idx.msk $0xffff, v12;
	v5 =	vor.u32 s19, v2;
	v4 =	vld [tilespmem:s26+$0x3A0]  }
0x43: {  	s22 =	simm.s32 $0x0;
	[tilespmem:v15+s21+$0x0] =	vst.idx.msk $0xffff, v14;
	v12 =	vld [tilespmem:s26+$0x300];
	v13 =	vor.u32 s24, v0  }
0x44: {  	v14 =	vld [tilespmem:s26+$0xFFFFFC00];
	v15 =	vor.u32 s22, v0;
	[tilespmem:v7+s21+$0x0] =	vst.idx.msk $0xffff, v6  }
0x45: {  	v6 =	vld [tilespmem:s26+$0xFFFFFC90];
	v7 =	vor.u32 s28, v1;
	[tilespmem:v9+s21+$0x0] =	vst.idx.msk $0xffff, v8  }
0x46: {  	v8 =	vld [tilespmem:s26+$0xFFFFFD10];
	v9 =	vor.u32 s7, v1;
	[tilespmem:v11+s21+$0x0] =	vst.idx.msk $0xffff, v10  }
0x47: {  	v10 =	vld [tilespmem:s26+$0xFFFFFD90];
	v11 =	vor.u32 s8, v1;
	[tilespmem:v5+s21+$0x0] =	vst.idx.msk $0xffff, v4  }
0x48: {  	[tilespmem:v13+s21+$0x0] =	vst.idx.msk $0xffff, v12;
	v5 =	vor.u32 s19, v3;
	v4 =	vld [tilespmem:s26+$0x3B0]  }
0x49: {  	[tilespmem:v15+s21+$0x0] =	vst.idx.msk $0xffff, v14;
	v12 =	vld [tilespmem:s26+$0xFFFFFE10];
	v13 =	vor.u32 s10, v1  }
0x4a: {  	v14 =	vld [tilespmem:s26+$0xFFFFFE90];
	v15 =	vor.u32 s29, v1;
	[tilespmem:v7+s21+$0x0] =	vst.idx.msk $0xffff, v6  }
0x4b: {  	[tilespmem:v9+s21+$0x0] =	vst.idx.msk $0xffff, v8;
	v6 =	vld [tilespmem:s26+$0xFFFFFF90];
	v7 =	vor.u32 s13, v1  }
0x4c: {  	[tilespmem:v11+s21+$0x0] =	vst.idx.msk $0xffff, v10;
	v8 =	vld [tilespmem:s26+$0x10];
	v9 =	vor.u32 s15, v1  }
0x4d: {  	[tilespmem:v5+s21+$0x0] =	vst.idx.msk $0xffff, v4;
	v4 =	vld [tilespmem:s26+$0xFFFFFF10];
	v5 =	vor.u32 s11, v1  }
0x4e: {  	[tilespmem:v13+s21+$0x0] =	vst.idx.msk $0xffff, v12;
	v10 =	vld [tilespmem:s26+$0x90];
	v11 =	vor.u32 s16, v1  }
0x4f: {  	[tilespmem:v15+s21+$0x0] =	vst.idx.msk $0xffff, v14;
	v12 =	vld [tilespmem:s26+$0x110];
	v13 =	vor.u32 s17, v1  }
0x50: {  	v14 =	vld [tilespmem:s26+$0xFFFFFC10];
	v15 =	vor.u32 s22, v1;
	[tilespmem:v7+s21+$0x0] =	vst.idx.msk $0xffff, v6  }
0x51: {  	v6 =	vld [tilespmem:s26+$0x210];
	v7 =	vor.u32 s20, v1;
	[tilespmem:v9+s21+$0x0] =	vst.idx.msk $0xffff, v8  }
0x52: {  	[tilespmem:v5+s21+$0x0] =	vst.idx.msk $0xffff, v4;
	v4 =	vld [tilespmem:s26+$0x190];
	v5 =	vor.u32 s18, v1  }
0x53: {  	v8 =	vld [tilespmem:s26+$0x290];
	v9 =	vor.u32 s23, v1;
	[tilespmem:v11+s21+$0x0] =	vst.idx.msk $0xffff, v10  }
0x54: {  	v10 =	vld [tilespmem:s26+$0x310];
	v11 =	vor.u32 s24, v1;
	[tilespmem:v13+s21+$0x0] =	vst.idx.msk $0xffff, v12  }
0x55: {  	v12 =	vld [tilespmem:s26+$0xFFFFFCA0];
	v13 =	vor.u32 s28, v2;
	[tilespmem:v15+s21+$0x0] =	vst.idx.msk $0xffff, v14  }
0x56: {  	v15 =	vor.u32 s22, v2;
	v14 =	vld [tilespmem:s26+$0xFFFFFC20];
	[tilespmem:v7+s21+$0x0] =	vst.idx.msk $0xffff, v6  }
0x57: {  	[tilespmem:v5+s21+$0x0] =	vst.idx.msk $0xffff, v4;
	v4 =	vld [tilespmem:s26+$0xFFFFFD20];
	v5 =	vor.u32 s7, v2  }
0x58: {  	v6 =	vld [tilespmem:s26+$0xFFFFFDA0];
	v7 =	vor.u32 s8, v2;
	[tilespmem:v9+s21+$0x0] =	vst.idx.msk $0xffff, v8  }
0x59: {  	[tilespmem:v11+s21+$0x0] =	vst.idx.msk $0xffff, v10;
	v10 =	vld [tilespmem:s26+$0xFFFFFEA0];
	v11 =	vor.u32 s29, v2  }
0x5a: {  	[tilespmem:v13+s21+$0x0] =	vst.idx.msk $0xffff, v12;
	v12 =	vld [tilespmem:s26+$0xFFFFFF20];
	v13 =	vor.u32 s11, v2  }
0x5b: {  	v8 =	vld [tilespmem:s26+$0xFFFFFE20];
	v9 =	vor.u32 s10, v2;
	[tilespmem:v15+s21+$0x0] =	vst.idx.msk $0xffff, v14  }
0x5c: {  	[tilespmem:v5+s21+$0x0] =	vst.idx.msk $0xffff, v4;
	v4 =	vld [tilespmem:s26+$0xFFFFFFA0];
	v5 =	vor.u32 s13, v2  }
0x5d: {  	[tilespmem:v7+s21+$0x0] =	vst.idx.msk $0xffff, v6;
	v6 =	vld [tilespmem:s26+$0x20];
	v7 =	vor.u32 s15, v2  }
0x5e: {  	[tilespmem:v11+s21+$0x0] =	vst.idx.msk $0xffff, v10;
	v10 =	vld [tilespmem:s26+$0x120];
	v11 =	vor.u32 s17, v2  }
0x5f: {  	[tilespmem:v13+s21+$0x0] =	vst.idx.msk $0xffff, v12;
	v12 =	vld [tilespmem:s26+$0x1A0];
	v13 =	vor.u32 s18, v2  }
0x60: {  	[tilespmem:v9+s21+$0x0] =	vst.idx.msk $0xffff, v8;
	v8 =	vld [tilespmem:s26+$0xA0];
	v9 =	vor.u32 s16, v2  }
0x61: {  	[tilespmem:v5+s21+$0x0] =	vst.idx.msk $0xffff, v4;
	v4 =	vld [tilespmem:s26+$0x220];
	v5 =	vor.u32 s20, v2  }
0x62: {  	[tilespmem:v7+s21+$0x0] =	vst.idx.msk $0xffff, v6;
	v6 =	vld [tilespmem:s26+$0x2A0];
	v7 =	vor.u32 s23, v2  }
0x63: {  	[tilespmem:v11+s21+$0x0] =	vst.idx.msk $0xffff, v10;
	v10 =	vld [tilespmem:s26+$0xFFFFFCB0];
	v11 =	vor.u32 s28, v3  }
0x64: {  	[tilespmem:v13+s21+$0x0] =	vst.idx.msk $0xffff, v12;
	v12 =	vld [tilespmem:s26+$0xFFFFFD30];
	v13 =	vor.u32 s7, v3  }
0x65: {  	[tilespmem:v9+s21+$0x0] =	vst.idx.msk $0xffff, v8;
	v8 =	vld [tilespmem:s26+$0x320];
	v9 =	vor.u32 s24, v2  }
0x66: {  	[tilespmem:v5+s21+$0x0] =	vst.idx.msk $0xffff, v4;
	v4 =	vld [tilespmem:s26+$0xFFFFFDB0];
	v5 =	vor.u32 s8, v3  }
0x67: {  	[tilespmem:v7+s21+$0x0] =	vst.idx.msk $0xffff, v6;
	v6 =	vld [tilespmem:s26+$0xFFFFFE30];
	v7 =	vor.u32 s10, v3  }
0x68: {  	[tilespmem:v11+s21+$0x0] =	vst.idx.msk $0xffff, v10;
	v10 =	vld [tilespmem:s26+$0xFFFFFF30];
	v11 =	vor.u32 s11, v3  }
0x69: {  	[tilespmem:v13+s21+$0x0] =	vst.idx.msk $0xffff, v12;
	v12 =	vld [tilespmem:s26+$0xFFFFFFB0];
	v13 =	vor.u32 s13, v3  }
0x6a: {  	v16 =	vor.u32 s17, v3;
	v15 =	vld [tilespmem:s26+$0x130];
	[tilespmem:v9+s21+$0x0] =	vst.idx.msk $0xffff, v8  }
0x6b: {  	[tilespmem:v5+s21+$0x0] =	vst.idx.msk $0xffff, v4;
	v4 =	vld [tilespmem:s26+$0x30];
	v5 =	vor.u32 s15, v3  }
0x6c: {  	v8 =	vld [tilespmem:s26+$0xFFFFFEB0];
	v9 =	vor.u32 s29, v3;
	[tilespmem:v7+s21+$0x0] =	vst.idx.msk $0xffff, v6  }
0x6d: {  	v14 =	vor.u32 s16, v3;
	v6 =	vld [tilespmem:s26+$0xB0];
	[tilespmem:v11+s21+$0x0] =	vst.idx.msk $0xffff, v10  }
0x6e: {  	v11 =	vld [tilespmem:s26+$0x1B0];
	[tilespmem:v13+s21+$0x0] =	vst.idx.msk $0xffff, v12;
	v13 =	vor.u32 s18, v3  }
0x6f: {  	[tilespmem:v16+s21+$0x0] =	vst.idx.msk $0xffff, v15;
	v7 =	vld [tilespmem:s26+$0x230];
	v12 =	vor.u32 s20, v3  }
0x70: {  	v10 =	vor.u32 s23, v3;
	[tilespmem:v5+s21+$0x0] =	vst.idx.msk $0xffff, v4;
	v4 =	vld [tilespmem:s26+$0x2B0]  }
0x71: {  	s4 =	simm.s32 $0x20;
	s6 =	simm.s32 $0x7C00;
	[tilespmem:v9+s21+$0x0] =	vst.idx.msk $0xffff, v8;
	v8 =	vor.u32 s24, v3;
	v5 =	vld [tilespmem:s26+$0x330]  }
0x72: {  	s19 =	simm.s32 $0x10;
	s13 =	sshll.u32 s14, $0x2;
	s18 =	simm.s32 $0x1F;
	v9 =	vor.u32 s22, v3;
	[tilespmem:v14+s21+$0x0] =	vst.idx.msk $0xffff, v6;
	v6 =	vld [tilespmem:s26+$0xFFFFFC30]  }
.LBB2_3:
0x73: {  	p1 =	slt.u32 s4, $0x70;
	s8 =	sadd.s32 $0x1, s19;
	v14 =	vld [tilespmem:s6+$0x380];
	v15 =	vor.u32 s18, v0;
	[tilespmem:v13+s21+$0x0] =	vst.idx.msk $0xffff, v11;
	s7 =	smov.u32 s19  }
0x74: {  	s19 =	smov.u32 s4;
	v11 =	vld [tilespmem:s6+$0xFFFFFC80];
	v13 =	vor.u32 s8, v0;
	s22 =	sadd.s32 $0x2, s7;
	[tilespmem:v12+s21+$0x0] =	vst.idx.msk $0xffff, v7  }
0x75: {  	s23 =	sadd.s32 $0x3, s7;
	v7 =	vld [tilespmem:s6+$0xFFFFFD00];
	v12 =	vor.u32 s22, v0;
	[tilespmem:v10+s21+$0x0] =	vst.idx.msk $0xffff, v4  }
0x76: {  	s24 =	sadd.s32 $0x4, s7;
	v10 =	vor.u32 s23, v0;
	v4 =	vld [tilespmem:s6+$0xFFFFFD80];
	[tilespmem:v8+s21+$0x0] =	vst.idx.msk $0xffff, v5  }
0x77: {  	s25 =	sadd.s32 $0x5, s7;
	v8 =	vor.u32 s24, v0;
	v5 =	vld [tilespmem:s6+$0xFFFFFE00];
	[tilespmem:v9+s21+$0x0] =	vst.idx.msk $0xffff, v6  }
0x78: {  	v9 =	vor.u32 s25, v0;
	v6 =	vld [tilespmem:s6+$0xFFFFFE80];
	[tilespmem:v15+s21+$0x0] =	vst.idx.msk $0xffff, v14  }
0x79: {  	s26 =	sadd.s32 $0x6, s7;
	[tilespmem:v13+s21+$0x0] =	vst.idx.msk $0xffff, v11;
	v11 =	vld [tilespmem:s6+$0x390];
	v13 =	vor.u32 s18, v1  }
0x7a: {  	s28 =	sadd.s32 $0x7, s7;
	[tilespmem:v12+s21+$0x0] =	vst.idx.msk $0xffff, v7;
	v7 =	vld [tilespmem:s6+$0xFFFFFF00];
	v12 =	vor.u32 s26, v0  }
0x7b: {  	s29 =	sadd.s32 $0x8, s7;
	[tilespmem:v10+s21+$0x0] =	vst.idx.msk $0xffff, v4;
	v4 =	vld [tilespmem:s6+$0xFFFFFF80];
	v10 =	vor.u32 s28, v0  }
0x7c: {  	s1 =	sadd.s32 $0x9, s7;
	[tilespmem:v8+s21+$0x0] =	vst.idx.msk $0xffff, v5;
	v5 =	vld [tilespmem:s6+$0x0];
	v8 =	vor.u32 s29, v0  }
0x7d: {  	s10 =	sadd.s32 $0xA, s7;
	[tilespmem:v9+s21+$0x0] =	vst.idx.msk $0xffff, v6;
	v6 =	vld [tilespmem:s6+$0x80];
	v9 =	vor.u32 s1, v0  }
0x7e: {  	v15 =	vor.u32 s10, v0;
	v14 =	vld [tilespmem:s6+$0x100];
	[tilespmem:v13+s21+$0x0] =	vst.idx.msk $0xffff, v11  }
0x7f: {  	s11 =	sadd.s32 $0xB, s7;
	v11 =	vor.u32 s18, v2;
	[tilespmem:v12+s21+$0x0] =	vst.idx.msk $0xffff, v7;
	v7 =	vld [tilespmem:s6+$0x3A0]  }
0x80: {  	s15 =	sadd.s32 $0xC, s7;
	[tilespmem:v10+s21+$0x0] =	vst.idx.msk $0xffff, v4;
	v4 =	vld [tilespmem:s6+$0x180];
	v10 =	vor.u32 s11, v0  }
0x81: {  	s16 =	sadd.s32 $0xD, s7;
	[tilespmem:v8+s21+$0x0] =	vst.idx.msk $0xffff, v5;
	v5 =	vld [tilespmem:s6+$0x200];
	v8 =	vor.u32 s15, v0  }
0x82: {  	s17 =	sadd.s32 $0xE, s7;
	[tilespmem:v9+s21+$0x0] =	vst.idx.msk $0xffff, v6;
	v6 =	vld [tilespmem:s6+$0x280];
	v9 =	vor.u32 s16, v0  }
0x83: {  	v13 =	vor.u32 s17, v0;
	[tilespmem:v15+s21+$0x0] =	vst.idx.msk $0xffff, v14;
	v12 =	vld [tilespmem:s6+$0x300]  }
0x84: {  	v15 =	vor.u32 s7, v0;
	v14 =	vld [tilespmem:s6+$0xFFFFFC00];
	[tilespmem:v11+s21+$0x0] =	vst.idx.msk $0xffff, v7  }
0x85: {  	v7 =	vor.u32 s18, v3;
	[tilespmem:v10+s21+$0x0] =	vst.idx.msk $0xffff, v4;
	v4 =	vld [tilespmem:s6+$0x3B0]  }
0x86: {  	v11 =	vor.u32 s8, v1;
	v10 =	vld [tilespmem:s6+$0xFFFFFC90];
	[tilespmem:v8+s21+$0x0] =	vst.idx.msk $0xffff, v5  }
0x87: {  	v8 =	vor.u32 s22, v1;
	v5 =	vld [tilespmem:s6+$0xFFFFFD10];
	[tilespmem:v9+s21+$0x0] =	vst.idx.msk $0xffff, v6  }
0x88: {  	v9 =	vor.u32 s23, v1;
	v6 =	vld [tilespmem:s6+$0xFFFFFD90];
	[tilespmem:v13+s21+$0x0] =	vst.idx.msk $0xffff, v12  }
0x89: {  	v13 =	vor.u32 s24, v1;
	[tilespmem:v15+s21+$0x0] =	vst.idx.msk $0xffff, v14;
	v12 =	vld [tilespmem:s6+$0xFFFFFE10]  }
0x8a: {  	v15 =	vor.u32 s25, v1;
	v14 =	vld [tilespmem:s6+$0xFFFFFE90];
	[tilespmem:v7+s21+$0x0] =	vst.idx.msk $0xffff, v4  }
0x8b: {  	v7 =	vor.u32 s26, v1;
	[tilespmem:v11+s21+$0x0] =	vst.idx.msk $0xffff, v10;
	v4 =	vld [tilespmem:s6+$0xFFFFFF10]  }
0x8c: {  	[tilespmem:v8+s21+$0x0] =	vst.idx.msk $0xffff, v5;
	v5 =	vld [tilespmem:s6+$0xFFFFFF90];
	v8 =	vor.u32 s28, v1  }
0x8d: {  	[tilespmem:v9+s21+$0x0] =	vst.idx.msk $0xffff, v6;
	v6 =	vld [tilespmem:s6+$0x10];
	v9 =	vor.u32 s29, v1  }
0x8e: {  	v11 =	vor.u32 s1, v1;
	[tilespmem:v13+s21+$0x0] =	vst.idx.msk $0xffff, v12;
	v10 =	vld [tilespmem:s6+$0x90]  }
0x8f: {  	v13 =	vor.u32 s10, v1;
	[tilespmem:v15+s21+$0x0] =	vst.idx.msk $0xffff, v14;
	v12 =	vld [tilespmem:s6+$0x110]  }
0x90: {  	[tilespmem:v7+s21+$0x0] =	vst.idx.msk $0xffff, v4;
	v4 =	vld [tilespmem:s6+$0x190];
	v7 =	vor.u32 s11, v1  }
0x91: {  	[tilespmem:v8+s21+$0x0] =	vst.idx.msk $0xffff, v5;
	v5 =	vld [tilespmem:s6+$0x210];
	v8 =	vor.u32 s15, v1  }
0x92: {  	[tilespmem:v9+s21+$0x0] =	vst.idx.msk $0xffff, v6;
	v6 =	vld [tilespmem:s6+$0x290];
	v9 =	vor.u32 s16, v1  }
0x93: {  	[tilespmem:v11+s21+$0x0] =	vst.idx.msk $0xffff, v10;
	v10 =	vld [tilespmem:s6+$0x310];
	v11 =	vor.u32 s17, v1  }
0x94: {  	v15 =	vor.u32 s7, v1;
	v14 =	vld [tilespmem:s6+$0xFFFFFC10];
	[tilespmem:v13+s21+$0x0] =	vst.idx.msk $0xffff, v12  }
0x95: {  	v13 =	vor.u32 s8, v2;
	v12 =	vld [tilespmem:s6+$0xFFFFFCA0];
	[tilespmem:v7+s21+$0x0] =	vst.idx.msk $0xffff, v4  }
0x96: {  	v7 =	vor.u32 s22, v2;
	v4 =	vld [tilespmem:s6+$0xFFFFFD20];
	[tilespmem:v8+s21+$0x0] =	vst.idx.msk $0xffff, v5  }
0x97: {  	v8 =	vor.u32 s23, v2;
	v5 =	vld [tilespmem:s6+$0xFFFFFDA0];
	[tilespmem:v9+s21+$0x0] =	vst.idx.msk $0xffff, v6  }
0x98: {  	v9 =	vor.u32 s24, v2;
	v6 =	vld [tilespmem:s6+$0xFFFFFE20];
	[tilespmem:v11+s21+$0x0] =	vst.idx.msk $0xffff, v10  }
0x99: {  	v11 =	vor.u32 s25, v2;
	[tilespmem:v15+s21+$0x0] =	vst.idx.msk $0xffff, v14;
	v10 =	vld [tilespmem:s6+$0xFFFFFEA0]  }
0x9a: {  	[tilespmem:v13+s21+$0x0] =	vst.idx.msk $0xffff, v12;
	v12 =	vld [tilespmem:s6+$0xFFFFFF20];
	v13 =	vor.u32 s26, v2  }
0x9b: {  	[tilespmem:v7+s21+$0x0] =	vst.idx.msk $0xffff, v4;
	v4 =	vld [tilespmem:s6+$0xFFFFFFA0];
	v7 =	vor.u32 s28, v2  }
0x9c: {  	[tilespmem:v8+s21+$0x0] =	vst.idx.msk $0xffff, v5;
	v5 =	vld [tilespmem:s6+$0x20];
	v8 =	vor.u32 s29, v2  }
0x9d: {  	[tilespmem:v9+s21+$0x0] =	vst.idx.msk $0xffff, v6;
	v6 =	vld [tilespmem:s6+$0xA0];
	v9 =	vor.u32 s1, v2  }
0x9e: {  	[tilespmem:v11+s21+$0x0] =	vst.idx.msk $0xffff, v10;
	v10 =	vld [tilespmem:s6+$0x120];
	v11 =	vor.u32 s10, v2  }
0x9f: {  	[tilespmem:v13+s21+$0x0] =	vst.idx.msk $0xffff, v12;
	v12 =	vld [tilespmem:s6+$0x1A0];
	v13 =	vor.u32 s11, v2  }
0xa0: {  	[tilespmem:v7+s21+$0x0] =	vst.idx.msk $0xffff, v4;
	v4 =	vld [tilespmem:s6+$0x220];
	v7 =	vor.u32 s15, v2  }
0xa1: {  	[tilespmem:v8+s21+$0x0] =	vst.idx.msk $0xffff, v5;
	v5 =	vld [tilespmem:s6+$0x2A0];
	v8 =	vor.u32 s16, v2  }
0xa2: {  	[tilespmem:v9+s21+$0x0] =	vst.idx.msk $0xffff, v6;
	v6 =	vld [tilespmem:s6+$0x320];
	v9 =	vor.u32 s17, v2  }
0xa3: {  	v15 =	vor.u32 s7, v2;
	v14 =	vld [tilespmem:s6+$0xFFFFFC20];
	[tilespmem:v11+s21+$0x0] =	vst.idx.msk $0xffff, v10  }
0xa4: {  	v11 =	vor.u32 s8, v3;
	v10 =	vld [tilespmem:s6+$0xFFFFFCB0];
	[tilespmem:v13+s21+$0x0] =	vst.idx.msk $0xffff, v12  }
0xa5: {  	v13 =	vor.u32 s22, v3;
	v12 =	vld [tilespmem:s6+$0xFFFFFD30];
	[tilespmem:v7+s21+$0x0] =	vst.idx.msk $0xffff, v4  }
0xa6: {  	v7 =	vor.u32 s23, v3;
	v4 =	vld [tilespmem:s6+$0xFFFFFDB0];
	[tilespmem:v8+s21+$0x0] =	vst.idx.msk $0xffff, v5  }
0xa7: {  	v8 =	vor.u32 s24, v3;
	v5 =	vld [tilespmem:s6+$0xFFFFFE30];
	[tilespmem:v9+s21+$0x0] =	vst.idx.msk $0xffff, v6  }
0xa8: {  	v9 =	vor.u32 s25, v3;
	[tilespmem:v15+s21+$0x0] =	vst.idx.msk $0xffff, v14;
	v6 =	vld [tilespmem:s6+$0xFFFFFEB0]  }
0xa9: {  	[tilespmem:v11+s21+$0x0] =	vst.idx.msk $0xffff, v10;
	v10 =	vld [tilespmem:s6+$0xFFFFFF30];
	v11 =	vor.u32 s26, v3  }
0xaa: {  	v14 =	vor.u32 s28, v3;
	[tilespmem:v13+s21+$0x0] =	vst.idx.msk $0xffff, v12;
	v12 =	vld [tilespmem:s6+$0xFFFFFFB0]  }
0xab: {  	v15 =	vor.u32 s29, v3;
	[tilespmem:v7+s21+$0x0] =	vst.idx.msk $0xffff, v4;
	v4 =	vld [tilespmem:s6+$0x30]  }
0xac: {  	[tilespmem:v8+s21+$0x0] =	vst.idx.msk $0xffff, v5;
	v5 =	vld [tilespmem:s6+$0xB0];
	v8 =	vor.u32 s1, v3  }
0xad: {  	v17 =	vor.u32 s10, v3;
	[tilespmem:v9+s21+$0x0] =	vst.idx.msk $0xffff, v6;
	v16 =	vld [tilespmem:s6+$0x130]  }
.Ltmp0:
0xae: {  	v13 =	vor.u32 s11, v3;
	[tilespmem:v11+s21+$0x0] =	vst.idx.msk $0xffff, v10;
	v11 =	vld [tilespmem:s6+$0x1B0];
	(pc) =	sbr.rel @p1 .LBB2_3-.Ltmp0, $4  }
0xaf: {  	[tilespmem:v14+s21+$0x0] =	vst.idx.msk $0xffff, v12;
	v7 =	vld [tilespmem:s6+$0x230];
	v12 =	vor.u32 s15, v3  }
0xb0: {  	v10 =	vor.u32 s16, v3;
	[tilespmem:v15+s21+$0x0] =	vst.idx.msk $0xffff, v4;
	v4 =	vld [tilespmem:s6+$0x2B0]  }
0xb1: {  	[tilespmem:v8+s21+$0x0] =	vst.idx.msk $0xffff, v5;
	v5 =	vld [tilespmem:s6+$0x330];
	v8 =	vor.u32 s17, v3  }
0xb2: {  	s4 =	sadd.s32 $0x10, s4;
	s18 =	sadd.s32 $0xF, s19;
	v9 =	vor.u32 s7, v3;
	v6 =	vld [tilespmem:s6+$0xFFFFFC30];
	[tilespmem:v17+s21+$0x0] =	vst.idx.msk $0xffff, v16;
	s6 =	sadd.s32 $0x800, s6  }
0xb3: {  	_ =	sdelay $0x3  }
0xb4: {  	v14 =	vld [tilespmem:s6+$0x380];
	v15 =	vor.u32 s18, v0;
	[tilespmem:v13+s21+$0x0] =	vst.idx.msk $0xffff, v11  }
0xb5: {  	s1 =	sadd.s32 $0x1, s19;
	v36 =	vld [tilespmem:s6+$0xFFFFFC00];
	v37 =	vor.u32 s19, v0;
	[tilespmem:v12+s21+$0x0] =	vst.idx.msk $0xffff, v7  }
0xb6: {  	v58 =	vld [tilespmem:s6+$0xFFFFFC80];
	s4 =	sadd.s32 $0x2, s19;
	v59 =	vor.u32 s1, v0;
	[tilespmem:v10+s21+$0x0] =	vst.idx.msk $0xffff, v4  }
0xb7: {  	v60 =	vld [tilespmem:s6+$0xFFFFFD00];
	s10 =	sadd.s32 $0x5, s19;
	v61 =	vor.u32 s4, v0;
	[tilespmem:v8+s21+$0x0] =	vst.idx.msk $0xffff, v5  }
0xb8: {  	v16 =	vld [tilespmem:s6+$0xFFFFFE80];
	s11 =	sadd.s32 $0x6, s19;
	v17 =	vor.u32 s10, v0;
	[tilespmem:v9+s21+$0x0] =	vst.idx.msk $0xffff, v6  }
0xb9: {  	v20 =	vld [tilespmem:s6+$0xFFFFFF00];
	s17 =	sadd.s32 $0x9, s19;
	v21 =	vor.u32 s11, v0;
	[tilespmem:v15+s21+$0x0] =	vst.idx.msk $0xffff, v14  }
0xba: {  	s7 =	sadd.s32 $0x3, s19;
	v24 =	vld [tilespmem:s6+$0x80];
	v25 =	vor.u32 s17, v0;
	[tilespmem:v37+s21+$0x0] =	vst.idx.msk $0xffff, v36  }
0xbb: {  	s8 =	sadd.s32 $0x4, s19;
	v62 =	vor.u32 s7, v0;
	v4 =	vld [tilespmem:s6+$0xFFFFFD80];
	[tilespmem:v59+s21+$0x0] =	vst.idx.msk $0xffff, v58  }
0xbc: {  	s20 =	sadd.s32 $0xA, s19;
	v63 =	vor.u32 s8, v0;
	v5 =	vld [tilespmem:s6+$0xFFFFFE00];
	[tilespmem:v61+s21+$0x0] =	vst.idx.msk $0xffff, v60  }
0xbd: {  	v26 =	vld [tilespmem:s6+$0x100];
	v27 =	vor.u32 s20, v0;
	[tilespmem:v17+s21+$0x0] =	vst.idx.msk $0xffff, v16  }
0xbe: {  	v19 =	vor.u32 s18, v1;
	s25 =	sadd.s32 $0xD, s19;
	v18 =	vld [tilespmem:s6+$0x390];
	[tilespmem:v21+s21+$0x0] =	vst.idx.msk $0xffff, v20  }
0xbf: {  	s15 =	sadd.s32 $0x7, s19;
	v32 =	vld [tilespmem:s6+$0x280];
	v33 =	vor.u32 s25, v0;
	[tilespmem:v25+s21+$0x0] =	vst.idx.msk $0xffff, v24  }
0xc0: {  	s16 =	sadd.s32 $0x8, s19;
	v22 =	vor.u32 s15, v0;
	[tilespmem:v62+s21+$0x0] =	vst.idx.msk $0xffff, v4;
	v4 =	vld [tilespmem:s6+$0xFFFFFF80]  }
0xc1: {  	s24 =	sadd.s32 $0xE, s19;
	v23 =	vor.u32 s16, v0;
	[tilespmem:v63+s21+$0x0] =	vst.idx.msk $0xffff, v5;
	v5 =	vld [tilespmem:s6+$0x0]  }
0xc2: {  	v34 =	vld [tilespmem:s6+$0x300];
	v35 =	vor.u32 s24, v0;
	[tilespmem:v27+s21+$0x0] =	vst.idx.msk $0xffff, v26  }
0xc3: {  	v40 =	vor.u32 s1, v1;
	v39 =	vld [tilespmem:s6+$0xFFFFFC90];
	[tilespmem:v19+s21+$0x0] =	vst.idx.msk $0xffff, v18  }
0xc4: {  	s22 =	sadd.s32 $0xB, s19;
	v29 =	vor.u32 s18, v2;
	[tilespmem:v33+s21+$0x0] =	vst.idx.msk $0xffff, v32;
	v28 =	vld [tilespmem:s6+$0x3A0]  }
0xc5: {  	s23 =	sadd.s32 $0xC, s19;
	v30 =	vor.u32 s22, v0;
	[tilespmem:v22+s21+$0x0] =	vst.idx.msk $0xffff, v4;
	v4 =	vld [tilespmem:s6+$0x180]  }
0xc6: {  	v31 =	vor.u32 s23, v0;
	[tilespmem:v23+s21+$0x0] =	vst.idx.msk $0xffff, v5;
	v5 =	vld [tilespmem:s6+$0x200]  }
0xc7: {  	v47 =	vor.u32 s10, v1;
	[tilespmem:v35+s21+$0x0] =	vst.idx.msk $0xffff, v34;
	v46 =	vld [tilespmem:s6+$0xFFFFFE90]  }
0xc8: {  	v53 =	vor.u32 s17, v1;
	v52 =	vld [tilespmem:s6+$0x90];
	[tilespmem:v40+s21+$0x0] =	vst.idx.msk $0xffff, v39  }
0xc9: {  	v55 =	vor.u32 s20, v1;
	v54 =	vld [tilespmem:s6+$0x110];
	[tilespmem:v29+s21+$0x0] =	vst.idx.msk $0xffff, v28  }
0xca: {  	v38 =	vor.u32 s18, v3;
	[tilespmem:v30+s21+$0x0] =	vst.idx.msk $0xffff, v4;
	v4 =	vld [tilespmem:s6+$0x3B0]  }
0xcb: {  	v41 =	vor.u32 s4, v1;
	[tilespmem:v31+s21+$0x0] =	vst.idx.msk $0xffff, v5;
	v5 =	vld [tilespmem:s6+$0xFFFFFD10]  }
0xcc: {  	v59 =	vor.u32 s25, v1;
	v58 =	vld [tilespmem:s6+$0x290];
	[tilespmem:v47+s21+$0x0] =	vst.idx.msk $0xffff, v46  }
0xcd: {  	v61 =	vor.u32 s24, v1;
	v60 =	vld [tilespmem:s6+$0x310];
	[tilespmem:v53+s21+$0x0] =	vst.idx.msk $0xffff, v52  }
0xce: {  	v43 =	vor.u32 s7, v1;
	v42 =	vld [tilespmem:s6+$0xFFFFFD90];
	[tilespmem:v55+s21+$0x0] =	vst.idx.msk $0xffff, v54  }
0xcf: {  	v48 =	vor.u32 s11, v1;
	[tilespmem:v38+s21+$0x0] =	vst.idx.msk $0xffff, v4;
	v4 =	vld [tilespmem:s6+$0xFFFFFF10]  }
0xd0: {  	v49 =	vor.u32 s15, v1;
	[tilespmem:v41+s21+$0x0] =	vst.idx.msk $0xffff, v5;
	v5 =	vld [tilespmem:s6+$0xFFFFFF90]  }
0xd1: {  	v62 =	vld [tilespmem:s6+$0xFFFFFC10];
	v63 =	vor.u32 s19, v1;
	[tilespmem:v59+s21+$0x0] =	vst.idx.msk $0xffff, v58  }
0xd2: {  	v45 =	vor.u32 s8, v1;
	v44 =	vld [tilespmem:s6+$0xFFFFFE10];
	[tilespmem:v61+s21+$0x0] =	vst.idx.msk $0xffff, v60  }
0xd3: {  	v18 =	vor.u32 s1, v2;
	[tilespmem:v43+s21+$0x0] =	vst.idx.msk $0xffff, v42;
	v17 =	vld [tilespmem:s6+$0xFFFFFCA0]  }
0xd4: {  	v56 =	vor.u32 s22, v1;
	[tilespmem:v48+s21+$0x0] =	vst.idx.msk $0xffff, v4;
	v4 =	vld [tilespmem:s6+$0x190]  }
0xd5: {  	v57 =	vor.u32 s23, v1;
	[tilespmem:v49+s21+$0x0] =	vst.idx.msk $0xffff, v5;
	v5 =	vld [tilespmem:s6+$0x210]  }
0xd6: {  	v24 =	vor.u32 s10, v2;
	[tilespmem:v63+s21+$0x0] =	vst.idx.msk $0xffff, v62;
	v23 =	vld [tilespmem:s6+$0xFFFFFEA0]  }
0xd7: {  	v51 =	vor.u32 s16, v1;
	v50 =	vld [tilespmem:s6+$0x10];
	[tilespmem:v45+s21+$0x0] =	vst.idx.msk $0xffff, v44  }
0xd8: {  	v39 =	vor.u32 s19, v2;
	v14 =	vld [tilespmem:s6+$0xFFFFFC20];
	[tilespmem:v18+s21+$0x0] =	vst.idx.msk $0xffff, v17  }
0xd9: {  	v19 =	vor.u32 s4, v2;
	[tilespmem:v56+s21+$0x0] =	vst.idx.msk $0xffff, v4;
	v4 =	vld [tilespmem:s6+$0xFFFFFD20]  }
0xda: {  	v20 =	vor.u32 s7, v2;
	[tilespmem:v57+s21+$0x0] =	vst.idx.msk $0xffff, v5;
	v5 =	vld [tilespmem:s6+$0xFFFFFDA0]  }
0xdb: {  	v22 =	vor.u32 s8, v2;
	v21 =	vld [tilespmem:s6+$0xFFFFFE20];
	[tilespmem:v24+s21+$0x0] =	vst.idx.msk $0xffff, v23  }
0xdc: {  	v29 =	vld [tilespmem:s6+$0xA0];
	v30 =	vor.u32 s17, v2;
	[tilespmem:v51+s21+$0x0] =	vst.idx.msk $0xffff, v50  }
0xdd: {  	v32 =	vor.u32 s20, v2;
	v31 =	vld [tilespmem:s6+$0x120];
	[tilespmem:v39+s21+$0x0] =	vst.idx.msk $0xffff, v14  }
0xde: {  	v27 =	vor.u32 s15, v2;
	[tilespmem:v19+s21+$0x0] =	vst.idx.msk $0xffff, v4;
	v4 =	vld [tilespmem:s6+$0xFFFFFFA0]  }
0xdf: {  	v28 =	vor.u32 s16, v2;
	[tilespmem:v20+s21+$0x0] =	vst.idx.msk $0xffff, v5;
	v5 =	vld [tilespmem:s6+$0x20]  }
0xe0: {  	v46 =	vor.u32 s10, v3;
	v47 =	vld [tilespmem:s6+$0xFFFFFEB0];
	[tilespmem:v22+s21+$0x0] =	vst.idx.msk $0xffff, v21  }
0xe1: {  	v63 =	vor.u32 s19, v3;
	v62 =	vld [tilespmem:s6+$0xFFFFFC30];
	[tilespmem:v30+s21+$0x0] =	vst.idx.msk $0xffff, v29  }
0xe2: {  	v37 =	vld [tilespmem:s6+$0x320];
	v38 =	vor.u32 s24, v2;
	[tilespmem:v32+s21+$0x0] =	vst.idx.msk $0xffff, v31  }
0xe3: {  	v35 =	vor.u32 s23, v2;
	[tilespmem:v27+s21+$0x0] =	vst.idx.msk $0xffff, v4;
	v4 =	vld [tilespmem:s6+$0x220]  }
0xe4: {  	v36 =	vor.u32 s25, v2;
	[tilespmem:v28+s21+$0x0] =	vst.idx.msk $0xffff, v5;
	v5 =	vld [tilespmem:s6+$0x2A0]  }
0xe5: {  	v26 =	vor.u32 s11, v2;
	[tilespmem:v46+s21+$0x0] =	vst.idx.msk $0xffff, v47;
	v25 =	vld [tilespmem:s6+$0xFFFFFF20]  }
0xe6: {  	v40 =	vor.u32 s1, v3;
	v41 =	vld [tilespmem:s6+$0xFFFFFCB0];
	[tilespmem:v63+s21+$0x0] =	vst.idx.msk $0xffff, v62  }
0xe7: {  	v34 =	vor.u32 s22, v2;
	[tilespmem:v38+s21+$0x0] =	vst.idx.msk $0xffff, v37;
	v33 =	vld [tilespmem:s6+$0x1A0]  }
0xe8: {  	v44 =	vld [tilespmem:s6+$0xFFFFFDB0];
	[tilespmem:v35+s21+$0x0] =	vst.idx.msk $0xffff, v4;
	v4 =	vor.u32 s7, v3  }
0xe9: {  	v45 =	vld [tilespmem:s6+$0xFFFFFE30];
	[tilespmem:v36+s21+$0x0] =	vst.idx.msk $0xffff, v5;
	v5 =	vor.u32 s8, v3  }
0xea: {  	v54 =	vor.u32 s20, v3;
	v55 =	vld [tilespmem:s6+$0x130];
	[tilespmem:v26+s21+$0x0] =	vst.idx.msk $0xffff, v25  }
0xeb: {  	v48 =	vor.u32 s11, v3;
	[tilespmem:v40+s21+$0x0] =	vst.idx.msk $0xffff, v41;
	v49 =	vld [tilespmem:s6+$0xFFFFFF30]  }
0xec: {  	v42 =	vor.u32 s4, v3;
	[tilespmem:v34+s21+$0x0] =	vst.idx.msk $0xffff, v33;
	v43 =	vld [tilespmem:s6+$0xFFFFFD30]  }
0xed: {  	v52 =	vor.u32 s16, v3;
	[tilespmem:v4+s21+$0x0] =	vst.idx.msk $0xffff, v44;
	v4 =	vld [tilespmem:s6+$0x30]  }
0xee: {  	v53 =	vor.u32 s17, v3;
	[tilespmem:v5+s21+$0x0] =	vst.idx.msk $0xffff, v45;
	v5 =	vld [tilespmem:s6+$0xB0]  }
0xef: {  	[tilespmem:v54+s21+$0x0] =	vst.idx.msk $0xffff, v55;
	v56 =	vor.u32 s22, v3;
	v57 =	vld [tilespmem:s6+$0x1B0]  }
0xf0: {  	v50 =	vor.u32 s15, v3;
	[tilespmem:v48+s21+$0x0] =	vst.idx.msk $0xffff, v49;
	v51 =	vld [tilespmem:s6+$0xFFFFFFB0]  }
0xf1: {  	v58 =	vor.u32 s23, v3;
	[tilespmem:v42+s21+$0x0] =	vst.idx.msk $0xffff, v43;
	v59 =	vld [tilespmem:s6+$0x230]  }
0xf2: {  	v60 =	vor.u32 s25, v3;
	[tilespmem:v52+s21+$0x0] =	vst.idx.msk $0xffff, v4;
	v4 =	vld [tilespmem:s6+$0x2B0]  }
0xf3: {  	v61 =	vor.u32 s24, v3;
	[tilespmem:v53+s21+$0x0] =	vst.idx.msk $0xffff, v5;
	v5 =	vld [tilespmem:s6+$0x330]  }
0xf4: {  	[tilespmem:v56+s21+$0x0] =	vst.idx.msk $0xffff, v57  }
0xf5: {  	[tilespmem:v50+s21+$0x0] =	vst.idx.msk $0xffff, v51  }
0xf6: {  	[tilespmem:v58+s21+$0x0] =	vst.idx.msk $0xffff, v59  }
0xf7: {  	[tilespmem:v60+s21+$0x0] =	vst.idx.msk $0xffff, v4  }
0xf8: {  	[tilespmem:v61+s21+$0x0] =	vst.idx.msk $0xffff, v5  }
0xf9: {  	s19 =	sshll.u32 s14, $0x11;
	s10 =	rddreg [dreg:$0x4]  }
0xfa: {  	s1 =	sadd.s32 s19, s10  }
0xfb: {  	[hbm4b:s1+s2] =	stream.linear.scatter [tilespmem:s21], [sflag:$0x5], $0x400, $0x38;
	[tilespmem:$0x1F000] =	vst v63  }
0xfc: {  	s15 =	simm.s32 $0x17800;
	s11 =	sadd.s32 $0x4000, s1  }
0xfd: {  	[hbm4b:s11+s2] =	stream.linear.scatter [tilespmem:s15], [sflag:$0x5], $0x400, $0x38;
	[tilespmem:$0x1F000] =	vst v63  }
0xfe: {  	s17 =	simm.s32 $0x18000;
	s16 =	sadd.s32 $0x8000, s1  }
0xff: {  	[hbm4b:s16+s2] =	stream.linear.scatter [tilespmem:s17], [sflag:$0x5], $0x400, $0x38;
	[tilespmem:$0x1F000] =	vst v63  }
0x100: {  	s20 =	simm.s32 $0x18800;
	s18 =	sadd.s32 $0xC000, s1  }
0x101: {  	[hbm4b:s18+s2] =	stream.linear.scatter [tilespmem:s20], [sflag:$0x5], $0x400, $0x38;
	[tilespmem:$0x1F000] =	vst v63  }
0x102: {  	s23 =	simm.s32 $0x19000;
	s22 =	sadd.s32 $0x10000, s1  }
0x103: {  	[hbm4b:s22+s2] =	stream.linear.scatter [tilespmem:s23], [sflag:$0x5], $0x400, $0x38;
	[tilespmem:$0x1F000] =	vst v63  }
0x104: {  	p1 =	sne.s32 s14, $0x31;
	s25 =	simm.s32 $0x19800;
	s24 =	sadd.s32 $0x14000, s1  }
0x105: {  	[hbm4b:s24+s2] =	stream.linear.scatter [tilespmem:s25], [sflag:$0x5], $0x400, $0x38;
	[tilespmem:$0x1F000] =	vst v63  }
.Ltmp1:
0x106: {  	_ = 	snop;
	(pc) =	sbr.rel @p1 .LBB2_6-.Ltmp1, $4  }
0x107: {  	s28 =	simm.s32 $0x1A000;
	s26 =	sadd.s32 $0x18000, s1  }
0x108: {  	[hbm4b:s26+s2] =	stream.linear.scatter [tilespmem:s28], [sflag:$0x5], $0x400, $0x38;
	[tilespmem:$0x1F000] =	vst v63  }
0x109: {  	s29 =	simm.s32 $0x1A800;
	s1 =	sadd.s32 $0x1C000, s1  }
0x10a: {  	[hbm4b:s1+s2] =	stream.linear.scatter [tilespmem:s29], [sflag:$0x5], $0x400, $0x38;
	[tilespmem:$0x1F000] =	vst v63  }
.Ltmp2:
0x10b: {  	(pc) =	sbr.rel .LBB2_7-.Ltmp2, $4  }
0x10c: {  	_ = 	snop  }
0x10d: {  	_ =	swait.ge [sflag:s30], $0x4000  }
0x10e: {  	[sflag:s30] =	ssyncset.done $0x0  }
0x10f: {  	[sflag:s30] =	ssyncadd.s32 $0xFFFFC000  }
.LBB2_6:
0x110: {  	s1 =	sadd.s32 $0x4, s13  }
0x111: {  	s4 =	sshll.u32 s1, $0x7;
	s1 =	sshll.u32 s1, $0x5  }
0x112: {  	s29 =	simm.s32 $0x80;
	s4 =	sand.u32 $0xF000, s4;
	s1 =	sand.u32 $0x380, s1  }
.Ltmp3:
0x113: {  	s6 =	simm.s32 $0x7000;
	s1 =	sor.u32 s1, s4;
	(pc) =	sbr.rel @p0 .LBB2_8-.Ltmp3, $4  }
0x114: {  	[tilespmem:s6], [sflag:$0x1] =	stream.indirect.gather [hbm4b:s3+s29], $0x80, s1, s29, $0xb8;
	[tilespmem:$0x1F000] =	vst v63  }
0x115: {  	_ =	swait.ge [sflag:s30], $0x4000  }
0x116: {  	[sflag:s30] =	ssyncset.done $0x0  }
0x117: {  	[sflag:s30] =	ssyncadd.s32 $0xFFFFC000  }
.LBB2_7:
0x118: {  	_ =	swait.ge [sflag:s31], $0x2000  }
0x119: {  	[sflag:s31] =	ssyncset.done $0x0  }
0x11a: {  	[sflag:s31] =	ssyncadd.s32 $0xFFFFE000  }
.LBB2_8:
0x11b: {  	s6 =	simm.s32 $0xB7B0;
	s25 =	simm.s32 $0xF  }
0x11c: {  	s1 =	simm.s32 $0x1;
	v4 =	vld [tilespmem:s6+$0xFFFFFFD0];
	v5 =	vor.u32 s25, v0  }
0x11d: {  	s7 =	simm.s32 $0x2;
	v6 =	vld [tilespmem:s6+$0xFFFFF8D0];
	v7 =	vor.u32 s1, v0  }
0x11e: {  	s8 =	simm.s32 $0x3;
	v8 =	vld [tilespmem:s6+$0xFFFFF950];
	v9 =	vor.u32 s7, v0  }
0x11f: {  	s10 =	simm.s32 $0x4;
	v10 =	vld [tilespmem:s6+$0xFFFFF9D0];
	v11 =	vor.u32 s8, v0  }
0x120: {  	s4 =	simm.s32 $0x5;
	v12 =	vld [tilespmem:s6+$0xFFFFFA50];
	v13 =	vor.u32 s10, v0  }
0x121: {  	s11 =	simm.s32 $0x6;
	v14 =	vld [tilespmem:s6+$0xFFFFFAD0];
	v15 =	vor.u32 s4, v0;
	[tilespmem:v5+s0+$0x0] =	vst.idx.msk $0xffff, v4  }
0x122: {  	s13 =	simm.s32 $0x7;
	[tilespmem:v7+s0+$0x0] =	vst.idx.msk $0xffff, v6;
	v6 =	vld [tilespmem:s6+$0xFFFFFB50];
	v7 =	vor.u32 s11, v0  }
0x123: {  	s15 =	simm.s32 $0x8;
	[tilespmem:v9+s0+$0x0] =	vst.idx.msk $0xffff, v8;
	v8 =	vld [tilespmem:s6+$0xFFFFFBD0];
	v9 =	vor.u32 s13, v0  }
0x124: {  	[tilespmem:v11+s0+$0x0] =	vst.idx.msk $0xffff, v10;
	v10 =	vld [tilespmem:s6+$0xFFFFFC50];
	v11 =	vor.u32 s15, v0  }
0x125: {  	s16 =	simm.s32 $0x9;
	v5 =	vor.u32 s25, v1;
	[tilespmem:v13+s0+$0x0] =	vst.idx.msk $0xffff, v12;
	v4 =	vld [tilespmem:s6+$0xFFFFFFE0]  }
0x126: {  	s17 =	simm.s32 $0xA;
	[tilespmem:v15+s0+$0x0] =	vst.idx.msk $0xffff, v14;
	v12 =	vld [tilespmem:s6+$0xFFFFFCD0];
	v13 =	vor.u32 s16, v0  }
0x127: {  	s18 =	simm.s32 $0xB;
	v14 =	vld [tilespmem:s6+$0xFFFFFD50];
	v15 =	vor.u32 s17, v0;
	[tilespmem:v7+s0+$0x0] =	vst.idx.msk $0xffff, v6  }
0x128: {  	s20 =	simm.s32 $0xC;
	[tilespmem:v9+s0+$0x0] =	vst.idx.msk $0xffff, v8;
	v6 =	vld [tilespmem:s6+$0xFFFFFDD0];
	v7 =	vor.u32 s18, v0  }
0x129: {  	s23 =	simm.s32 $0xD;
	[tilespmem:v11+s0+$0x0] =	vst.idx.msk $0xffff, v10;
	v8 =	vld [tilespmem:s6+$0xFFFFFE50];
	v9 =	vor.u32 s20, v0  }
0x12a: {  	v10 =	vld [tilespmem:s6+$0xFFFFFED0];
	v11 =	vor.u32 s23, v0;
	[tilespmem:v5+s0+$0x0] =	vst.idx.msk $0xffff, v4  }
0x12b: {  	s24 =	simm.s32 $0xE;
	[tilespmem:v13+s0+$0x0] =	vst.idx.msk $0xffff, v12;
	v5 =	vor.u32 s25, v2;
	v4 =	vld [tilespmem:s6+$0xFFFFFFF0]  }
0x12c: {  	s22 =	simm.s32 $0x0;
	[tilespmem:v15+s0+$0x0] =	vst.idx.msk $0xffff, v14;
	v12 =	vld [tilespmem:s6+$0xFFFFFF50];
	v13 =	vor.u32 s24, v0  }
0x12d: {  	v14 =	vld [tilespmem:s6+$0xFFFFF850];
	v15 =	vor.u32 s22, v0;
	[tilespmem:v7+s0+$0x0] =	vst.idx.msk $0xffff, v6  }
0x12e: {  	v6 =	vld [tilespmem:s6+$0xFFFFF8E0];
	v7 =	vor.u32 s1, v1;
	[tilespmem:v9+s0+$0x0] =	vst.idx.msk $0xffff, v8  }
0x12f: {  	v8 =	vld [tilespmem:s6+$0xFFFFF960];
	v9 =	vor.u32 s7, v1;
	[tilespmem:v11+s0+$0x0] =	vst.idx.msk $0xffff, v10  }
0x130: {  	v10 =	vld [tilespmem:s6+$0xFFFFF9E0];
	v11 =	vor.u32 s8, v1;
	[tilespmem:v5+s0+$0x0] =	vst.idx.msk $0xffff, v4  }
0x131: {  	[tilespmem:v13+s0+$0x0] =	vst.idx.msk $0xffff, v12;
	v5 =	vor.u32 s25, v3;
	v4 =	vld [tilespmem:s6+$0x0]  }
0x132: {  	[tilespmem:v15+s0+$0x0] =	vst.idx.msk $0xffff, v14;
	v12 =	vld [tilespmem:s6+$0xFFFFFA60];
	v13 =	vor.u32 s10, v1  }
0x133: {  	v14 =	vld [tilespmem:s6+$0xFFFFFAE0];
	v15 =	vor.u32 s4, v1;
	[tilespmem:v7+s0+$0x0] =	vst.idx.msk $0xffff, v6  }
0x134: {  	[tilespmem:v9+s0+$0x0] =	vst.idx.msk $0xffff, v8;
	v6 =	vld [tilespmem:s6+$0xFFFFFBE0];
	v7 =	vor.u32 s13, v1  }
0x135: {  	[tilespmem:v11+s0+$0x0] =	vst.idx.msk $0xffff, v10;
	v8 =	vld [tilespmem:s6+$0xFFFFFC60];
	v9 =	vor.u32 s15, v1  }
0x136: {  	[tilespmem:v5+s0+$0x0] =	vst.idx.msk $0xffff, v4;
	v4 =	vld [tilespmem:s6+$0xFFFFFB60];
	v5 =	vor.u32 s11, v1  }
0x137: {  	[tilespmem:v13+s0+$0x0] =	vst.idx.msk $0xffff, v12;
	v10 =	vld [tilespmem:s6+$0xFFFFFCE0];
	v11 =	vor.u32 s16, v1  }
0x138: {  	[tilespmem:v15+s0+$0x0] =	vst.idx.msk $0xffff, v14;
	v12 =	vld [tilespmem:s6+$0xFFFFFD60];
	v13 =	vor.u32 s17, v1  }
0x139: {  	v14 =	vld [tilespmem:s6+$0xFFFFF860];
	v15 =	vor.u32 s22, v1;
	[tilespmem:v7+s0+$0x0] =	vst.idx.msk $0xffff, v6  }
0x13a: {  	v6 =	vld [tilespmem:s6+$0xFFFFFE60];
	v7 =	vor.u32 s20, v1;
	[tilespmem:v9+s0+$0x0] =	vst.idx.msk $0xffff, v8  }
0x13b: {  	[tilespmem:v5+s0+$0x0] =	vst.idx.msk $0xffff, v4;
	v4 =	vld [tilespmem:s6+$0xFFFFFDE0];
	v5 =	vor.u32 s18, v1  }
0x13c: {  	v8 =	vld [tilespmem:s6+$0xFFFFFEE0];
	v9 =	vor.u32 s23, v1;
	[tilespmem:v11+s0+$0x0] =	vst.idx.msk $0xffff, v10  }
0x13d: {  	v10 =	vld [tilespmem:s6+$0xFFFFFF60];
	v11 =	vor.u32 s24, v1;
	[tilespmem:v13+s0+$0x0] =	vst.idx.msk $0xffff, v12  }
0x13e: {  	v12 =	vld [tilespmem:s6+$0xFFFFF8F0];
	v13 =	vor.u32 s1, v2;
	[tilespmem:v15+s0+$0x0] =	vst.idx.msk $0xffff, v14  }
0x13f: {  	v15 =	vor.u32 s22, v2;
	v14 =	vld [tilespmem:s6+$0xFFFFF870];
	[tilespmem:v7+s0+$0x0] =	vst.idx.msk $0xffff, v6  }
0x140: {  	[tilespmem:v5+s0+$0x0] =	vst.idx.msk $0xffff, v4;
	v4 =	vld [tilespmem:s6+$0xFFFFF970];
	v5 =	vor.u32 s7, v2  }
0x141: {  	v6 =	vld [tilespmem:s6+$0xFFFFF9F0];
	v7 =	vor.u32 s8, v2;
	[tilespmem:v9+s0+$0x0] =	vst.idx.msk $0xffff, v8  }
0x142: {  	[tilespmem:v11+s0+$0x0] =	vst.idx.msk $0xffff, v10;
	v10 =	vld [tilespmem:s6+$0xFFFFFAF0];
	v11 =	vor.u32 s4, v2  }
0x143: {  	[tilespmem:v13+s0+$0x0] =	vst.idx.msk $0xffff, v12;
	v12 =	vld [tilespmem:s6+$0xFFFFFB70];
	v13 =	vor.u32 s11, v2  }
0x144: {  	v8 =	vld [tilespmem:s6+$0xFFFFFA70];
	v9 =	vor.u32 s10, v2;
	[tilespmem:v15+s0+$0x0] =	vst.idx.msk $0xffff, v14  }
0x145: {  	[tilespmem:v5+s0+$0x0] =	vst.idx.msk $0xffff, v4;
	v4 =	vld [tilespmem:s6+$0xFFFFFBF0];
	v5 =	vor.u32 s13, v2  }
0x146: {  	[tilespmem:v7+s0+$0x0] =	vst.idx.msk $0xffff, v6;
	v6 =	vld [tilespmem:s6+$0xFFFFFC70];
	v7 =	vor.u32 s15, v2  }
0x147: {  	[tilespmem:v11+s0+$0x0] =	vst.idx.msk $0xffff, v10;
	v10 =	vld [tilespmem:s6+$0xFFFFFD70];
	v11 =	vor.u32 s17, v2  }
0x148: {  	[tilespmem:v13+s0+$0x0] =	vst.idx.msk $0xffff, v12;
	v12 =	vld [tilespmem:s6+$0xFFFFFDF0];
	v13 =	vor.u32 s18, v2  }
0x149: {  	[tilespmem:v9+s0+$0x0] =	vst.idx.msk $0xffff, v8;
	v8 =	vld [tilespmem:s6+$0xFFFFFCF0];
	v9 =	vor.u32 s16, v2  }
0x14a: {  	[tilespmem:v5+s0+$0x0] =	vst.idx.msk $0xffff, v4;
	v4 =	vld [tilespmem:s6+$0xFFFFFE70];
	v5 =	vor.u32 s20, v2  }
0x14b: {  	[tilespmem:v7+s0+$0x0] =	vst.idx.msk $0xffff, v6;
	v6 =	vld [tilespmem:s6+$0xFFFFFEF0];
	v7 =	vor.u32 s23, v2  }
0x14c: {  	[tilespmem:v11+s0+$0x0] =	vst.idx.msk $0xffff, v10;
	v10 =	vld [tilespmem:s6+$0xFFFFF900];
	v11 =	vor.u32 s1, v3  }
0x14d: {  	[tilespmem:v13+s0+$0x0] =	vst.idx.msk $0xffff, v12;
	v12 =	vld [tilespmem:s6+$0xFFFFF980];
	v13 =	vor.u32 s7, v3  }
0x14e: {  	[tilespmem:v9+s0+$0x0] =	vst.idx.msk $0xffff, v8;
	v8 =	vld [tilespmem:s6+$0xFFFFFF70];
	v9 =	vor.u32 s24, v2  }
0x14f: {  	[tilespmem:v5+s0+$0x0] =	vst.idx.msk $0xffff, v4;
	v4 =	vld [tilespmem:s6+$0xFFFFFA00];
	v5 =	vor.u32 s8, v3  }
0x150: {  	[tilespmem:v7+s0+$0x0] =	vst.idx.msk $0xffff, v6;
	v6 =	vld [tilespmem:s6+$0xFFFFFA80];
	v7 =	vor.u32 s10, v3  }
0x151: {  	[tilespmem:v11+s0+$0x0] =	vst.idx.msk $0xffff, v10;
	v10 =	vld [tilespmem:s6+$0xFFFFFB80];
	v11 =	vor.u32 s11, v3  }
0x152: {  	[tilespmem:v13+s0+$0x0] =	vst.idx.msk $0xffff, v12;
	v12 =	vld [tilespmem:s6+$0xFFFFFC00];
	v13 =	vor.u32 s13, v3  }
0x153: {  	[tilespmem:v9+s0+$0x0] =	vst.idx.msk $0xffff, v8;
	v8 =	vld [tilespmem:s6+$0xFFFFFB00];
	v9 =	vor.u32 s4, v3  }
0x154: {  	[tilespmem:v5+s0+$0x0] =	vst.idx.msk $0xffff, v4;
	v4 =	vld [tilespmem:s6+$0xFFFFFC80];
	v5 =	vor.u32 s15, v3  }
0x155: {  	[tilespmem:v7+s0+$0x0] =	vst.idx.msk $0xffff, v6;
	v6 =	vld [tilespmem:s6+$0xFFFFFD00];
	v7 =	vor.u32 s16, v3  }
0x156: {  	v15 =	vor.u32 s17, v3;
	v14 =	vld [tilespmem:s6+$0xFFFFFD80];
	[tilespmem:v11+s0+$0x0] =	vst.idx.msk $0xffff, v10  }
0x157: {  	v11 =	vld [tilespmem:s6+$0xFFFFFE00];
	[tilespmem:v13+s0+$0x0] =	vst.idx.msk $0xffff, v12;
	v13 =	vor.u32 s18, v3  }
0x158: {  	[tilespmem:v9+s0+$0x0] =	vst.idx.msk $0xffff, v8;
	v9 =	vld [tilespmem:s6+$0xFFFFFE80];
	v12 =	vor.u32 s20, v3  }
0x159: {  	v10 =	vor.u32 s23, v3;
	[tilespmem:v5+s0+$0x0] =	vst.idx.msk $0xffff, v4;
	v4 =	vld [tilespmem:s6+$0xFFFFFF00]  }
0x15a: {  	s13 =	simm.s32 $0x10;
	[tilespmem:v7+s0+$0x0] =	vst.idx.msk $0xffff, v6;
	v7 =	vor.u32 s24, v3;
	v5 =	vld [tilespmem:s6+$0xFFFFFF80]  }
0x15b: {  	s4 =	simm.s32 $0x20;
	[tilespmem:v15+s0+$0x0] =	vst.idx.msk $0xffff, v14;
	s18 =	simm.s32 $0x1F;
	v8 =	vor.u32 s22, v3;
	v6 =	vld [tilespmem:s6+$0xFFFFF880];
	s6 =	simm.s32 $0xBFB0  }
.LBB2_9:
0x15c: {  	p0 =	slt.u32 s4, $0x70;
	s8 =	sadd.s32 $0x1, s13;
	v14 =	vld [tilespmem:s6+$0xFFFFFFD0];
	v15 =	vor.u32 s18, v0;
	[tilespmem:v13+s0+$0x0] =	vst.idx.msk $0xffff, v11;
	s7 =	smov.u32 s13  }
0x15d: {  	s13 =	smov.u32 s4;
	v11 =	vld [tilespmem:s6+$0xFFFFF8D0];
	v13 =	vor.u32 s8, v0;
	s22 =	sadd.s32 $0x2, s7;
	[tilespmem:v12+s0+$0x0] =	vst.idx.msk $0xffff, v9  }
0x15e: {  	s23 =	sadd.s32 $0x3, s7;
	v9 =	vld [tilespmem:s6+$0xFFFFF950];
	v12 =	vor.u32 s22, v0;
	[tilespmem:v10+s0+$0x0] =	vst.idx.msk $0xffff, v4  }
0x15f: {  	s24 =	sadd.s32 $0x4, s7;
	v10 =	vor.u32 s23, v0;
	v4 =	vld [tilespmem:s6+$0xFFFFF9D0];
	[tilespmem:v7+s0+$0x0] =	vst.idx.msk $0xffff, v5  }
0x160: {  	s25 =	sadd.s32 $0x5, s7;
	v7 =	vor.u32 s24, v0;
	v5 =	vld [tilespmem:s6+$0xFFFFFA50];
	[tilespmem:v8+s0+$0x0] =	vst.idx.msk $0xffff, v6  }
0x161: {  	v8 =	vor.u32 s25, v0;
	v6 =	vld [tilespmem:s6+$0xFFFFFAD0];
	[tilespmem:v15+s0+$0x0] =	vst.idx.msk $0xffff, v14  }
0x162: {  	s26 =	sadd.s32 $0x6, s7;
	[tilespmem:v13+s0+$0x0] =	vst.idx.msk $0xffff, v11;
	v11 =	vld [tilespmem:s6+$0xFFFFFFE0];
	v13 =	vor.u32 s18, v1  }
0x163: {  	s28 =	sadd.s32 $0x7, s7;
	[tilespmem:v12+s0+$0x0] =	vst.idx.msk $0xffff, v9;
	v9 =	vld [tilespmem:s6+$0xFFFFFB50];
	v12 =	vor.u32 s26, v0  }
0x164: {  	s29 =	sadd.s32 $0x8, s7;
	[tilespmem:v10+s0+$0x0] =	vst.idx.msk $0xffff, v4;
	v4 =	vld [tilespmem:s6+$0xFFFFFBD0];
	v10 =	vor.u32 s28, v0  }
0x165: {  	s1 =	sadd.s32 $0x9, s7;
	[tilespmem:v7+s0+$0x0] =	vst.idx.msk $0xffff, v5;
	v5 =	vld [tilespmem:s6+$0xFFFFFC50];
	v7 =	vor.u32 s29, v0  }
0x166: {  	s10 =	sadd.s32 $0xA, s7;
	[tilespmem:v8+s0+$0x0] =	vst.idx.msk $0xffff, v6;
	v6 =	vld [tilespmem:s6+$0xFFFFFCD0];
	v8 =	vor.u32 s1, v0  }
0x167: {  	v15 =	vor.u32 s10, v0;
	v14 =	vld [tilespmem:s6+$0xFFFFFD50];
	[tilespmem:v13+s0+$0x0] =	vst.idx.msk $0xffff, v11  }
0x168: {  	s11 =	sadd.s32 $0xB, s7;
	v11 =	vor.u32 s18, v2;
	[tilespmem:v12+s0+$0x0] =	vst.idx.msk $0xffff, v9;
	v9 =	vld [tilespmem:s6+$0xFFFFFFF0]  }
0x169: {  	s15 =	sadd.s32 $0xC, s7;
	[tilespmem:v10+s0+$0x0] =	vst.idx.msk $0xffff, v4;
	v4 =	vld [tilespmem:s6+$0xFFFFFDD0];
	v10 =	vor.u32 s11, v0  }
0x16a: {  	s16 =	sadd.s32 $0xD, s7;
	[tilespmem:v7+s0+$0x0] =	vst.idx.msk $0xffff, v5;
	v5 =	vld [tilespmem:s6+$0xFFFFFE50];
	v7 =	vor.u32 s15, v0  }
0x16b: {  	s17 =	sadd.s32 $0xE, s7;
	[tilespmem:v8+s0+$0x0] =	vst.idx.msk $0xffff, v6;
	v6 =	vld [tilespmem:s6+$0xFFFFFED0];
	v8 =	vor.u32 s16, v0  }
0x16c: {  	v13 =	vor.u32 s17, v0;
	[tilespmem:v15+s0+$0x0] =	vst.idx.msk $0xffff, v14;
	v12 =	vld [tilespmem:s6+$0xFFFFFF50]  }
0x16d: {  	v15 =	vor.u32 s7, v0;
	v14 =	vld [tilespmem:s6+$0xFFFFF850];
	[tilespmem:v11+s0+$0x0] =	vst.idx.msk $0xffff, v9  }
0x16e: {  	v9 =	vor.u32 s18, v3;
	[tilespmem:v10+s0+$0x0] =	vst.idx.msk $0xffff, v4;
	v4 =	vld [tilespmem:s6+$0x0]  }
0x16f: {  	v11 =	vor.u32 s8, v1;
	v10 =	vld [tilespmem:s6+$0xFFFFF8E0];
	[tilespmem:v7+s0+$0x0] =	vst.idx.msk $0xffff, v5  }
0x170: {  	v7 =	vor.u32 s22, v1;
	v5 =	vld [tilespmem:s6+$0xFFFFF960];
	[tilespmem:v8+s0+$0x0] =	vst.idx.msk $0xffff, v6  }
0x171: {  	v8 =	vor.u32 s23, v1;
	v6 =	vld [tilespmem:s6+$0xFFFFF9E0];
	[tilespmem:v13+s0+$0x0] =	vst.idx.msk $0xffff, v12  }
0x172: {  	v13 =	vor.u32 s24, v1;
	[tilespmem:v15+s0+$0x0] =	vst.idx.msk $0xffff, v14;
	v12 =	vld [tilespmem:s6+$0xFFFFFA60]  }
0x173: {  	v15 =	vor.u32 s25, v1;
	v14 =	vld [tilespmem:s6+$0xFFFFFAE0];
	[tilespmem:v9+s0+$0x0] =	vst.idx.msk $0xffff, v4  }
0x174: {  	v9 =	vor.u32 s26, v1;
	[tilespmem:v11+s0+$0x0] =	vst.idx.msk $0xffff, v10;
	v4 =	vld [tilespmem:s6+$0xFFFFFB60]  }
0x175: {  	[tilespmem:v7+s0+$0x0] =	vst.idx.msk $0xffff, v5;
	v5 =	vld [tilespmem:s6+$0xFFFFFBE0];
	v7 =	vor.u32 s28, v1  }
0x176: {  	[tilespmem:v8+s0+$0x0] =	vst.idx.msk $0xffff, v6;
	v6 =	vld [tilespmem:s6+$0xFFFFFC60];
	v8 =	vor.u32 s29, v1  }
0x177: {  	v11 =	vor.u32 s1, v1;
	[tilespmem:v13+s0+$0x0] =	vst.idx.msk $0xffff, v12;
	v10 =	vld [tilespmem:s6+$0xFFFFFCE0]  }
0x178: {  	v13 =	vor.u32 s10, v1;
	[tilespmem:v15+s0+$0x0] =	vst.idx.msk $0xffff, v14;
	v12 =	vld [tilespmem:s6+$0xFFFFFD60]  }
0x179: {  	[tilespmem:v9+s0+$0x0] =	vst.idx.msk $0xffff, v4;
	v4 =	vld [tilespmem:s6+$0xFFFFFDE0];
	v9 =	vor.u32 s11, v1  }
0x17a: {  	[tilespmem:v7+s0+$0x0] =	vst.idx.msk $0xffff, v5;
	v5 =	vld [tilespmem:s6+$0xFFFFFE60];
	v7 =	vor.u32 s15, v1  }
0x17b: {  	[tilespmem:v8+s0+$0x0] =	vst.idx.msk $0xffff, v6;
	v6 =	vld [tilespmem:s6+$0xFFFFFEE0];
	v8 =	vor.u32 s16, v1  }
0x17c: {  	[tilespmem:v11+s0+$0x0] =	vst.idx.msk $0xffff, v10;
	v10 =	vld [tilespmem:s6+$0xFFFFFF60];
	v11 =	vor.u32 s17, v1  }
0x17d: {  	v15 =	vor.u32 s7, v1;
	v14 =	vld [tilespmem:s6+$0xFFFFF860];
	[tilespmem:v13+s0+$0x0] =	vst.idx.msk $0xffff, v12  }
0x17e: {  	v13 =	vor.u32 s8, v2;
	v12 =	vld [tilespmem:s6+$0xFFFFF8F0];
	[tilespmem:v9+s0+$0x0] =	vst.idx.msk $0xffff, v4  }
0x17f: {  	v9 =	vor.u32 s22, v2;
	v4 =	vld [tilespmem:s6+$0xFFFFF970];
	[tilespmem:v7+s0+$0x0] =	vst.idx.msk $0xffff, v5  }
0x180: {  	v7 =	vor.u32 s23, v2;
	v5 =	vld [tilespmem:s6+$0xFFFFF9F0];
	[tilespmem:v8+s0+$0x0] =	vst.idx.msk $0xffff, v6  }
0x181: {  	v8 =	vor.u32 s24, v2;
	v6 =	vld [tilespmem:s6+$0xFFFFFA70];
	[tilespmem:v11+s0+$0x0] =	vst.idx.msk $0xffff, v10  }
0x182: {  	v11 =	vor.u32 s25, v2;
	[tilespmem:v15+s0+$0x0] =	vst.idx.msk $0xffff, v14;
	v10 =	vld [tilespmem:s6+$0xFFFFFAF0]  }
0x183: {  	[tilespmem:v13+s0+$0x0] =	vst.idx.msk $0xffff, v12;
	v12 =	vld [tilespmem:s6+$0xFFFFFB70];
	v13 =	vor.u32 s26, v2  }
0x184: {  	[tilespmem:v9+s0+$0x0] =	vst.idx.msk $0xffff, v4;
	v4 =	vld [tilespmem:s6+$0xFFFFFBF0];
	v9 =	vor.u32 s28, v2  }
0x185: {  	[tilespmem:v7+s0+$0x0] =	vst.idx.msk $0xffff, v5;
	v5 =	vld [tilespmem:s6+$0xFFFFFC70];
	v7 =	vor.u32 s29, v2  }
0x186: {  	[tilespmem:v8+s0+$0x0] =	vst.idx.msk $0xffff, v6;
	v6 =	vld [tilespmem:s6+$0xFFFFFCF0];
	v8 =	vor.u32 s1, v2  }
0x187: {  	[tilespmem:v11+s0+$0x0] =	vst.idx.msk $0xffff, v10;
	v10 =	vld [tilespmem:s6+$0xFFFFFD70];
	v11 =	vor.u32 s10, v2  }
0x188: {  	[tilespmem:v13+s0+$0x0] =	vst.idx.msk $0xffff, v12;
	v12 =	vld [tilespmem:s6+$0xFFFFFDF0];
	v13 =	vor.u32 s11, v2  }
0x189: {  	[tilespmem:v9+s0+$0x0] =	vst.idx.msk $0xffff, v4;
	v4 =	vld [tilespmem:s6+$0xFFFFFE70];
	v9 =	vor.u32 s15, v2  }
0x18a: {  	[tilespmem:v7+s0+$0x0] =	vst.idx.msk $0xffff, v5;
	v5 =	vld [tilespmem:s6+$0xFFFFFEF0];
	v7 =	vor.u32 s16, v2  }
0x18b: {  	[tilespmem:v8+s0+$0x0] =	vst.idx.msk $0xffff, v6;
	v6 =	vld [tilespmem:s6+$0xFFFFFF70];
	v8 =	vor.u32 s17, v2  }
0x18c: {  	v15 =	vor.u32 s7, v2;
	v14 =	vld [tilespmem:s6+$0xFFFFF870];
	[tilespmem:v11+s0+$0x0] =	vst.idx.msk $0xffff, v10  }
0x18d: {  	v11 =	vor.u32 s8, v3;
	v10 =	vld [tilespmem:s6+$0xFFFFF900];
	[tilespmem:v13+s0+$0x0] =	vst.idx.msk $0xffff, v12  }
0x18e: {  	v13 =	vor.u32 s22, v3;
	v12 =	vld [tilespmem:s6+$0xFFFFF980];
	[tilespmem:v9+s0+$0x0] =	vst.idx.msk $0xffff, v4  }
0x18f: {  	v9 =	vor.u32 s23, v3;
	v4 =	vld [tilespmem:s6+$0xFFFFFA00];
	[tilespmem:v7+s0+$0x0] =	vst.idx.msk $0xffff, v5  }
0x190: {  	v7 =	vor.u32 s24, v3;
	v5 =	vld [tilespmem:s6+$0xFFFFFA80];
	[tilespmem:v8+s0+$0x0] =	vst.idx.msk $0xffff, v6  }
0x191: {  	v8 =	vor.u32 s25, v3;
	[tilespmem:v15+s0+$0x0] =	vst.idx.msk $0xffff, v14;
	v6 =	vld [tilespmem:s6+$0xFFFFFB00]  }
0x192: {  	[tilespmem:v11+s0+$0x0] =	vst.idx.msk $0xffff, v10;
	v10 =	vld [tilespmem:s6+$0xFFFFFB80];
	v11 =	vor.u32 s26, v3  }
0x193: {  	v14 =	vor.u32 s28, v3;
	[tilespmem:v13+s0+$0x0] =	vst.idx.msk $0xffff, v12;
	v12 =	vld [tilespmem:s6+$0xFFFFFC00]  }
0x194: {  	v15 =	vor.u32 s29, v3;
	[tilespmem:v9+s0+$0x0] =	vst.idx.msk $0xffff, v4;
	v4 =	vld [tilespmem:s6+$0xFFFFFC80]  }
0x195: {  	[tilespmem:v7+s0+$0x0] =	vst.idx.msk $0xffff, v5;
	v5 =	vld [tilespmem:s6+$0xFFFFFD00];
	v7 =	vor.u32 s1, v3  }
0x196: {  	v17 =	vor.u32 s10, v3;
	[tilespmem:v8+s0+$0x0] =	vst.idx.msk $0xffff, v6;
	v16 =	vld [tilespmem:s6+$0xFFFFFD80]  }
.Ltmp4:
0x197: {  	v13 =	vor.u32 s11, v3;
	[tilespmem:v11+s0+$0x0] =	vst.idx.msk $0xffff, v10;
	v11 =	vld [tilespmem:s6+$0xFFFFFE00];
	(pc) =	sbr.rel @p0 .LBB2_9-.Ltmp4, $4  }
0x198: {  	[tilespmem:v14+s0+$0x0] =	vst.idx.msk $0xffff, v12;
	v9 =	vld [tilespmem:s6+$0xFFFFFE80];
	v12 =	vor.u32 s15, v3  }
0x199: {  	v10 =	vor.u32 s16, v3;
	[tilespmem:v15+s0+$0x0] =	vst.idx.msk $0xffff, v4;
	v4 =	vld [tilespmem:s6+$0xFFFFFF00]  }
0x19a: {  	[tilespmem:v7+s0+$0x0] =	vst.idx.msk $0xffff, v5;
	v5 =	vld [tilespmem:s6+$0xFFFFFF80];
	v7 =	vor.u32 s17, v3  }
0x19b: {  	s4 =	sadd.s32 $0x10, s4;
	s18 =	sadd.s32 $0xF, s13;
	v8 =	vor.u32 s7, v3;
	v6 =	vld [tilespmem:s6+$0xFFFFF880];
	[tilespmem:v17+s0+$0x0] =	vst.idx.msk $0xffff, v16;
	s6 =	sadd.s32 $0x800, s6  }
0x19c: {  	_ =	sdelay $0x3  }
0x19d: {  	s1 =	sadd.s32 $0x1, s13;
	v14 =	vld [tilespmem:s6+$0xFFFFFFD0];
	v15 =	vor.u32 s18, v0;
	[tilespmem:v13+s0+$0x0] =	vst.idx.msk $0xffff, v11  }
0x19e: {  	v11 =	vld [tilespmem:s6+$0xFFFFF8D0];
	s4 =	sadd.s32 $0x2, s13;
	v13 =	vor.u32 s1, v0;
	[tilespmem:v12+s0+$0x0] =	vst.idx.msk $0xffff, v9  }
0x19f: {  	s7 =	sadd.s32 $0x3, s13;
	v9 =	vld [tilespmem:s6+$0xFFFFF950];
	v12 =	vor.u32 s4, v0;
	[tilespmem:v10+s0+$0x0] =	vst.idx.msk $0xffff, v4  }
0x1a0: {  	s8 =	sadd.s32 $0x4, s13;
	v4 =	vld [tilespmem:s6+$0xFFFFF9D0];
	v10 =	vor.u32 s7, v0;
	[tilespmem:v7+s0+$0x0] =	vst.idx.msk $0xffff, v5  }
0x1a1: {  	s10 =	sadd.s32 $0x5, s13;
	v5 =	vld [tilespmem:s6+$0xFFFFFA50];
	v7 =	vor.u32 s8, v0;
	[tilespmem:v8+s0+$0x0] =	vst.idx.msk $0xffff, v6  }
0x1a2: {  	s20 =	sadd.s32 $0xA, s13;
	v6 =	vld [tilespmem:s6+$0xFFFFFAD0];
	v8 =	vor.u32 s10, v0;
	[tilespmem:v15+s0+$0x0] =	vst.idx.msk $0xffff, v14  }
0x1a3: {  	v14 =	vld [tilespmem:s6+$0xFFFFFD50];
	v15 =	vor.u32 s20, v0;
	[tilespmem:v13+s0+$0x0] =	vst.idx.msk $0xffff, v11  }
0x1a4: {  	s11 =	sadd.s32 $0x6, s13;
	v11 =	vld [tilespmem:s6+$0xFFFFFFE0];
	v13 =	vor.u32 s18, v1;
	[tilespmem:v12+s0+$0x0] =	vst.idx.msk $0xffff, v9  }
0x1a5: {  	s15 =	sadd.s32 $0x7, s13;
	v9 =	vld [tilespmem:s6+$0xFFFFFB50];
	v12 =	vor.u32 s11, v0;
	[tilespmem:v10+s0+$0x0] =	vst.idx.msk $0xffff, v4  }
0x1a6: {  	s16 =	sadd.s32 $0x8, s13;
	v4 =	vld [tilespmem:s6+$0xFFFFFBD0];
	v10 =	vor.u32 s15, v0;
	[tilespmem:v7+s0+$0x0] =	vst.idx.msk $0xffff, v5  }
0x1a7: {  	s17 =	sadd.s32 $0x9, s13;
	v5 =	vld [tilespmem:s6+$0xFFFFFC50];
	v7 =	vor.u32 s16, v0;
	[tilespmem:v8+s0+$0x0] =	vst.idx.msk $0xffff, v6  }
0x1a8: {  	v6 =	vld [tilespmem:s6+$0xFFFFFCD0];
	v8 =	vor.u32 s17, v0;
	[tilespmem:v15+s0+$0x0] =	vst.idx.msk $0xffff, v14  }
0x1a9: {  	s25 =	sadd.s32 $0xE, s13;
	v14 =	vld [tilespmem:s6+$0xFFFFF850];
	v15 =	vor.u32 s13, v0;
	[tilespmem:v13+s0+$0x0] =	vst.idx.msk $0xffff, v11  }
0x1aa: {  	[tilespmem:v12+s0+$0x0] =	vst.idx.msk $0xffff, v9;
	v12 =	vld [tilespmem:s6+$0xFFFFFF50];
	v13 =	vor.u32 s25, v0  }
0x1ab: {  	s22 =	sadd.s32 $0xB, s13;
	v11 =	vor.u32 s18, v2;
	v9 =	vld [tilespmem:s6+$0xFFFFFFF0];
	[tilespmem:v10+s0+$0x0] =	vst.idx.msk $0xffff, v4  }
0x1ac: {  	s23 =	sadd.s32 $0xC, s13;
	v4 =	vld [tilespmem:s6+$0xFFFFFDD0];
	v10 =	vor.u32 s22, v0;
	[tilespmem:v7+s0+$0x0] =	vst.idx.msk $0xffff, v5  }
0x1ad: {  	s24 =	sadd.s32 $0xD, s13;
	v5 =	vld [tilespmem:s6+$0xFFFFFE50];
	v7 =	vor.u32 s23, v0;
	[tilespmem:v8+s0+$0x0] =	vst.idx.msk $0xffff, v6  }
0x1ae: {  	v6 =	vld [tilespmem:s6+$0xFFFFFED0];
	v8 =	vor.u32 s24, v0;
	[tilespmem:v15+s0+$0x0] =	vst.idx.msk $0xffff, v14  }
0x1af: {  	v14 =	vld [tilespmem:s6+$0xFFFFFAE0];
	v15 =	vor.u32 s10, v1;
	[tilespmem:v13+s0+$0x0] =	vst.idx.msk $0xffff, v12  }
0x1b0: {  	v12 =	vld [tilespmem:s6+$0xFFFFFA60];
	v13 =	vor.u32 s8, v1;
	[tilespmem:v11+s0+$0x0] =	vst.idx.msk $0xffff, v9  }
0x1b1: {  	[tilespmem:v10+s0+$0x0] =	vst.idx.msk $0xffff, v4;
	v10 =	vld [tilespmem:s6+$0xFFFFF8E0];
	v11 =	vor.u32 s1, v1  }
0x1b2: {  	v9 =	vor.u32 s18, v3;
	v4 =	vld [tilespmem:s6+$0x0];
	[tilespmem:v7+s0+$0x0] =	vst.idx.msk $0xffff, v5  }
0x1b3: {  	v5 =	vld [tilespmem:s6+$0xFFFFF960];
	v7 =	vor.u32 s4, v1;
	[tilespmem:v8+s0+$0x0] =	vst.idx.msk $0xffff, v6  }
0x1b4: {  	v6 =	vld [tilespmem:s6+$0xFFFFF9E0];
	v8 =	vor.u32 s7, v1;
	[tilespmem:v15+s0+$0x0] =	vst.idx.msk $0xffff, v14  }
0x1b5: {  	v14 =	vld [tilespmem:s6+$0xFFFFF860];
	v15 =	vor.u32 s13, v1;
	[tilespmem:v13+s0+$0x0] =	vst.idx.msk $0xffff, v12  }
0x1b6: {  	v12 =	vld [tilespmem:s6+$0xFFFFFD60];
	v13 =	vor.u32 s20, v1;
	[tilespmem:v11+s0+$0x0] =	vst.idx.msk $0xffff, v10  }
0x1b7: {  	v10 =	vld [tilespmem:s6+$0xFFFFFCE0];
	v11 =	vor.u32 s17, v1;
	[tilespmem:v9+s0+$0x0] =	vst.idx.msk $0xffff, v4  }
0x1b8: {  	v4 =	vld [tilespmem:s6+$0xFFFFFB60];
	v9 =	vor.u32 s11, v1;
	[tilespmem:v7+s0+$0x0] =	vst.idx.msk $0xffff, v5  }
0x1b9: {  	v5 =	vld [tilespmem:s6+$0xFFFFFBE0];
	v7 =	vor.u32 s15, v1;
	[tilespmem:v8+s0+$0x0] =	vst.idx.msk $0xffff, v6  }
0x1ba: {  	v6 =	vld [tilespmem:s6+$0xFFFFFC60];
	v8 =	vor.u32 s16, v1;
	[tilespmem:v15+s0+$0x0] =	vst.idx.msk $0xffff, v14  }
0x1bb: {  	[tilespmem:v13+s0+$0x0] =	vst.idx.msk $0xffff, v12;
	v12 =	vld [tilespmem:s6+$0xFFFFF8F0];
	v13 =	vor.u32 s1, v2  }
0x1bc: {  	v15 =	vor.u32 s13, v2;
	v14 =	vld [tilespmem:s6+$0xFFFFF870];
	[tilespmem:v11+s0+$0x0] =	vst.idx.msk $0xffff, v10  }
0x1bd: {  	[tilespmem:v9+s0+$0x0] =	vst.idx.msk $0xffff, v4;
	v4 =	vld [tilespmem:s6+$0xFFFFFDE0];
	v9 =	vor.u32 s22, v1  }
0x1be: {  	[tilespmem:v7+s0+$0x0] =	vst.idx.msk $0xffff, v5;
	v5 =	vld [tilespmem:s6+$0xFFFFFE60];
	v7 =	vor.u32 s23, v1  }
0x1bf: {  	v10 =	vld [tilespmem:s6+$0xFFFFFF60];
	v11 =	vor.u32 s25, v1;
	[tilespmem:v8+s0+$0x0] =	vst.idx.msk $0xffff, v6  }
0x1c0: {  	v6 =	vld [tilespmem:s6+$0xFFFFFEE0];
	v8 =	vor.u32 s24, v1;
	[tilespmem:v13+s0+$0x0] =	vst.idx.msk $0xffff, v12  }
0x1c1: {  	v12 =	vld [tilespmem:s6+$0xFFFFFB70];
	v13 =	vor.u32 s11, v2;
	[tilespmem:v15+s0+$0x0] =	vst.idx.msk $0xffff, v14  }
0x1c2: {  	[tilespmem:v9+s0+$0x0] =	vst.idx.msk $0xffff, v4;
	v4 =	vld [tilespmem:s6+$0xFFFFF970];
	v9 =	vor.u32 s4, v2  }
0x1c3: {  	[tilespmem:v7+s0+$0x0] =	vst.idx.msk $0xffff, v5;
	v5 =	vld [tilespmem:s6+$0xFFFFF9F0];
	v7 =	vor.u32 s7, v2  }
0x1c4: {  	[tilespmem:v11+s0+$0x0] =	vst.idx.msk $0xffff, v10;
	v10 =	vld [tilespmem:s6+$0xFFFFFAF0];
	v11 =	vor.u32 s10, v2  }
0x1c5: {  	v15 =	vor.u32 s13, v3;
	v14 =	vld [tilespmem:s6+$0xFFFFF880];
	[tilespmem:v8+s0+$0x0] =	vst.idx.msk $0xffff, v6  }
0x1c6: {  	v6 =	vld [tilespmem:s6+$0xFFFFFA70];
	v8 =	vor.u32 s8, v2;
	[tilespmem:v13+s0+$0x0] =	vst.idx.msk $0xffff, v12  }
0x1c7: {  	[tilespmem:v9+s0+$0x0] =	vst.idx.msk $0xffff, v4;
	v4 =	vld [tilespmem:s6+$0xFFFFFBF0];
	v9 =	vor.u32 s15, v2  }
0x1c8: {  	[tilespmem:v7+s0+$0x0] =	vst.idx.msk $0xffff, v5;
	v5 =	vld [tilespmem:s6+$0xFFFFFC70];
	v7 =	vor.u32 s16, v2  }
0x1c9: {  	v12 =	vld [tilespmem:s6+$0xFFFFFDF0];
	v13 =	vor.u32 s22, v2;
	[tilespmem:v11+s0+$0x0] =	vst.idx.msk $0xffff, v10  }
0x1ca: {  	v10 =	vld [tilespmem:s6+$0xFFFFFD70];
	v11 =	vor.u32 s20, v2;
	[tilespmem:v15+s0+$0x0] =	vst.idx.msk $0xffff, v14  }
0x1cb: {  	[tilespmem:v8+s0+$0x0] =	vst.idx.msk $0xffff, v6;
	v6 =	vld [tilespmem:s6+$0xFFFFFCF0];
	v8 =	vor.u32 s17, v2  }
0x1cc: {  	[tilespmem:v9+s0+$0x0] =	vst.idx.msk $0xffff, v4;
	v4 =	vld [tilespmem:s6+$0xFFFFFE70];
	v9 =	vor.u32 s23, v2  }
0x1cd: {  	[tilespmem:v7+s0+$0x0] =	vst.idx.msk $0xffff, v5;
	v5 =	vld [tilespmem:s6+$0xFFFFFEF0];
	v7 =	vor.u32 s24, v2  }
0x1ce: {  	[tilespmem:v13+s0+$0x0] =	vst.idx.msk $0xffff, v12;
	v12 =	vld [tilespmem:s6+$0xFFFFF980];
	v13 =	vor.u32 s4, v3  }
0x1cf: {  	[tilespmem:v11+s0+$0x0] =	vst.idx.msk $0xffff, v10;
	v10 =	vld [tilespmem:s6+$0xFFFFF900];
	v11 =	vor.u32 s1, v3  }
0x1d0: {  	[tilespmem:v8+s0+$0x0] =	vst.idx.msk $0xffff, v6;
	v6 =	vld [tilespmem:s6+$0xFFFFFF70];
	v8 =	vor.u32 s25, v2  }
0x1d1: {  	[tilespmem:v9+s0+$0x0] =	vst.idx.msk $0xffff, v4;
	v4 =	vld [tilespmem:s6+$0xFFFFFA00];
	v9 =	vor.u32 s7, v3  }
0x1d2: {  	[tilespmem:v7+s0+$0x0] =	vst.idx.msk $0xffff, v5;
	v5 =	vld [tilespmem:s6+$0xFFFFFA80];
	v7 =	vor.u32 s8, v3  }
0x1d3: {  	[tilespmem:v13+s0+$0x0] =	vst.idx.msk $0xffff, v12;
	v12 =	vld [tilespmem:s6+$0xFFFFFC00];
	v13 =	vor.u32 s15, v3  }
0x1d4: {  	[tilespmem:v11+s0+$0x0] =	vst.idx.msk $0xffff, v10;
	v10 =	vld [tilespmem:s6+$0xFFFFFB80];
	v11 =	vor.u32 s11, v3  }
0x1d5: {  	[tilespmem:v8+s0+$0x0] =	vst.idx.msk $0xffff, v6;
	v6 =	vld [tilespmem:s6+$0xFFFFFB00];
	v8 =	vor.u32 s10, v3  }
0x1d6: {  	[tilespmem:v9+s0+$0x0] =	vst.idx.msk $0xffff, v4;
	v4 =	vld [tilespmem:s6+$0xFFFFFC80];
	v9 =	vor.u32 s16, v3  }
0x1d7: {  	[tilespmem:v7+s0+$0x0] =	vst.idx.msk $0xffff, v5;
	v5 =	vld [tilespmem:s6+$0xFFFFFD00];
	v7 =	vor.u32 s17, v3  }
0x1d8: {  	[tilespmem:v13+s0+$0x0] =	vst.idx.msk $0xffff, v12;
	v12 =	vld [tilespmem:s6+$0xFFFFFE80];
	v13 =	vor.u32 s23, v3  }
0x1d9: {  	[tilespmem:v11+s0+$0x0] =	vst.idx.msk $0xffff, v10;
	v10 =	vld [tilespmem:s6+$0xFFFFFE00];
	v11 =	vor.u32 s22, v3  }
0x1da: {  	[tilespmem:v8+s0+$0x0] =	vst.idx.msk $0xffff, v6;
	v6 =	vld [tilespmem:s6+$0xFFFFFD80];
	v8 =	vor.u32 s20, v3  }
0x1db: {  	[tilespmem:v9+s0+$0x0] =	vst.idx.msk $0xffff, v4;
	v4 =	vld [tilespmem:s6+$0xFFFFFF00];
	v9 =	vor.u32 s24, v3  }
0x1dc: {  	[tilespmem:v7+s0+$0x0] =	vst.idx.msk $0xffff, v5;
	v5 =	vld [tilespmem:s6+$0xFFFFFF80];
	v7 =	vor.u32 s25, v3  }
0x1dd: {  	[tilespmem:v13+s0+$0x0] =	vst.idx.msk $0xffff, v12  }
0x1de: {  	[tilespmem:v11+s0+$0x0] =	vst.idx.msk $0xffff, v10  }
0x1df: {  	[tilespmem:v8+s0+$0x0] =	vst.idx.msk $0xffff, v6  }
0x1e0: {  	[tilespmem:v9+s0+$0x0] =	vst.idx.msk $0xffff, v4  }
0x1e1: {  	[tilespmem:v7+s0+$0x0] =	vst.idx.msk $0xffff, v5  }
0x1e2: {  	s13 =	rddreg [dreg:$0x6]  }
0x1e3: {  	s1 =	sadd.s32 s19, s13  }
0x1e4: {  	[hbm4b:s1+s2] =	stream.linear.scatter [tilespmem:s0], [sflag:$0x6], $0x400, $0x38;
	[tilespmem:$0x1F000] =	vst v63  }
0x1e5: {  	s16 =	simm.s32 $0x1B800;
	s15 =	sadd.s32 $0x4000, s1  }
0x1e6: {  	[hbm4b:s15+s2] =	stream.linear.scatter [tilespmem:s16], [sflag:$0x6], $0x400, $0x38;
	[tilespmem:$0x1F000] =	vst v63  }
0x1e7: {  	s18 =	simm.s32 $0x1C000;
	s17 =	sadd.s32 $0x8000, s1  }
0x1e8: {  	[hbm4b:s17+s2] =	stream.linear.scatter [tilespmem:s18], [sflag:$0x6], $0x400, $0x38;
	[tilespmem:$0x1F000] =	vst v63  }
0x1e9: {  	s22 =	simm.s32 $0x1C800;
	s20 =	sadd.s32 $0xC000, s1  }
0x1ea: {  	[hbm4b:s20+s2] =	stream.linear.scatter [tilespmem:s22], [sflag:$0x6], $0x400, $0x38;
	[tilespmem:$0x1F000] =	vst v63  }
0x1eb: {  	s24 =	simm.s32 $0x1D000;
	s23 =	sadd.s32 $0x10000, s1  }
0x1ec: {  	[hbm4b:s23+s2] =	stream.linear.scatter [tilespmem:s24], [sflag:$0x6], $0x400, $0x38;
	[tilespmem:$0x1F000] =	vst v63  }
0x1ed: {  	s26 =	simm.s32 $0x1D800;
	s25 =	sadd.s32 $0x14000, s1  }
0x1ee: {  	[hbm4b:s25+s2] =	stream.linear.scatter [tilespmem:s26], [sflag:$0x6], $0x400, $0x38;
	[tilespmem:$0x1F000] =	vst v63  }
0x1ef: {  	s29 =	simm.s32 $0x1E000;
	s28 =	sadd.s32 $0x18000, s1  }
0x1f0: {  	[hbm4b:s28+s2] =	stream.linear.scatter [tilespmem:s29], [sflag:$0x6], $0x400, $0x38;
	[tilespmem:$0x1F000] =	vst v63  }
0x1f1: {  	p0 =	seq.s32 s14, $0x31;
	s6 =	simm.s32 $0x1E800;
	s1 =	sadd.s32 $0x1C000, s1  }
0x1f2: {  	[hbm4b:s1+s2] =	stream.linear.scatter [tilespmem:s6], [sflag:$0x6], $0x400, $0x38;
	[tilespmem:$0x1F000] =	vst v63  }
0x1f3: {  	s1 =	sadd.s32 @!p0 $0x1, s14  }
0x1f4: {  	s4 =	sshll.u32 @!p0 s1, $0x9;
	s1 =	sshll.u32 @!p0 s1, $0x7  }
0x1f5: {  	s4 =	sand.u32 @!p0 $0xF000, s4;
	s1 =	sand.u32 @!p0 $0x380, s1  }
0x1f6: {  	s13 =	sor.u32 @!p0 s1, s4  }
0x1f7: {  	s6 =	simm.s32 @!p0 $0xB000;
	s4 =	simm.s32 @!p0 $0x80;
	s1 =	sor.u32 @!p0 $0x400, s13  }
0x1f8: {  	[tilespmem:s6], [sflag:$0x2] =	stream.indirect.gather @!p0 [hbm4b:s3+s4], $0x80, s1, s4, $0xb8;
	[tilespmem:$0x1F000] =	vst v63  }
0x1f9: {  	_ =	swait.ge [sflag:s5], $0x4000  }
0x1fa: {  	[sflag:s5] =	ssyncset.done $0x0  }
0x1fb: {  	[sflag:s5] =	ssyncadd.s32 $0xFFFFC000  }
0x1fc: {  	_ =	swait.ge [sflag:s9], $0x2000  }
0x1fd: {  	[sflag:s9] =	ssyncset.done $0x0  }
0x1fe: {  	s26 =	simm.s32 $0xF;
	s4 =	simm.s32 $0xF7B0;
	[sflag:s9] =	ssyncadd.s32 $0xFFFFE000  }
0x1ff: {  	s7 =	simm.s32 $0x1;
	v5 =	vor.u32 s26, v0;
	v4 =	vld [tilespmem:s4+$0xFFFFFFD0]  }
0x200: {  	s8 =	simm.s32 $0x2;
	v7 =	vor.u32 s7, v0;
	v6 =	vld [tilespmem:s4+$0xFFFFF8D0]  }
0x201: {  	s10 =	simm.s32 $0x3;
	v9 =	vor.u32 s8, v0;
	v8 =	vld [tilespmem:s4+$0xFFFFF950]  }
0x202: {  	s11 =	simm.s32 $0x4;
	v11 =	vor.u32 s10, v0;
	v10 =	vld [tilespmem:s4+$0xFFFFF9D0]  }
0x203: {  	v13 =	vor.u32 s11, v0;
	s15 =	simm.s32 $0x5;
	v12 =	vld [tilespmem:s4+$0xFFFFFA50]  }
0x204: {  	s16 =	simm.s32 $0x6;
	v15 =	vor.u32 s15, v0;
	v14 =	vld [tilespmem:s4+$0xFFFFFAD0];
	[tilespmem:v5+s21+$0x0] =	vst.idx.msk $0xffff, v4  }
0x205: {  	s17 =	simm.s32 $0x7;
	[tilespmem:v7+s21+$0x0] =	vst.idx.msk $0xffff, v6;
	v6 =	vld [tilespmem:s4+$0xFFFFFB50];
	v7 =	vor.u32 s16, v0  }
0x206: {  	s18 =	simm.s32 $0x8;
	[tilespmem:v9+s21+$0x0] =	vst.idx.msk $0xffff, v8;
	v8 =	vld [tilespmem:s4+$0xFFFFFBD0];
	v9 =	vor.u32 s17, v0  }
0x207: {  	s20 =	simm.s32 $0x9;
	[tilespmem:v11+s21+$0x0] =	vst.idx.msk $0xffff, v10;
	v10 =	vld [tilespmem:s4+$0xFFFFFC50];
	v11 =	vor.u32 s18, v0  }
0x208: {  	s22 =	simm.s32 $0xA;
	[tilespmem:v13+s21+$0x0] =	vst.idx.msk $0xffff, v12;
	v12 =	vld [tilespmem:s4+$0xFFFFFCD0];
	v13 =	vor.u32 s20, v0  }
0x209: {  	[tilespmem:v15+s21+$0x0] =	vst.idx.msk $0xffff, v14;
	v14 =	vld [tilespmem:s4+$0xFFFFFD50];
	v15 =	vor.u32 s22, v0  }
0x20a: {  	s23 =	simm.s32 $0xB;
	v5 =	vor.u32 s26, v1;
	v4 =	vld [tilespmem:s4+$0xFFFFFFE0];
	[tilespmem:v7+s21+$0x0] =	vst.idx.msk $0xffff, v6  }
0x20b: {  	s24 =	simm.s32 $0xC;
	[tilespmem:v9+s21+$0x0] =	vst.idx.msk $0xffff, v8;
	v6 =	vld [tilespmem:s4+$0xFFFFFDD0];
	v7 =	vor.u32 s23, v0  }
0x20c: {  	s25 =	simm.s32 $0xD;
	[tilespmem:v11+s21+$0x0] =	vst.idx.msk $0xffff, v10;
	v8 =	vld [tilespmem:s4+$0xFFFFFE50];
	v9 =	vor.u32 s24, v0  }
0x20d: {  	s28 =	simm.s32 $0xE;
	[tilespmem:v13+s21+$0x0] =	vst.idx.msk $0xffff, v12;
	v10 =	vld [tilespmem:s4+$0xFFFFFED0];
	v11 =	vor.u32 s25, v0  }
0x20e: {  	s29 =	simm.s32 $0x0;
	[tilespmem:v15+s21+$0x0] =	vst.idx.msk $0xffff, v14;
	v12 =	vld [tilespmem:s4+$0xFFFFFF50];
	v13 =	vor.u32 s28, v0  }
0x20f: {  	v14 =	vld [tilespmem:s4+$0xFFFFF850];
	v15 =	vor.u32 s29, v0;
	[tilespmem:v5+s21+$0x0] =	vst.idx.msk $0xffff, v4  }
0x210: {  	v5 =	vor.u32 s26, v2;
	v4 =	vld [tilespmem:s4+$0xFFFFFFF0];
	[tilespmem:v7+s21+$0x0] =	vst.idx.msk $0xffff, v6  }
0x211: {  	v6 =	vld [tilespmem:s4+$0xFFFFF8E0];
	v7 =	vor.u32 s7, v1;
	[tilespmem:v9+s21+$0x0] =	vst.idx.msk $0xffff, v8  }
0x212: {  	v8 =	vld [tilespmem:s4+$0xFFFFF960];
	v9 =	vor.u32 s8, v1;
	[tilespmem:v11+s21+$0x0] =	vst.idx.msk $0xffff, v10  }
0x213: {  	v10 =	vld [tilespmem:s4+$0xFFFFF9E0];
	v11 =	vor.u32 s10, v1;
	[tilespmem:v13+s21+$0x0] =	vst.idx.msk $0xffff, v12  }
0x214: {  	[tilespmem:v15+s21+$0x0] =	vst.idx.msk $0xffff, v14;
	v12 =	vld [tilespmem:s4+$0xFFFFFA60];
	v13 =	vor.u32 s11, v1  }
0x215: {  	v14 =	vld [tilespmem:s4+$0xFFFFFAE0];
	v15 =	vor.u32 s15, v1;
	[tilespmem:v5+s21+$0x0] =	vst.idx.msk $0xffff, v4  }
0x216: {  	v4 =	vor.u32 s26, v3;
	v5 =	vld [tilespmem:s4+$0x0];
	[tilespmem:v7+s21+$0x0] =	vst.idx.msk $0xffff, v6  }
0x217: {  	[tilespmem:v9+s21+$0x0] =	vst.idx.msk $0xffff, v8;
	v6 =	vld [tilespmem:s4+$0xFFFFFBE0];
	v7 =	vor.u32 s17, v1  }
0x218: {  	[tilespmem:v11+s21+$0x0] =	vst.idx.msk $0xffff, v10;
	v8 =	vld [tilespmem:s4+$0xFFFFFC60];
	v9 =	vor.u32 s18, v1  }
0x219: {  	[tilespmem:v13+s21+$0x0] =	vst.idx.msk $0xffff, v12;
	v10 =	vld [tilespmem:s4+$0xFFFFFCE0];
	v11 =	vor.u32 s20, v1  }
0x21a: {  	[tilespmem:v15+s21+$0x0] =	vst.idx.msk $0xffff, v14;
	v12 =	vld [tilespmem:s4+$0xFFFFFD60];
	v13 =	vor.u32 s22, v1  }
0x21b: {  	[tilespmem:v4+s21+$0x0] =	vst.idx.msk $0xffff, v5;
	v4 =	vld [tilespmem:s4+$0xFFFFFB60];
	v5 =	vor.u32 s16, v1  }
0x21c: {  	v14 =	vld [tilespmem:s4+$0xFFFFF860];
	v15 =	vor.u32 s29, v1;
	[tilespmem:v7+s21+$0x0] =	vst.idx.msk $0xffff, v6  }
0x21d: {  	v6 =	vld [tilespmem:s4+$0xFFFFFE60];
	v7 =	vor.u32 s24, v1;
	[tilespmem:v9+s21+$0x0] =	vst.idx.msk $0xffff, v8  }
0x21e: {  	v8 =	vld [tilespmem:s4+$0xFFFFFEE0];
	v9 =	vor.u32 s25, v1;
	[tilespmem:v11+s21+$0x0] =	vst.idx.msk $0xffff, v10  }
0x21f: {  	v10 =	vld [tilespmem:s4+$0xFFFFFF60];
	v11 =	vor.u32 s28, v1;
	[tilespmem:v13+s21+$0x0] =	vst.idx.msk $0xffff, v12  }
0x220: {  	[tilespmem:v5+s21+$0x0] =	vst.idx.msk $0xffff, v4;
	v4 =	vld [tilespmem:s4+$0xFFFFFDE0];
	v5 =	vor.u32 s23, v1  }
0x221: {  	v12 =	vld [tilespmem:s4+$0xFFFFF8F0];
	v13 =	vor.u32 s7, v2;
	[tilespmem:v15+s21+$0x0] =	vst.idx.msk $0xffff, v14  }
0x222: {  	v15 =	vor.u32 s29, v2;
	v14 =	vld [tilespmem:s4+$0xFFFFF870];
	[tilespmem:v7+s21+$0x0] =	vst.idx.msk $0xffff, v6  }
0x223: {  	v6 =	vld [tilespmem:s4+$0xFFFFF9F0];
	v7 =	vor.u32 s10, v2;
	[tilespmem:v9+s21+$0x0] =	vst.idx.msk $0xffff, v8  }
0x224: {  	v8 =	vld [tilespmem:s4+$0xFFFFFA70];
	v9 =	vor.u32 s11, v2;
	[tilespmem:v11+s21+$0x0] =	vst.idx.msk $0xffff, v10  }
0x225: {  	[tilespmem:v5+s21+$0x0] =	vst.idx.msk $0xffff, v4;
	v4 =	vld [tilespmem:s4+$0xFFFFF970];
	v5 =	vor.u32 s8, v2  }
0x226: {  	v10 =	vld [tilespmem:s4+$0xFFFFFAF0];
	v11 =	vor.u32 s15, v2;
	[tilespmem:v13+s21+$0x0] =	vst.idx.msk $0xffff, v12  }
0x227: {  	v12 =	vld [tilespmem:s4+$0xFFFFFB70];
	v13 =	vor.u32 s16, v2;
	[tilespmem:v15+s21+$0x0] =	vst.idx.msk $0xffff, v14  }
0x228: {  	[tilespmem:v7+s21+$0x0] =	vst.idx.msk $0xffff, v6;
	v6 =	vld [tilespmem:s4+$0xFFFFFC70];
	v7 =	vor.u32 s18, v2  }
0x229: {  	[tilespmem:v9+s21+$0x0] =	vst.idx.msk $0xffff, v8;
	v8 =	vld [tilespmem:s4+$0xFFFFFCF0];
	v9 =	vor.u32 s20, v2  }
0x22a: {  	[tilespmem:v5+s21+$0x0] =	vst.idx.msk $0xffff, v4;
	v4 =	vld [tilespmem:s4+$0xFFFFFBF0];
	v5 =	vor.u32 s17, v2  }
0x22b: {  	[tilespmem:v11+s21+$0x0] =	vst.idx.msk $0xffff, v10;
	v10 =	vld [tilespmem:s4+$0xFFFFFD70];
	v11 =	vor.u32 s22, v2  }
0x22c: {  	[tilespmem:v13+s21+$0x0] =	vst.idx.msk $0xffff, v12;
	v12 =	vld [tilespmem:s4+$0xFFFFFDF0];
	v13 =	vor.u32 s23, v2  }
0x22d: {  	[tilespmem:v7+s21+$0x0] =	vst.idx.msk $0xffff, v6;
	v6 =	vld [tilespmem:s4+$0xFFFFFEF0];
	v7 =	vor.u32 s25, v2  }
0x22e: {  	[tilespmem:v9+s21+$0x0] =	vst.idx.msk $0xffff, v8;
	v8 =	vld [tilespmem:s4+$0xFFFFFF70];
	v9 =	vor.u32 s28, v2  }
0x22f: {  	[tilespmem:v5+s21+$0x0] =	vst.idx.msk $0xffff, v4;
	v4 =	vld [tilespmem:s4+$0xFFFFFE70];
	v5 =	vor.u32 s24, v2  }
0x230: {  	[tilespmem:v11+s21+$0x0] =	vst.idx.msk $0xffff, v10;
	v10 =	vor.u32 s7, v3;
	v11 =	vld [tilespmem:s4+$0xFFFFF900]  }
0x231: {  	[tilespmem:v13+s21+$0x0] =	vst.idx.msk $0xffff, v12;
	v12 =	vor.u32 s8, v3;
	v13 =	vld [tilespmem:s4+$0xFFFFF980]  }
0x232: {  	v18 =	vor.u32 s22, v3;
	v19 =	vld [tilespmem:s4+$0xFFFFFD80];
	[tilespmem:v7+s21+$0x0] =	vst.idx.msk $0xffff, v6  }
0x233: {  	v6 =	vor.u32 s11, v3;
	v7 =	vld [tilespmem:s4+$0xFFFFFA80];
	[tilespmem:v9+s21+$0x0] =	vst.idx.msk $0xffff, v8  }
0x234: {  	[tilespmem:v5+s21+$0x0] =	vst.idx.msk $0xffff, v4;
	v4 =	vor.u32 s10, v3;
	v5 =	vld [tilespmem:s4+$0xFFFFFA00]  }
0x235: {  	v8 =	vor.u32 s15, v3;
	v9 =	vld [tilespmem:s4+$0xFFFFFB00];
	[tilespmem:v10+s21+$0x0] =	vst.idx.msk $0xffff, v11  }
0x236: {  	v15 =	vor.u32 s17, v3;
	[tilespmem:v12+s21+$0x0] =	vst.idx.msk $0xffff, v13;
	v12 =	vld [tilespmem:s4+$0xFFFFFC00]  }
0x237: {  	v14 =	vor.u32 s16, v3;
	v10 =	vld [tilespmem:s4+$0xFFFFFB80];
	[tilespmem:v18+s21+$0x0] =	vst.idx.msk $0xffff, v19  }
0x238: {  	v17 =	vor.u32 s20, v3;
	[tilespmem:v6+s21+$0x0] =	vst.idx.msk $0xffff, v7;
	v6 =	vld [tilespmem:s4+$0xFFFFFD00]  }
0x239: {  	v16 =	vor.u32 s18, v3;
	[tilespmem:v4+s21+$0x0] =	vst.idx.msk $0xffff, v5;
	v4 =	vld [tilespmem:s4+$0xFFFFFC80]  }
0x23a: {  	v11 =	vld [tilespmem:s4+$0xFFFFFE00];
	v13 =	vor.u32 s23, v3;
	[tilespmem:v8+s21+$0x0] =	vst.idx.msk $0xffff, v9  }
0x23b: {  	[tilespmem:v15+s21+$0x0] =	vst.idx.msk $0xffff, v12;
	v9 =	vld [tilespmem:s4+$0xFFFFFE80];
	v12 =	vor.u32 s24, v3  }
0x23c: {  	[tilespmem:v14+s21+$0x0] =	vst.idx.msk $0xffff, v10;
	v10 =	vor.u32 s25, v3;
	v5 =	vld [tilespmem:s4+$0xFFFFFF00]  }
0x23d: {  	s6 =	simm.s32 $0x10;
	v7 =	vor.u32 s28, v3;
	[tilespmem:v17+s21+$0x0] =	vst.idx.msk $0xffff, v6;
	v6 =	vld [tilespmem:s4+$0xFFFFFF80]  }
0x23e: {  	s20 =	simm.s32 $0x1F;
	s7 =	simm.s32 $0x20;
	v8 =	vor.u32 s29, v3;
	[tilespmem:v16+s21+$0x0] =	vst.idx.msk $0xffff, v4;
	v4 =	vld [tilespmem:s4+$0xFFFFF880];
	s4 =	simm.s32 $0xFFB0  }
.LBB2_11:
0x23f: {  	p1 =	slt.u32 s7, $0x70;
	s22 =	sadd.s32 $0x1, s6;
	v14 =	vld [tilespmem:s4+$0xFFFFFFD0];
	v15 =	vor.u32 s20, v0;
	[tilespmem:v13+s21+$0x0] =	vst.idx.msk $0xffff, v11;
	s8 =	smov.u32 s6  }
0x240: {  	s6 =	smov.u32 s7;
	v11 =	vld [tilespmem:s4+$0xFFFFF8D0];
	v13 =	vor.u32 s22, v0;
	s23 =	sadd.s32 $0x2, s8;
	[tilespmem:v12+s21+$0x0] =	vst.idx.msk $0xffff, v9  }
0x241: {  	s24 =	sadd.s32 $0x3, s8;
	v9 =	vld [tilespmem:s4+$0xFFFFF950];
	v12 =	vor.u32 s23, v0;
	[tilespmem:v10+s21+$0x0] =	vst.idx.msk $0xffff, v5  }
0x242: {  	s25 =	sadd.s32 $0x4, s8;
	v10 =	vor.u32 s24, v0;
	v5 =	vld [tilespmem:s4+$0xFFFFF9D0];
	[tilespmem:v7+s21+$0x0] =	vst.idx.msk $0xffff, v6  }
0x243: {  	s26 =	sadd.s32 $0x5, s8;
	v7 =	vor.u32 s25, v0;
	v6 =	vld [tilespmem:s4+$0xFFFFFA50];
	[tilespmem:v8+s21+$0x0] =	vst.idx.msk $0xffff, v4  }
0x244: {  	v8 =	vor.u32 s26, v0;
	v4 =	vld [tilespmem:s4+$0xFFFFFAD0];
	[tilespmem:v15+s21+$0x0] =	vst.idx.msk $0xffff, v14  }
0x245: {  	s28 =	sadd.s32 $0x6, s8;
	[tilespmem:v13+s21+$0x0] =	vst.idx.msk $0xffff, v11;
	v11 =	vld [tilespmem:s4+$0xFFFFFFE0];
	v13 =	vor.u32 s20, v1  }
0x246: {  	s29 =	sadd.s32 $0x7, s8;
	[tilespmem:v12+s21+$0x0] =	vst.idx.msk $0xffff, v9;
	v9 =	vld [tilespmem:s4+$0xFFFFFB50];
	v12 =	vor.u32 s28, v0  }
0x247: {  	s1 =	sadd.s32 $0x8, s8;
	[tilespmem:v10+s21+$0x0] =	vst.idx.msk $0xffff, v5;
	v5 =	vld [tilespmem:s4+$0xFFFFFBD0];
	v10 =	vor.u32 s29, v0  }
0x248: {  	s10 =	sadd.s32 $0x9, s8;
	[tilespmem:v7+s21+$0x0] =	vst.idx.msk $0xffff, v6;
	v6 =	vld [tilespmem:s4+$0xFFFFFC50];
	v7 =	vor.u32 s1, v0  }
0x249: {  	s11 =	sadd.s32 $0xA, s8;
	[tilespmem:v8+s21+$0x0] =	vst.idx.msk $0xffff, v4;
	v4 =	vld [tilespmem:s4+$0xFFFFFCD0];
	v8 =	vor.u32 s10, v0  }
0x24a: {  	v15 =	vor.u32 s11, v0;
	v14 =	vld [tilespmem:s4+$0xFFFFFD50];
	[tilespmem:v13+s21+$0x0] =	vst.idx.msk $0xffff, v11  }
0x24b: {  	s15 =	sadd.s32 $0xB, s8;
	v11 =	vor.u32 s20, v2;
	[tilespmem:v12+s21+$0x0] =	vst.idx.msk $0xffff, v9;
	v9 =	vld [tilespmem:s4+$0xFFFFFFF0]  }
0x24c: {  	s16 =	sadd.s32 $0xC, s8;
	[tilespmem:v10+s21+$0x0] =	vst.idx.msk $0xffff, v5;
	v5 =	vld [tilespmem:s4+$0xFFFFFDD0];
	v10 =	vor.u32 s15, v0  }
0x24d: {  	s17 =	sadd.s32 $0xD, s8;
	[tilespmem:v7+s21+$0x0] =	vst.idx.msk $0xffff, v6;
	v6 =	vld [tilespmem:s4+$0xFFFFFE50];
	v7 =	vor.u32 s16, v0  }
0x24e: {  	s18 =	sadd.s32 $0xE, s8;
	[tilespmem:v8+s21+$0x0] =	vst.idx.msk $0xffff, v4;
	v4 =	vld [tilespmem:s4+$0xFFFFFED0];
	v8 =	vor.u32 s17, v0  }
0x24f: {  	v13 =	vor.u32 s18, v0;
	[tilespmem:v15+s21+$0x0] =	vst.idx.msk $0xffff, v14;
	v12 =	vld [tilespmem:s4+$0xFFFFFF50]  }
0x250: {  	v15 =	vor.u32 s8, v0;
	v14 =	vld [tilespmem:s4+$0xFFFFF850];
	[tilespmem:v11+s21+$0x0] =	vst.idx.msk $0xffff, v9  }
0x251: {  	v9 =	vor.u32 s20, v3;
	[tilespmem:v10+s21+$0x0] =	vst.idx.msk $0xffff, v5;
	v5 =	vld [tilespmem:s4+$0x0]  }
0x252: {  	v11 =	vor.u32 s22, v1;
	v10 =	vld [tilespmem:s4+$0xFFFFF8E0];
	[tilespmem:v7+s21+$0x0] =	vst.idx.msk $0xffff, v6  }
0x253: {  	v7 =	vor.u32 s23, v1;
	v6 =	vld [tilespmem:s4+$0xFFFFF960];
	[tilespmem:v8+s21+$0x0] =	vst.idx.msk $0xffff, v4  }
0x254: {  	v8 =	vor.u32 s24, v1;
	v4 =	vld [tilespmem:s4+$0xFFFFF9E0];
	[tilespmem:v13+s21+$0x0] =	vst.idx.msk $0xffff, v12  }
0x255: {  	v13 =	vor.u32 s25, v1;
	[tilespmem:v15+s21+$0x0] =	vst.idx.msk $0xffff, v14;
	v12 =	vld [tilespmem:s4+$0xFFFFFA60]  }
0x256: {  	v15 =	vor.u32 s26, v1;
	v14 =	vld [tilespmem:s4+$0xFFFFFAE0];
	[tilespmem:v9+s21+$0x0] =	vst.idx.msk $0xffff, v5  }
0x257: {  	v9 =	vor.u32 s28, v1;
	[tilespmem:v11+s21+$0x0] =	vst.idx.msk $0xffff, v10;
	v5 =	vld [tilespmem:s4+$0xFFFFFB60]  }
0x258: {  	[tilespmem:v7+s21+$0x0] =	vst.idx.msk $0xffff, v6;
	v6 =	vld [tilespmem:s4+$0xFFFFFBE0];
	v7 =	vor.u32 s29, v1  }
0x259: {  	[tilespmem:v8+s21+$0x0] =	vst.idx.msk $0xffff, v4;
	v4 =	vld [tilespmem:s4+$0xFFFFFC60];
	v8 =	vor.u32 s1, v1  }
0x25a: {  	v11 =	vor.u32 s10, v1;
	[tilespmem:v13+s21+$0x0] =	vst.idx.msk $0xffff, v12;
	v10 =	vld [tilespmem:s4+$0xFFFFFCE0]  }
0x25b: {  	v13 =	vor.u32 s11, v1;
	[tilespmem:v15+s21+$0x0] =	vst.idx.msk $0xffff, v14;
	v12 =	vld [tilespmem:s4+$0xFFFFFD60]  }
0x25c: {  	[tilespmem:v9+s21+$0x0] =	vst.idx.msk $0xffff, v5;
	v5 =	vld [tilespmem:s4+$0xFFFFFDE0];
	v9 =	vor.u32 s15, v1  }
0x25d: {  	[tilespmem:v7+s21+$0x0] =	vst.idx.msk $0xffff, v6;
	v6 =	vld [tilespmem:s4+$0xFFFFFE60];
	v7 =	vor.u32 s16, v1  }
0x25e: {  	[tilespmem:v8+s21+$0x0] =	vst.idx.msk $0xffff, v4;
	v4 =	vld [tilespmem:s4+$0xFFFFFEE0];
	v8 =	vor.u32 s17, v1  }
0x25f: {  	[tilespmem:v11+s21+$0x0] =	vst.idx.msk $0xffff, v10;
	v10 =	vld [tilespmem:s4+$0xFFFFFF60];
	v11 =	vor.u32 s18, v1  }
0x260: {  	v15 =	vor.u32 s8, v1;
	v14 =	vld [tilespmem:s4+$0xFFFFF860];
	[tilespmem:v13+s21+$0x0] =	vst.idx.msk $0xffff, v12  }
0x261: {  	v13 =	vor.u32 s22, v2;
	v12 =	vld [tilespmem:s4+$0xFFFFF8F0];
	[tilespmem:v9+s21+$0x0] =	vst.idx.msk $0xffff, v5  }
0x262: {  	v9 =	vor.u32 s23, v2;
	v5 =	vld [tilespmem:s4+$0xFFFFF970];
	[tilespmem:v7+s21+$0x0] =	vst.idx.msk $0xffff, v6  }
0x263: {  	v7 =	vor.u32 s24, v2;
	v6 =	vld [tilespmem:s4+$0xFFFFF9F0];
	[tilespmem:v8+s21+$0x0] =	vst.idx.msk $0xffff, v4  }
0x264: {  	v8 =	vor.u32 s25, v2;
	v4 =	vld [tilespmem:s4+$0xFFFFFA70];
	[tilespmem:v11+s21+$0x0] =	vst.idx.msk $0xffff, v10  }
0x265: {  	v11 =	vor.u32 s26, v2;
	[tilespmem:v15+s21+$0x0] =	vst.idx.msk $0xffff, v14;
	v10 =	vld [tilespmem:s4+$0xFFFFFAF0]  }
0x266: {  	[tilespmem:v13+s21+$0x0] =	vst.idx.msk $0xffff, v12;
	v12 =	vld [tilespmem:s4+$0xFFFFFB70];
	v13 =	vor.u32 s28, v2  }
0x267: {  	[tilespmem:v9+s21+$0x0] =	vst.idx.msk $0xffff, v5;
	v5 =	vld [tilespmem:s4+$0xFFFFFBF0];
	v9 =	vor.u32 s29, v2  }
0x268: {  	[tilespmem:v7+s21+$0x0] =	vst.idx.msk $0xffff, v6;
	v6 =	vld [tilespmem:s4+$0xFFFFFC70];
	v7 =	vor.u32 s1, v2  }
0x269: {  	[tilespmem:v8+s21+$0x0] =	vst.idx.msk $0xffff, v4;
	v4 =	vld [tilespmem:s4+$0xFFFFFCF0];
	v8 =	vor.u32 s10, v2  }
0x26a: {  	[tilespmem:v11+s21+$0x0] =	vst.idx.msk $0xffff, v10;
	v10 =	vld [tilespmem:s4+$0xFFFFFD70];
	v11 =	vor.u32 s11, v2  }
0x26b: {  	[tilespmem:v13+s21+$0x0] =	vst.idx.msk $0xffff, v12;
	v12 =	vld [tilespmem:s4+$0xFFFFFDF0];
	v13 =	vor.u32 s15, v2  }
0x26c: {  	[tilespmem:v9+s21+$0x0] =	vst.idx.msk $0xffff, v5;
	v5 =	vld [tilespmem:s4+$0xFFFFFE70];
	v9 =	vor.u32 s16, v2  }
0x26d: {  	[tilespmem:v7+s21+$0x0] =	vst.idx.msk $0xffff, v6;
	v6 =	vld [tilespmem:s4+$0xFFFFFEF0];
	v7 =	vor.u32 s17, v2  }
0x26e: {  	[tilespmem:v8+s21+$0x0] =	vst.idx.msk $0xffff, v4;
	v4 =	vld [tilespmem:s4+$0xFFFFFF70];
	v8 =	vor.u32 s18, v2  }
0x26f: {  	v15 =	vor.u32 s8, v2;
	v14 =	vld [tilespmem:s4+$0xFFFFF870];
	[tilespmem:v11+s21+$0x0] =	vst.idx.msk $0xffff, v10  }
0x270: {  	v11 =	vor.u32 s22, v3;
	v10 =	vld [tilespmem:s4+$0xFFFFF900];
	[tilespmem:v13+s21+$0x0] =	vst.idx.msk $0xffff, v12  }
0x271: {  	v13 =	vor.u32 s23, v3;
	v12 =	vld [tilespmem:s4+$0xFFFFF980];
	[tilespmem:v9+s21+$0x0] =	vst.idx.msk $0xffff, v5  }
0x272: {  	v9 =	vor.u32 s24, v3;
	v5 =	vld [tilespmem:s4+$0xFFFFFA00];
	[tilespmem:v7+s21+$0x0] =	vst.idx.msk $0xffff, v6  }
0x273: {  	v7 =	vor.u32 s25, v3;
	v6 =	vld [tilespmem:s4+$0xFFFFFA80];
	[tilespmem:v8+s21+$0x0] =	vst.idx.msk $0xffff, v4  }
0x274: {  	v8 =	vor.u32 s26, v3;
	[tilespmem:v15+s21+$0x0] =	vst.idx.msk $0xffff, v14;
	v4 =	vld [tilespmem:s4+$0xFFFFFB00]  }
0x275: {  	[tilespmem:v11+s21+$0x0] =	vst.idx.msk $0xffff, v10;
	v10 =	vld [tilespmem:s4+$0xFFFFFB80];
	v11 =	vor.u32 s28, v3  }
0x276: {  	v14 =	vor.u32 s29, v3;
	[tilespmem:v13+s21+$0x0] =	vst.idx.msk $0xffff, v12;
	v12 =	vld [tilespmem:s4+$0xFFFFFC00]  }
0x277: {  	v15 =	vor.u32 s1, v3;
	[tilespmem:v9+s21+$0x0] =	vst.idx.msk $0xffff, v5;
	v5 =	vld [tilespmem:s4+$0xFFFFFC80]  }
0x278: {  	[tilespmem:v7+s21+$0x0] =	vst.idx.msk $0xffff, v6;
	v6 =	vld [tilespmem:s4+$0xFFFFFD00];
	v7 =	vor.u32 s10, v3  }
0x279: {  	v17 =	vor.u32 s11, v3;
	[tilespmem:v8+s21+$0x0] =	vst.idx.msk $0xffff, v4;
	v16 =	vld [tilespmem:s4+$0xFFFFFD80]  }
.Ltmp5:
0x27a: {  	v13 =	vor.u32 s15, v3;
	[tilespmem:v11+s21+$0x0] =	vst.idx.msk $0xffff, v10;
	v11 =	vld [tilespmem:s4+$0xFFFFFE00];
	(pc) =	sbr.rel @p1 .LBB2_11-.Ltmp5, $4  }
0x27b: {  	[tilespmem:v14+s21+$0x0] =	vst.idx.msk $0xffff, v12;
	v9 =	vld [tilespmem:s4+$0xFFFFFE80];
	v12 =	vor.u32 s16, v3  }
0x27c: {  	v10 =	vor.u32 s17, v3;
	[tilespmem:v15+s21+$0x0] =	vst.idx.msk $0xffff, v5;
	v5 =	vld [tilespmem:s4+$0xFFFFFF00]  }
0x27d: {  	[tilespmem:v7+s21+$0x0] =	vst.idx.msk $0xffff, v6;
	v6 =	vld [tilespmem:s4+$0xFFFFFF80];
	v7 =	vor.u32 s18, v3  }
0x27e: {  	s7 =	sadd.s32 $0x10, s7;
	s20 =	sadd.s32 $0xF, s6;
	v8 =	vor.u32 s8, v3;
	v4 =	vld [tilespmem:s4+$0xFFFFF880];
	[tilespmem:v17+s21+$0x0] =	vst.idx.msk $0xffff, v16;
	s4 =	sadd.s32 $0x800, s4  }
0x27f: {  	_ =	sdelay $0x3  }
0x280: {  	s1 =	sadd.s32 $0x1, s6;
	v14 =	vld [tilespmem:s4+$0xFFFFFFD0];
	v15 =	vor.u32 s20, v0;
	[tilespmem:v13+s21+$0x0] =	vst.idx.msk $0xffff, v11  }
0x281: {  	v11 =	vld [tilespmem:s4+$0xFFFFF8D0];
	s7 =	sadd.s32 $0x2, s6;
	v13 =	vor.u32 s1, v0;
	[tilespmem:v12+s21+$0x0] =	vst.idx.msk $0xffff, v9  }
0x282: {  	s8 =	sadd.s32 $0x3, s6;
	v9 =	vld [tilespmem:s4+$0xFFFFF950];
	v12 =	vor.u32 s7, v0;
	[tilespmem:v10+s21+$0x0] =	vst.idx.msk $0xffff, v5  }
0x283: {  	s10 =	sadd.s32 $0x4, s6;
	v5 =	vld [tilespmem:s4+$0xFFFFF9D0];
	v10 =	vor.u32 s8, v0;
	[tilespmem:v7+s21+$0x0] =	vst.idx.msk $0xffff, v6  }
0x284: {  	s11 =	sadd.s32 $0x5, s6;
	v6 =	vld [tilespmem:s4+$0xFFFFFA50];
	v7 =	vor.u32 s10, v0;
	[tilespmem:v8+s21+$0x0] =	vst.idx.msk $0xffff, v4  }
0x285: {  	s22 =	sadd.s32 $0xA, s6;
	v4 =	vld [tilespmem:s4+$0xFFFFFAD0];
	v8 =	vor.u32 s11, v0;
	[tilespmem:v15+s21+$0x0] =	vst.idx.msk $0xffff, v14  }
0x286: {  	v14 =	vld [tilespmem:s4+$0xFFFFFD50];
	v15 =	vor.u32 s22, v0;
	[tilespmem:v13+s21+$0x0] =	vst.idx.msk $0xffff, v11  }
0x287: {  	s15 =	sadd.s32 $0x6, s6;
	v11 =	vld [tilespmem:s4+$0xFFFFFFE0];
	v13 =	vor.u32 s20, v1;
	[tilespmem:v12+s21+$0x0] =	vst.idx.msk $0xffff, v9  }
0x288: {  	s16 =	sadd.s32 $0x7, s6;
	v9 =	vld [tilespmem:s4+$0xFFFFFB50];
	v12 =	vor.u32 s15, v0;
	[tilespmem:v10+s21+$0x0] =	vst.idx.msk $0xffff, v5  }
0x289: {  	s17 =	sadd.s32 $0x8, s6;
	v5 =	vld [tilespmem:s4+$0xFFFFFBD0];
	v10 =	vor.u32 s16, v0;
	[tilespmem:v7+s21+$0x0] =	vst.idx.msk $0xffff, v6  }
0x28a: {  	s18 =	sadd.s32 $0x9, s6;
	v6 =	vld [tilespmem:s4+$0xFFFFFC50];
	v7 =	vor.u32 s17, v0;
	[tilespmem:v8+s21+$0x0] =	vst.idx.msk $0xffff, v4  }
0x28b: {  	v4 =	vld [tilespmem:s4+$0xFFFFFCD0];
	v8 =	vor.u32 s18, v0;
	[tilespmem:v15+s21+$0x0] =	vst.idx.msk $0xffff, v14  }
0x28c: {  	s26 =	sadd.s32 $0xE, s6;
	v14 =	vld [tilespmem:s4+$0xFFFFF850];
	v15 =	vor.u32 s6, v0;
	[tilespmem:v13+s21+$0x0] =	vst.idx.msk $0xffff, v11  }
0x28d: {  	[tilespmem:v12+s21+$0x0] =	vst.idx.msk $0xffff, v9;
	v12 =	vld [tilespmem:s4+$0xFFFFFF50];
	v13 =	vor.u32 s26, v0  }
0x28e: {  	s23 =	sadd.s32 $0xB, s6;
	v11 =	vor.u32 s20, v2;
	v9 =	vld [tilespmem:s4+$0xFFFFFFF0];
	[tilespmem:v10+s21+$0x0] =	vst.idx.msk $0xffff, v5  }
0x28f: {  	s24 =	sadd.s32 $0xC, s6;
	v5 =	vld [tilespmem:s4+$0xFFFFFDD0];
	v10 =	vor.u32 s23, v0;
	[tilespmem:v7+s21+$0x0] =	vst.idx.msk $0xffff, v6  }
0x290: {  	s25 =	sadd.s32 $0xD, s6;
	v6 =	vld [tilespmem:s4+$0xFFFFFE50];
	v7 =	vor.u32 s24, v0;
	[tilespmem:v8+s21+$0x0] =	vst.idx.msk $0xffff, v4  }
0x291: {  	v4 =	vld [tilespmem:s4+$0xFFFFFED0];
	v8 =	vor.u32 s25, v0;
	[tilespmem:v15+s21+$0x0] =	vst.idx.msk $0xffff, v14  }
0x292: {  	v14 =	vld [tilespmem:s4+$0xFFFFFAE0];
	v15 =	vor.u32 s11, v1;
	[tilespmem:v13+s21+$0x0] =	vst.idx.msk $0xffff, v12  }
0x293: {  	v12 =	vld [tilespmem:s4+$0xFFFFFA60];
	v13 =	vor.u32 s10, v1;
	[tilespmem:v11+s21+$0x0] =	vst.idx.msk $0xffff, v9  }
0x294: {  	[tilespmem:v10+s21+$0x0] =	vst.idx.msk $0xffff, v5;
	v10 =	vld [tilespmem:s4+$0xFFFFF8E0];
	v11 =	vor.u32 s1, v1  }
0x295: {  	v9 =	vor.u32 s20, v3;
	v5 =	vld [tilespmem:s4+$0x0];
	[tilespmem:v7+s21+$0x0] =	vst.idx.msk $0xffff, v6  }
0x296: {  	v6 =	vld [tilespmem:s4+$0xFFFFF960];
	v7 =	vor.u32 s7, v1;
	[tilespmem:v8+s21+$0x0] =	vst.idx.msk $0xffff, v4  }
0x297: {  	v4 =	vld [tilespmem:s4+$0xFFFFF9E0];
	v8 =	vor.u32 s8, v1;
	[tilespmem:v15+s21+$0x0] =	vst.idx.msk $0xffff, v14  }
0x298: {  	v14 =	vld [tilespmem:s4+$0xFFFFF860];
	v15 =	vor.u32 s6, v1;
	[tilespmem:v13+s21+$0x0] =	vst.idx.msk $0xffff, v12  }
0x299: {  	v12 =	vld [tilespmem:s4+$0xFFFFFD60];
	v13 =	vor.u32 s22, v1;
	[tilespmem:v11+s21+$0x0] =	vst.idx.msk $0xffff, v10  }
0x29a: {  	v10 =	vld [tilespmem:s4+$0xFFFFFCE0];
	v11 =	vor.u32 s18, v1;
	[tilespmem:v9+s21+$0x0] =	vst.idx.msk $0xffff, v5  }
0x29b: {  	v5 =	vld [tilespmem:s4+$0xFFFFFB60];
	v9 =	vor.u32 s15, v1;
	[tilespmem:v7+s21+$0x0] =	vst.idx.msk $0xffff, v6  }
0x29c: {  	v6 =	vld [tilespmem:s4+$0xFFFFFBE0];
	v7 =	vor.u32 s16, v1;
	[tilespmem:v8+s21+$0x0] =	vst.idx.msk $0xffff, v4  }
0x29d: {  	v4 =	vld [tilespmem:s4+$0xFFFFFC60];
	v8 =	vor.u32 s17, v1;
	[tilespmem:v15+s21+$0x0] =	vst.idx.msk $0xffff, v14  }
0x29e: {  	[tilespmem:v13+s21+$0x0] =	vst.idx.msk $0xffff, v12;
	v12 =	vld [tilespmem:s4+$0xFFFFF8F0];
	v13 =	vor.u32 s1, v2  }
0x29f: {  	v15 =	vor.u32 s6, v2;
	v14 =	vld [tilespmem:s4+$0xFFFFF870];
	[tilespmem:v11+s21+$0x0] =	vst.idx.msk $0xffff, v10  }
0x2a0: {  	[tilespmem:v9+s21+$0x0] =	vst.idx.msk $0xffff, v5;
	v5 =	vld [tilespmem:s4+$0xFFFFFDE0];
	v9 =	vor.u32 s23, v1  }
0x2a1: {  	[tilespmem:v7+s21+$0x0] =	vst.idx.msk $0xffff, v6;
	v6 =	vld [tilespmem:s4+$0xFFFFFE60];
	v7 =	vor.u32 s24, v1  }
0x2a2: {  	v10 =	vld [tilespmem:s4+$0xFFFFFF60];
	v11 =	vor.u32 s26, v1;
	[tilespmem:v8+s21+$0x0] =	vst.idx.msk $0xffff, v4  }
0x2a3: {  	v4 =	vld [tilespmem:s4+$0xFFFFFEE0];
	v8 =	vor.u32 s25, v1;
	[tilespmem:v13+s21+$0x0] =	vst.idx.msk $0xffff, v12  }
0x2a4: {  	v12 =	vld [tilespmem:s4+$0xFFFFFB70];
	v13 =	vor.u32 s15, v2;
	[tilespmem:v15+s21+$0x0] =	vst.idx.msk $0xffff, v14  }
0x2a5: {  	[tilespmem:v9+s21+$0x0] =	vst.idx.msk $0xffff, v5;
	v5 =	vld [tilespmem:s4+$0xFFFFF970];
	v9 =	vor.u32 s7, v2  }
0x2a6: {  	[tilespmem:v7+s21+$0x0] =	vst.idx.msk $0xffff, v6;
	v6 =	vld [tilespmem:s4+$0xFFFFF9F0];
	v7 =	vor.u32 s8, v2  }
0x2a7: {  	[tilespmem:v11+s21+$0x0] =	vst.idx.msk $0xffff, v10;
	v10 =	vld [tilespmem:s4+$0xFFFFFAF0];
	v11 =	vor.u32 s11, v2  }
0x2a8: {  	v15 =	vor.u32 s6, v3;
	v14 =	vld [tilespmem:s4+$0xFFFFF880];
	[tilespmem:v8+s21+$0x0] =	vst.idx.msk $0xffff, v4  }
0x2a9: {  	v4 =	vld [tilespmem:s4+$0xFFFFFA70];
	v8 =	vor.u32 s10, v2;
	[tilespmem:v13+s21+$0x0] =	vst.idx.msk $0xffff, v12  }
0x2aa: {  	[tilespmem:v9+s21+$0x0] =	vst.idx.msk $0xffff, v5;
	v5 =	vld [tilespmem:s4+$0xFFFFFBF0];
	v9 =	vor.u32 s16, v2  }
0x2ab: {  	[tilespmem:v7+s21+$0x0] =	vst.idx.msk $0xffff, v6;
	v6 =	vld [tilespmem:s4+$0xFFFFFC70];
	v7 =	vor.u32 s17, v2  }
0x2ac: {  	v12 =	vld [tilespmem:s4+$0xFFFFFDF0];
	v13 =	vor.u32 s23, v2;
	[tilespmem:v11+s21+$0x0] =	vst.idx.msk $0xffff, v10  }
0x2ad: {  	v10 =	vld [tilespmem:s4+$0xFFFFFD70];
	v11 =	vor.u32 s22, v2;
	[tilespmem:v15+s21+$0x0] =	vst.idx.msk $0xffff, v14  }
0x2ae: {  	[tilespmem:v8+s21+$0x0] =	vst.idx.msk $0xffff, v4;
	v4 =	vld [tilespmem:s4+$0xFFFFFCF0];
	v8 =	vor.u32 s18, v2  }
0x2af: {  	[tilespmem:v9+s21+$0x0] =	vst.idx.msk $0xffff, v5;
	v5 =	vld [tilespmem:s4+$0xFFFFFE70];
	v9 =	vor.u32 s24, v2  }
0x2b0: {  	[tilespmem:v7+s21+$0x0] =	vst.idx.msk $0xffff, v6;
	v6 =	vld [tilespmem:s4+$0xFFFFFEF0];
	v7 =	vor.u32 s25, v2  }
0x2b1: {  	[tilespmem:v13+s21+$0x0] =	vst.idx.msk $0xffff, v12;
	v12 =	vld [tilespmem:s4+$0xFFFFF980];
	v13 =	vor.u32 s7, v3  }
0x2b2: {  	[tilespmem:v11+s21+$0x0] =	vst.idx.msk $0xffff, v10;
	v10 =	vld [tilespmem:s4+$0xFFFFF900];
	v11 =	vor.u32 s1, v3  }
0x2b3: {  	[tilespmem:v8+s21+$0x0] =	vst.idx.msk $0xffff, v4;
	v4 =	vld [tilespmem:s4+$0xFFFFFF70];
	v8 =	vor.u32 s26, v2  }
0x2b4: {  	[tilespmem:v9+s21+$0x0] =	vst.idx.msk $0xffff, v5;
	v5 =	vld [tilespmem:s4+$0xFFFFFA00];
	v9 =	vor.u32 s8, v3  }
0x2b5: {  	[tilespmem:v7+s21+$0x0] =	vst.idx.msk $0xffff, v6;
	v6 =	vld [tilespmem:s4+$0xFFFFFA80];
	v7 =	vor.u32 s10, v3  }
0x2b6: {  	[tilespmem:v13+s21+$0x0] =	vst.idx.msk $0xffff, v12;
	v12 =	vld [tilespmem:s4+$0xFFFFFC00];
	v13 =	vor.u32 s16, v3  }
0x2b7: {  	[tilespmem:v11+s21+$0x0] =	vst.idx.msk $0xffff, v10;
	v10 =	vld [tilespmem:s4+$0xFFFFFB80];
	v11 =	vor.u32 s15, v3  }
0x2b8: {  	[tilespmem:v8+s21+$0x0] =	vst.idx.msk $0xffff, v4;
	v4 =	vld [tilespmem:s4+$0xFFFFFB00];
	v8 =	vor.u32 s11, v3  }
0x2b9: {  	[tilespmem:v9+s21+$0x0] =	vst.idx.msk $0xffff, v5;
	v5 =	vld [tilespmem:s4+$0xFFFFFC80];
	v9 =	vor.u32 s17, v3  }
0x2ba: {  	[tilespmem:v7+s21+$0x0] =	vst.idx.msk $0xffff, v6;
	v6 =	vld [tilespmem:s4+$0xFFFFFD00];
	v7 =	vor.u32 s18, v3  }
0x2bb: {  	[tilespmem:v13+s21+$0x0] =	vst.idx.msk $0xffff, v12;
	v12 =	vld [tilespmem:s4+$0xFFFFFE80];
	v13 =	vor.u32 s24, v3  }
0x2bc: {  	[tilespmem:v11+s21+$0x0] =	vst.idx.msk $0xffff, v10;
	v10 =	vld [tilespmem:s4+$0xFFFFFE00];
	v11 =	vor.u32 s23, v3  }
0x2bd: {  	[tilespmem:v8+s21+$0x0] =	vst.idx.msk $0xffff, v4;
	v4 =	vld [tilespmem:s4+$0xFFFFFD80];
	v8 =	vor.u32 s22, v3  }
0x2be: {  	[tilespmem:v9+s21+$0x0] =	vst.idx.msk $0xffff, v5;
	v5 =	vld [tilespmem:s4+$0xFFFFFF00];
	v9 =	vor.u32 s25, v3  }
0x2bf: {  	[tilespmem:v7+s21+$0x0] =	vst.idx.msk $0xffff, v6;
	v6 =	vld [tilespmem:s4+$0xFFFFFF80];
	v7 =	vor.u32 s26, v3  }
0x2c0: {  	[tilespmem:v13+s21+$0x0] =	vst.idx.msk $0xffff, v12  }
0x2c1: {  	[tilespmem:v11+s21+$0x0] =	vst.idx.msk $0xffff, v10  }
0x2c2: {  	[tilespmem:v8+s21+$0x0] =	vst.idx.msk $0xffff, v4  }
0x2c3: {  	[tilespmem:v9+s21+$0x0] =	vst.idx.msk $0xffff, v5  }
0x2c4: {  	[tilespmem:v7+s21+$0x0] =	vst.idx.msk $0xffff, v6  }
0x2c5: {  	s11 =	rddreg [dreg:$0x7]  }
0x2c6: {  	s1 =	sadd.s32 s19, s11  }
0x2c7: {  	[hbm4b:s1+s2] =	stream.linear.scatter [tilespmem:s21], [sflag:$0x5], $0x400, $0x38;
	[tilespmem:$0x1F000] =	vst v63  }
0x2c8: {  	s16 =	simm.s32 $0x17800;
	s15 =	sadd.s32 $0x4000, s1  }
0x2c9: {  	[hbm4b:s15+s2] =	stream.linear.scatter [tilespmem:s16], [sflag:$0x5], $0x400, $0x38;
	[tilespmem:$0x1F000] =	vst v63  }
0x2ca: {  	s18 =	simm.s32 $0x18000;
	s17 =	sadd.s32 $0x8000, s1  }
0x2cb: {  	[hbm4b:s17+s2] =	stream.linear.scatter [tilespmem:s18], [sflag:$0x5], $0x400, $0x38;
	[tilespmem:$0x1F000] =	vst v63  }
0x2cc: {  	s22 =	simm.s32 $0x18800;
	s20 =	sadd.s32 $0xC000, s1  }
0x2cd: {  	[hbm4b:s20+s2] =	stream.linear.scatter [tilespmem:s22], [sflag:$0x5], $0x400, $0x38;
	[tilespmem:$0x1F000] =	vst v63  }
0x2ce: {  	s24 =	simm.s32 $0x19000;
	s23 =	sadd.s32 $0x10000, s1  }
0x2cf: {  	[hbm4b:s23+s2] =	stream.linear.scatter [tilespmem:s24], [sflag:$0x5], $0x400, $0x38;
	[tilespmem:$0x1F000] =	vst v63  }
0x2d0: {  	s26 =	simm.s32 $0x19800;
	s25 =	sadd.s32 $0x14000, s1  }
0x2d1: {  	[hbm4b:s25+s2] =	stream.linear.scatter [tilespmem:s26], [sflag:$0x5], $0x400, $0x38;
	[tilespmem:$0x1F000] =	vst v63  }
0x2d2: {  	s29 =	simm.s32 $0x1A000;
	s28 =	sadd.s32 $0x18000, s1  }
0x2d3: {  	[hbm4b:s28+s2] =	stream.linear.scatter [tilespmem:s29], [sflag:$0x5], $0x400, $0x38;
	[tilespmem:$0x1F000] =	vst v63  }
0x2d4: {  	s6 =	simm.s32 $0x1A800;
	s1 =	sadd.s32 $0x1C000, s1  }
0x2d5: {  	[hbm4b:s1+s2] =	stream.linear.scatter [tilespmem:s6], [sflag:$0x5], $0x400, $0x38;
	[tilespmem:$0x1F000] =	vst v63  }
0x2d6: {  	s4 =	simm.s32 @!p0 $0x80;
	s1 =	sor.u32 @!p0 $0x800, s13;
	s6 =	simm.s32 @!p0 $0xF000  }
0x2d7: {  	[tilespmem:s6], [sflag:$0x3] =	stream.indirect.gather @!p0 [hbm4b:s3+s4], $0x80, s1, s4, $0xb8;
	[tilespmem:$0x1F000] =	vst v63  }
0x2d8: {  	_ =	swait.ge [sflag:s12], $0x4000  }
0x2d9: {  	[sflag:s12] =	ssyncset.done $0x0  }
0x2da: {  	[sflag:s12] =	ssyncadd.s32 $0xFFFFC000  }
0x2db: {  	_ =	swait.ge [sflag:s31], $0x2000  }
0x2dc: {  	[sflag:s31] =	ssyncset.done $0x0  }
0x2dd: {  	s7 =	simm.s32 $0xF;
	s4 =	simm.s32 $0x137B0;
	[sflag:s31] =	ssyncadd.s32 $0xFFFFE000  }
0x2de: {  	s8 =	simm.s32 $0x1;
	v5 =	vor.u32 s7, v0;
	v4 =	vld [tilespmem:s4+$0xFFFFFFD0]  }
0x2df: {  	s10 =	simm.s32 $0x2;
	v7 =	vor.u32 s8, v0;
	v6 =	vld [tilespmem:s4+$0xFFFFF8D0]  }
0x2e0: {  	v9 =	vor.u32 s10, v0;
	s11 =	simm.s32 $0x3;
	v8 =	vld [tilespmem:s4+$0xFFFFF950]  }
0x2e1: {  	v11 =	vor.u32 s11, v0;
	s13 =	simm.s32 $0x4;
	v10 =	vld [tilespmem:s4+$0xFFFFF9D0]  }
0x2e2: {  	s15 =	simm.s32 $0x5;
	v13 =	vor.u32 s13, v0;
	v12 =	vld [tilespmem:s4+$0xFFFFFA50]  }
0x2e3: {  	s16 =	simm.s32 $0x6;
	v15 =	vor.u32 s15, v0;
	v14 =	vld [tilespmem:s4+$0xFFFFFAD0];
	[tilespmem:v5+s0+$0x0] =	vst.idx.msk $0xffff, v4  }
0x2e4: {  	s17 =	simm.s32 $0x7;
	[tilespmem:v7+s0+$0x0] =	vst.idx.msk $0xffff, v6;
	v6 =	vld [tilespmem:s4+$0xFFFFFB50];
	v7 =	vor.u32 s16, v0  }
0x2e5: {  	s18 =	simm.s32 $0x8;
	[tilespmem:v9+s0+$0x0] =	vst.idx.msk $0xffff, v8;
	v8 =	vld [tilespmem:s4+$0xFFFFFBD0];
	v9 =	vor.u32 s17, v0  }
0x2e6: {  	s20 =	simm.s32 $0x9;
	[tilespmem:v11+s0+$0x0] =	vst.idx.msk $0xffff, v10;
	v10 =	vld [tilespmem:s4+$0xFFFFFC50];
	v11 =	vor.u32 s18, v0  }
0x2e7: {  	s22 =	simm.s32 $0xA;
	[tilespmem:v13+s0+$0x0] =	vst.idx.msk $0xffff, v12;
	v12 =	vld [tilespmem:s4+$0xFFFFFCD0];
	v13 =	vor.u32 s20, v0  }
0x2e8: {  	[tilespmem:v15+s0+$0x0] =	vst.idx.msk $0xffff, v14;
	v14 =	vld [tilespmem:s4+$0xFFFFFD50];
	v15 =	vor.u32 s22, v0  }
0x2e9: {  	s23 =	simm.s32 $0xB;
	v5 =	vor.u32 s7, v1;
	v4 =	vld [tilespmem:s4+$0xFFFFFFE0];
	[tilespmem:v7+s0+$0x0] =	vst.idx.msk $0xffff, v6  }
0x2ea: {  	s24 =	simm.s32 $0xC;
	[tilespmem:v9+s0+$0x0] =	vst.idx.msk $0xffff, v8;
	v6 =	vld [tilespmem:s4+$0xFFFFFDD0];
	v7 =	vor.u32 s23, v0  }
0x2eb: {  	s26 =	simm.s32 $0xD;
	[tilespmem:v11+s0+$0x0] =	vst.idx.msk $0xffff, v10;
	v8 =	vld [tilespmem:s4+$0xFFFFFE50];
	v9 =	vor.u32 s24, v0  }
0x2ec: {  	s28 =	simm.s32 $0xE;
	[tilespmem:v13+s0+$0x0] =	vst.idx.msk $0xffff, v12;
	v10 =	vld [tilespmem:s4+$0xFFFFFED0];
	v11 =	vor.u32 s26, v0  }
0x2ed: {  	s29 =	simm.s32 $0x0;
	[tilespmem:v15+s0+$0x0] =	vst.idx.msk $0xffff, v14;
	v12 =	vld [tilespmem:s4+$0xFFFFFF50];
	v13 =	vor.u32 s28, v0  }
0x2ee: {  	v14 =	vld [tilespmem:s4+$0xFFFFF850];
	v15 =	vor.u32 s29, v0;
	[tilespmem:v5+s0+$0x0] =	vst.idx.msk $0xffff, v4  }
0x2ef: {  	v5 =	vor.u32 s7, v2;
	v4 =	vld [tilespmem:s4+$0xFFFFFFF0];
	[tilespmem:v7+s0+$0x0] =	vst.idx.msk $0xffff, v6  }
0x2f0: {  	v6 =	vld [tilespmem:s4+$0xFFFFF8E0];
	v7 =	vor.u32 s8, v1;
	[tilespmem:v9+s0+$0x0] =	vst.idx.msk $0xffff, v8  }
0x2f1: {  	v8 =	vld [tilespmem:s4+$0xFFFFF960];
	v9 =	vor.u32 s10, v1;
	[tilespmem:v11+s0+$0x0] =	vst.idx.msk $0xffff, v10  }
0x2f2: {  	v10 =	vld [tilespmem:s4+$0xFFFFF9E0];
	v11 =	vor.u32 s11, v1;
	[tilespmem:v13+s0+$0x0] =	vst.idx.msk $0xffff, v12  }
0x2f3: {  	[tilespmem:v15+s0+$0x0] =	vst.idx.msk $0xffff, v14;
	v12 =	vld [tilespmem:s4+$0xFFFFFA60];
	v13 =	vor.u32 s13, v1  }
0x2f4: {  	v14 =	vld [tilespmem:s4+$0xFFFFFAE0];
	v15 =	vor.u32 s15, v1;
	[tilespmem:v5+s0+$0x0] =	vst.idx.msk $0xffff, v4  }
0x2f5: {  	v4 =	vor.u32 s7, v3;
	v5 =	vld [tilespmem:s4+$0x0];
	[tilespmem:v7+s0+$0x0] =	vst.idx.msk $0xffff, v6  }
0x2f6: {  	[tilespmem:v9+s0+$0x0] =	vst.idx.msk $0xffff, v8;
	v6 =	vld [tilespmem:s4+$0xFFFFFBE0];
	v7 =	vor.u32 s17, v1  }
0x2f7: {  	[tilespmem:v11+s0+$0x0] =	vst.idx.msk $0xffff, v10;
	v8 =	vld [tilespmem:s4+$0xFFFFFC60];
	v9 =	vor.u32 s18, v1  }
0x2f8: {  	[tilespmem:v13+s0+$0x0] =	vst.idx.msk $0xffff, v12;
	v10 =	vld [tilespmem:s4+$0xFFFFFCE0];
	v11 =	vor.u32 s20, v1  }
0x2f9: {  	[tilespmem:v15+s0+$0x0] =	vst.idx.msk $0xffff, v14;
	v12 =	vld [tilespmem:s4+$0xFFFFFD60];
	v13 =	vor.u32 s22, v1  }
0x2fa: {  	[tilespmem:v4+s0+$0x0] =	vst.idx.msk $0xffff, v5;
	v4 =	vld [tilespmem:s4+$0xFFFFFB60];
	v5 =	vor.u32 s16, v1  }
0x2fb: {  	v14 =	vld [tilespmem:s4+$0xFFFFF860];
	v15 =	vor.u32 s29, v1;
	[tilespmem:v7+s0+$0x0] =	vst.idx.msk $0xffff, v6  }
0x2fc: {  	v6 =	vld [tilespmem:s4+$0xFFFFFE60];
	v7 =	vor.u32 s24, v1;
	[tilespmem:v9+s0+$0x0] =	vst.idx.msk $0xffff, v8  }
0x2fd: {  	v8 =	vld [tilespmem:s4+$0xFFFFFEE0];
	v9 =	vor.u32 s26, v1;
	[tilespmem:v11+s0+$0x0] =	vst.idx.msk $0xffff, v10  }
0x2fe: {  	v10 =	vld [tilespmem:s4+$0xFFFFFF60];
	v11 =	vor.u32 s28, v1;
	[tilespmem:v13+s0+$0x0] =	vst.idx.msk $0xffff, v12  }
0x2ff: {  	[tilespmem:v5+s0+$0x0] =	vst.idx.msk $0xffff, v4;
	v4 =	vld [tilespmem:s4+$0xFFFFFDE0];
	v5 =	vor.u32 s23, v1  }
0x300: {  	v12 =	vld [tilespmem:s4+$0xFFFFF8F0];
	v13 =	vor.u32 s8, v2;
	[tilespmem:v15+s0+$0x0] =	vst.idx.msk $0xffff, v14  }
0x301: {  	v15 =	vor.u32 s29, v2;
	v14 =	vld [tilespmem:s4+$0xFFFFF870];
	[tilespmem:v7+s0+$0x0] =	vst.idx.msk $0xffff, v6  }
0x302: {  	v6 =	vld [tilespmem:s4+$0xFFFFF9F0];
	v7 =	vor.u32 s11, v2;
	[tilespmem:v9+s0+$0x0] =	vst.idx.msk $0xffff, v8  }
0x303: {  	v8 =	vld [tilespmem:s4+$0xFFFFFA70];
	v9 =	vor.u32 s13, v2;
	[tilespmem:v11+s0+$0x0] =	vst.idx.msk $0xffff, v10  }
0x304: {  	[tilespmem:v5+s0+$0x0] =	vst.idx.msk $0xffff, v4;
	v4 =	vld [tilespmem:s4+$0xFFFFF970];
	v5 =	vor.u32 s10, v2  }
0x305: {  	v10 =	vld [tilespmem:s4+$0xFFFFFAF0];
	v11 =	vor.u32 s15, v2;
	[tilespmem:v13+s0+$0x0] =	vst.idx.msk $0xffff, v12  }
0x306: {  	v12 =	vld [tilespmem:s4+$0xFFFFFB70];
	v13 =	vor.u32 s16, v2;
	[tilespmem:v15+s0+$0x0] =	vst.idx.msk $0xffff, v14  }
0x307: {  	[tilespmem:v7+s0+$0x0] =	vst.idx.msk $0xffff, v6;
	v6 =	vld [tilespmem:s4+$0xFFFFFC70];
	v7 =	vor.u32 s18, v2  }
0x308: {  	[tilespmem:v9+s0+$0x0] =	vst.idx.msk $0xffff, v8;
	v8 =	vld [tilespmem:s4+$0xFFFFFCF0];
	v9 =	vor.u32 s20, v2  }
0x309: {  	[tilespmem:v5+s0+$0x0] =	vst.idx.msk $0xffff, v4;
	v4 =	vld [tilespmem:s4+$0xFFFFFBF0];
	v5 =	vor.u32 s17, v2  }
0x30a: {  	[tilespmem:v11+s0+$0x0] =	vst.idx.msk $0xffff, v10;
	v10 =	vld [tilespmem:s4+$0xFFFFFD70];
	v11 =	vor.u32 s22, v2  }
0x30b: {  	[tilespmem:v13+s0+$0x0] =	vst.idx.msk $0xffff, v12;
	v12 =	vld [tilespmem:s4+$0xFFFFFDF0];
	v13 =	vor.u32 s23, v2  }
0x30c: {  	[tilespmem:v7+s0+$0x0] =	vst.idx.msk $0xffff, v6;
	v6 =	vld [tilespmem:s4+$0xFFFFFEF0];
	v7 =	vor.u32 s26, v2  }
0x30d: {  	[tilespmem:v9+s0+$0x0] =	vst.idx.msk $0xffff, v8;
	v8 =	vld [tilespmem:s4+$0xFFFFFF70];
	v9 =	vor.u32 s28, v2  }
0x30e: {  	[tilespmem:v5+s0+$0x0] =	vst.idx.msk $0xffff, v4;
	v4 =	vld [tilespmem:s4+$0xFFFFFE70];
	v5 =	vor.u32 s24, v2  }
0x30f: {  	[tilespmem:v11+s0+$0x0] =	vst.idx.msk $0xffff, v10;
	v10 =	vor.u32 s8, v3;
	v11 =	vld [tilespmem:s4+$0xFFFFF900]  }
0x310: {  	[tilespmem:v13+s0+$0x0] =	vst.idx.msk $0xffff, v12;
	v12 =	vor.u32 s10, v3;
	v13 =	vld [tilespmem:s4+$0xFFFFF980]  }
0x311: {  	v18 =	vor.u32 s22, v3;
	v19 =	vld [tilespmem:s4+$0xFFFFFD80];
	[tilespmem:v7+s0+$0x0] =	vst.idx.msk $0xffff, v6  }
0x312: {  	v6 =	vor.u32 s13, v3;
	v7 =	vld [tilespmem:s4+$0xFFFFFA80];
	[tilespmem:v9+s0+$0x0] =	vst.idx.msk $0xffff, v8  }
0x313: {  	[tilespmem:v5+s0+$0x0] =	vst.idx.msk $0xffff, v4;
	v4 =	vor.u32 s11, v3;
	v5 =	vld [tilespmem:s4+$0xFFFFFA00]  }
0x314: {  	v8 =	vor.u32 s15, v3;
	v9 =	vld [tilespmem:s4+$0xFFFFFB00];
	[tilespmem:v10+s0+$0x0] =	vst.idx.msk $0xffff, v11  }
0x315: {  	v15 =	vor.u32 s17, v3;
	[tilespmem:v12+s0+$0x0] =	vst.idx.msk $0xffff, v13;
	v12 =	vld [tilespmem:s4+$0xFFFFFC00]  }
0x316: {  	v14 =	vor.u32 s16, v3;
	v10 =	vld [tilespmem:s4+$0xFFFFFB80];
	[tilespmem:v18+s0+$0x0] =	vst.idx.msk $0xffff, v19  }
0x317: {  	v17 =	vor.u32 s20, v3;
	[tilespmem:v6+s0+$0x0] =	vst.idx.msk $0xffff, v7;
	v6 =	vld [tilespmem:s4+$0xFFFFFD00]  }
0x318: {  	v16 =	vor.u32 s18, v3;
	[tilespmem:v4+s0+$0x0] =	vst.idx.msk $0xffff, v5;
	v4 =	vld [tilespmem:s4+$0xFFFFFC80]  }
0x319: {  	v11 =	vld [tilespmem:s4+$0xFFFFFE00];
	v13 =	vor.u32 s23, v3;
	[tilespmem:v8+s0+$0x0] =	vst.idx.msk $0xffff, v9  }
0x31a: {  	[tilespmem:v15+s0+$0x0] =	vst.idx.msk $0xffff, v12;
	v9 =	vld [tilespmem:s4+$0xFFFFFE80];
	v12 =	vor.u32 s24, v3  }
0x31b: {  	[tilespmem:v14+s0+$0x0] =	vst.idx.msk $0xffff, v10;
	v10 =	vor.u32 s26, v3;
	v5 =	vld [tilespmem:s4+$0xFFFFFF00]  }
0x31c: {  	s6 =	simm.s32 $0x10;
	v7 =	vor.u32 s28, v3;
	[tilespmem:v17+s0+$0x0] =	vst.idx.msk $0xffff, v6;
	v6 =	vld [tilespmem:s4+$0xFFFFFF80]  }
0x31d: {  	s7 =	simm.s32 $0x20;
	s20 =	simm.s32 $0x1F;
	v8 =	vor.u32 s29, v3;
	[tilespmem:v16+s0+$0x0] =	vst.idx.msk $0xffff, v4;
	v4 =	vld [tilespmem:s4+$0xFFFFF880];
	s4 =	simm.s32 $0x13FB0  }
.LBB2_13:
0x31e: {  	p0 =	slt.u32 s7, $0x70;
	s13 =	sadd.s32 $0x1, s6;
	v14 =	vld [tilespmem:s4+$0xFFFFFFD0];
	v15 =	vor.u32 s20, v0;
	[tilespmem:v13+s0+$0x0] =	vst.idx.msk $0xffff, v11;
	s8 =	smov.u32 s6  }
0x31f: {  	s6 =	smov.u32 s7;
	v11 =	vld [tilespmem:s4+$0xFFFFF8D0];
	v13 =	vor.u32 s13, v0;
	s22 =	sadd.s32 $0x2, s8;
	[tilespmem:v12+s0+$0x0] =	vst.idx.msk $0xffff, v9  }
0x320: {  	s23 =	sadd.s32 $0x3, s8;
	v9 =	vld [tilespmem:s4+$0xFFFFF950];
	v12 =	vor.u32 s22, v0;
	[tilespmem:v10+s0+$0x0] =	vst.idx.msk $0xffff, v5  }
0x321: {  	s24 =	sadd.s32 $0x4, s8;
	v10 =	vor.u32 s23, v0;
	v5 =	vld [tilespmem:s4+$0xFFFFF9D0];
	[tilespmem:v7+s0+$0x0] =	vst.idx.msk $0xffff, v6  }
0x322: {  	s25 =	sadd.s32 $0x5, s8;
	v7 =	vor.u32 s24, v0;
	v6 =	vld [tilespmem:s4+$0xFFFFFA50];
	[tilespmem:v8+s0+$0x0] =	vst.idx.msk $0xffff, v4  }
0x323: {  	v8 =	vor.u32 s25, v0;
	v4 =	vld [tilespmem:s4+$0xFFFFFAD0];
	[tilespmem:v15+s0+$0x0] =	vst.idx.msk $0xffff, v14  }
0x324: {  	s26 =	sadd.s32 $0x6, s8;
	[tilespmem:v13+s0+$0x0] =	vst.idx.msk $0xffff, v11;
	v11 =	vld [tilespmem:s4+$0xFFFFFFE0];
	v13 =	vor.u32 s20, v1  }
0x325: {  	s28 =	sadd.s32 $0x7, s8;
	[tilespmem:v12+s0+$0x0] =	vst.idx.msk $0xffff, v9;
	v9 =	vld [tilespmem:s4+$0xFFFFFB50];
	v12 =	vor.u32 s26, v0  }
0x326: {  	s1 =	sadd.s32 $0x8, s8;
	[tilespmem:v10+s0+$0x0] =	vst.idx.msk $0xffff, v5;
	v5 =	vld [tilespmem:s4+$0xFFFFFBD0];
	v10 =	vor.u32 s28, v0  }
0x327: {  	s10 =	sadd.s32 $0x9, s8;
	[tilespmem:v7+s0+$0x0] =	vst.idx.msk $0xffff, v6;
	v6 =	vld [tilespmem:s4+$0xFFFFFC50];
	v7 =	vor.u32 s1, v0  }
0x328: {  	s11 =	sadd.s32 $0xA, s8;
	[tilespmem:v8+s0+$0x0] =	vst.idx.msk $0xffff, v4;
	v4 =	vld [tilespmem:s4+$0xFFFFFCD0];
	v8 =	vor.u32 s10, v0  }
0x329: {  	v15 =	vor.u32 s11, v0;
	v14 =	vld [tilespmem:s4+$0xFFFFFD50];
	[tilespmem:v13+s0+$0x0] =	vst.idx.msk $0xffff, v11  }
0x32a: {  	s15 =	sadd.s32 $0xB, s8;
	v11 =	vor.u32 s20, v2;
	[tilespmem:v12+s0+$0x0] =	vst.idx.msk $0xffff, v9;
	v9 =	vld [tilespmem:s4+$0xFFFFFFF0]  }
0x32b: {  	s16 =	sadd.s32 $0xC, s8;
	[tilespmem:v10+s0+$0x0] =	vst.idx.msk $0xffff, v5;
	v5 =	vld [tilespmem:s4+$0xFFFFFDD0];
	v10 =	vor.u32 s15, v0  }
0x32c: {  	s17 =	sadd.s32 $0xD, s8;
	[tilespmem:v7+s0+$0x0] =	vst.idx.msk $0xffff, v6;
	v6 =	vld [tilespmem:s4+$0xFFFFFE50];
	v7 =	vor.u32 s16, v0  }
0x32d: {  	s18 =	sadd.s32 $0xE, s8;
	[tilespmem:v8+s0+$0x0] =	vst.idx.msk $0xffff, v4;
	v4 =	vld [tilespmem:s4+$0xFFFFFED0];
	v8 =	vor.u32 s17, v0  }
0x32e: {  	v13 =	vor.u32 s18, v0;
	[tilespmem:v15+s0+$0x0] =	vst.idx.msk $0xffff, v14;
	v12 =	vld [tilespmem:s4+$0xFFFFFF50]  }
0x32f: {  	v15 =	vor.u32 s8, v0;
	v14 =	vld [tilespmem:s4+$0xFFFFF850];
	[tilespmem:v11+s0+$0x0] =	vst.idx.msk $0xffff, v9  }
0x330: {  	v9 =	vor.u32 s20, v3;
	[tilespmem:v10+s0+$0x0] =	vst.idx.msk $0xffff, v5;
	v5 =	vld [tilespmem:s4+$0x0]  }
0x331: {  	v11 =	vor.u32 s13, v1;
	v10 =	vld [tilespmem:s4+$0xFFFFF8E0];
	[tilespmem:v7+s0+$0x0] =	vst.idx.msk $0xffff, v6  }
0x332: {  	v7 =	vor.u32 s22, v1;
	v6 =	vld [tilespmem:s4+$0xFFFFF960];
	[tilespmem:v8+s0+$0x0] =	vst.idx.msk $0xffff, v4  }
0x333: {  	v8 =	vor.u32 s23, v1;
	v4 =	vld [tilespmem:s4+$0xFFFFF9E0];
	[tilespmem:v13+s0+$0x0] =	vst.idx.msk $0xffff, v12  }
0x334: {  	v13 =	vor.u32 s24, v1;
	[tilespmem:v15+s0+$0x0] =	vst.idx.msk $0xffff, v14;
	v12 =	vld [tilespmem:s4+$0xFFFFFA60]  }
0x335: {  	v15 =	vor.u32 s25, v1;
	v14 =	vld [tilespmem:s4+$0xFFFFFAE0];
	[tilespmem:v9+s0+$0x0] =	vst.idx.msk $0xffff, v5  }
0x336: {  	v9 =	vor.u32 s26, v1;
	[tilespmem:v11+s0+$0x0] =	vst.idx.msk $0xffff, v10;
	v5 =	vld [tilespmem:s4+$0xFFFFFB60]  }
0x337: {  	[tilespmem:v7+s0+$0x0] =	vst.idx.msk $0xffff, v6;
	v6 =	vld [tilespmem:s4+$0xFFFFFBE0];
	v7 =	vor.u32 s28, v1  }
0x338: {  	[tilespmem:v8+s0+$0x0] =	vst.idx.msk $0xffff, v4;
	v4 =	vld [tilespmem:s4+$0xFFFFFC60];
	v8 =	vor.u32 s1, v1  }
0x339: {  	v11 =	vor.u32 s10, v1;
	[tilespmem:v13+s0+$0x0] =	vst.idx.msk $0xffff, v12;
	v10 =	vld [tilespmem:s4+$0xFFFFFCE0]  }
0x33a: {  	v13 =	vor.u32 s11, v1;
	[tilespmem:v15+s0+$0x0] =	vst.idx.msk $0xffff, v14;
	v12 =	vld [tilespmem:s4+$0xFFFFFD60]  }
0x33b: {  	[tilespmem:v9+s0+$0x0] =	vst.idx.msk $0xffff, v5;
	v5 =	vld [tilespmem:s4+$0xFFFFFDE0];
	v9 =	vor.u32 s15, v1  }
0x33c: {  	[tilespmem:v7+s0+$0x0] =	vst.idx.msk $0xffff, v6;
	v6 =	vld [tilespmem:s4+$0xFFFFFE60];
	v7 =	vor.u32 s16, v1  }
0x33d: {  	[tilespmem:v8+s0+$0x0] =	vst.idx.msk $0xffff, v4;
	v4 =	vld [tilespmem:s4+$0xFFFFFEE0];
	v8 =	vor.u32 s17, v1  }
0x33e: {  	[tilespmem:v11+s0+$0x0] =	vst.idx.msk $0xffff, v10;
	v10 =	vld [tilespmem:s4+$0xFFFFFF60];
	v11 =	vor.u32 s18, v1  }
0x33f: {  	v15 =	vor.u32 s8, v1;
	v14 =	vld [tilespmem:s4+$0xFFFFF860];
	[tilespmem:v13+s0+$0x0] =	vst.idx.msk $0xffff, v12  }
0x340: {  	v13 =	vor.u32 s13, v2;
	v12 =	vld [tilespmem:s4+$0xFFFFF8F0];
	[tilespmem:v9+s0+$0x0] =	vst.idx.msk $0xffff, v5  }
0x341: {  	v9 =	vor.u32 s22, v2;
	v5 =	vld [tilespmem:s4+$0xFFFFF970];
	[tilespmem:v7+s0+$0x0] =	vst.idx.msk $0xffff, v6  }
0x342: {  	v7 =	vor.u32 s23, v2;
	v6 =	vld [tilespmem:s4+$0xFFFFF9F0];
	[tilespmem:v8+s0+$0x0] =	vst.idx.msk $0xffff, v4  }
0x343: {  	v8 =	vor.u32 s24, v2;
	v4 =	vld [tilespmem:s4+$0xFFFFFA70];
	[tilespmem:v11+s0+$0x0] =	vst.idx.msk $0xffff, v10  }
0x344: {  	v11 =	vor.u32 s25, v2;
	[tilespmem:v15+s0+$0x0] =	vst.idx.msk $0xffff, v14;
	v10 =	vld [tilespmem:s4+$0xFFFFFAF0]  }
0x345: {  	[tilespmem:v13+s0+$0x0] =	vst.idx.msk $0xffff, v12;
	v12 =	vld [tilespmem:s4+$0xFFFFFB70];
	v13 =	vor.u32 s26, v2  }
0x346: {  	[tilespmem:v9+s0+$0x0] =	vst.idx.msk $0xffff, v5;
	v5 =	vld [tilespmem:s4+$0xFFFFFBF0];
	v9 =	vor.u32 s28, v2  }
0x347: {  	[tilespmem:v7+s0+$0x0] =	vst.idx.msk $0xffff, v6;
	v6 =	vld [tilespmem:s4+$0xFFFFFC70];
	v7 =	vor.u32 s1, v2  }
0x348: {  	[tilespmem:v8+s0+$0x0] =	vst.idx.msk $0xffff, v4;
	v4 =	vld [tilespmem:s4+$0xFFFFFCF0];
	v8 =	vor.u32 s10, v2  }
0x349: {  	[tilespmem:v11+s0+$0x0] =	vst.idx.msk $0xffff, v10;
	v10 =	vld [tilespmem:s4+$0xFFFFFD70];
	v11 =	vor.u32 s11, v2  }
0x34a: {  	[tilespmem:v13+s0+$0x0] =	vst.idx.msk $0xffff, v12;
	v12 =	vld [tilespmem:s4+$0xFFFFFDF0];
	v13 =	vor.u32 s15, v2  }
0x34b: {  	[tilespmem:v9+s0+$0x0] =	vst.idx.msk $0xffff, v5;
	v5 =	vld [tilespmem:s4+$0xFFFFFE70];
	v9 =	vor.u32 s16, v2  }
0x34c: {  	[tilespmem:v7+s0+$0x0] =	vst.idx.msk $0xffff, v6;
	v6 =	vld [tilespmem:s4+$0xFFFFFEF0];
	v7 =	vor.u32 s17, v2  }
0x34d: {  	[tilespmem:v8+s0+$0x0] =	vst.idx.msk $0xffff, v4;
	v4 =	vld [tilespmem:s4+$0xFFFFFF70];
	v8 =	vor.u32 s18, v2  }
0x34e: {  	v15 =	vor.u32 s8, v2;
	v14 =	vld [tilespmem:s4+$0xFFFFF870];
	[tilespmem:v11+s0+$0x0] =	vst.idx.msk $0xffff, v10  }
0x34f: {  	v11 =	vor.u32 s13, v3;
	v10 =	vld [tilespmem:s4+$0xFFFFF900];
	[tilespmem:v13+s0+$0x0] =	vst.idx.msk $0xffff, v12  }
0x350: {  	v13 =	vor.u32 s22, v3;
	v12 =	vld [tilespmem:s4+$0xFFFFF980];
	[tilespmem:v9+s0+$0x0] =	vst.idx.msk $0xffff, v5  }
0x351: {  	v9 =	vor.u32 s23, v3;
	v5 =	vld [tilespmem:s4+$0xFFFFFA00];
	[tilespmem:v7+s0+$0x0] =	vst.idx.msk $0xffff, v6  }
0x352: {  	v7 =	vor.u32 s24, v3;
	v6 =	vld [tilespmem:s4+$0xFFFFFA80];
	[tilespmem:v8+s0+$0x0] =	vst.idx.msk $0xffff, v4  }
0x353: {  	v8 =	vor.u32 s25, v3;
	[tilespmem:v15+s0+$0x0] =	vst.idx.msk $0xffff, v14;
	v4 =	vld [tilespmem:s4+$0xFFFFFB00]  }
0x354: {  	[tilespmem:v11+s0+$0x0] =	vst.idx.msk $0xffff, v10;
	v10 =	vld [tilespmem:s4+$0xFFFFFB80];
	v11 =	vor.u32 s26, v3  }
0x355: {  	v14 =	vor.u32 s28, v3;
	[tilespmem:v13+s0+$0x0] =	vst.idx.msk $0xffff, v12;
	v12 =	vld [tilespmem:s4+$0xFFFFFC00]  }
0x356: {  	v15 =	vor.u32 s1, v3;
	[tilespmem:v9+s0+$0x0] =	vst.idx.msk $0xffff, v5;
	v5 =	vld [tilespmem:s4+$0xFFFFFC80]  }
0x357: {  	[tilespmem:v7+s0+$0x0] =	vst.idx.msk $0xffff, v6;
	v6 =	vld [tilespmem:s4+$0xFFFFFD00];
	v7 =	vor.u32 s10, v3  }
0x358: {  	v17 =	vor.u32 s11, v3;
	[tilespmem:v8+s0+$0x0] =	vst.idx.msk $0xffff, v4;
	v16 =	vld [tilespmem:s4+$0xFFFFFD80]  }
.Ltmp6:
0x359: {  	v13 =	vor.u32 s15, v3;
	[tilespmem:v11+s0+$0x0] =	vst.idx.msk $0xffff, v10;
	v11 =	vld [tilespmem:s4+$0xFFFFFE00];
	(pc) =	sbr.rel @p0 .LBB2_13-.Ltmp6, $4  }
0x35a: {  	[tilespmem:v14+s0+$0x0] =	vst.idx.msk $0xffff, v12;
	v9 =	vld [tilespmem:s4+$0xFFFFFE80];
	v12 =	vor.u32 s16, v3  }
0x35b: {  	v10 =	vor.u32 s17, v3;
	[tilespmem:v15+s0+$0x0] =	vst.idx.msk $0xffff, v5;
	v5 =	vld [tilespmem:s4+$0xFFFFFF00]  }
0x35c: {  	[tilespmem:v7+s0+$0x0] =	vst.idx.msk $0xffff, v6;
	v6 =	vld [tilespmem:s4+$0xFFFFFF80];
	v7 =	vor.u32 s18, v3  }
0x35d: {  	s7 =	sadd.s32 $0x10, s7;
	s20 =	sadd.s32 $0xF, s6;
	v8 =	vor.u32 s8, v3;
	v4 =	vld [tilespmem:s4+$0xFFFFF880];
	[tilespmem:v17+s0+$0x0] =	vst.idx.msk $0xffff, v16;
	s4 =	sadd.s32 $0x800, s4  }
0x35e: {  	_ =	sdelay $0x3  }
0x35f: {  	v14 =	vld [tilespmem:s4+$0xFFFFFFD0];
	v15 =	vor.u32 s20, v0;
	[tilespmem:v13+s0+$0x0] =	vst.idx.msk $0xffff, v11  }
0x360: {  	s1 =	sadd.s32 $0x1, s6;
	v36 =	vld [tilespmem:s4+$0xFFFFF850];
	v37 =	vor.u32 s6, v0;
	[tilespmem:v12+s0+$0x0] =	vst.idx.msk $0xffff, v9  }
0x361: {  	v58 =	vld [tilespmem:s4+$0xFFFFF8D0];
	s7 =	sadd.s32 $0x2, s6;
	v59 =	vor.u32 s1, v0;
	[tilespmem:v10+s0+$0x0] =	vst.idx.msk $0xffff, v5  }
0x362: {  	v60 =	vld [tilespmem:s4+$0xFFFFF950];
	s10 =	sadd.s32 $0x4, s6;
	v61 =	vor.u32 s7, v0;
	[tilespmem:v7+s0+$0x0] =	vst.idx.msk $0xffff, v6  }
0x363: {  	v63 =	vld [tilespmem:s4+$0xFFFFFA50];
	s13 =	sadd.s32 $0x6, s6;
	v16 =	vor.u32 s10, v0;
	[tilespmem:v8+s0+$0x0] =	vst.idx.msk $0xffff, v4  }
0x364: {  	v20 =	vld [tilespmem:s4+$0xFFFFFB50];
	s16 =	sadd.s32 $0x8, s6;
	v21 =	vor.u32 s13, v0;
	[tilespmem:v15+s0+$0x0] =	vst.idx.msk $0xffff, v14  }
0x365: {  	v23 =	vld [tilespmem:s4+$0xFFFFFC50];
	s18 =	sadd.s32 $0xA, s6;
	v24 =	vor.u32 s16, v0;
	[tilespmem:v37+s0+$0x0] =	vst.idx.msk $0xffff, v36  }
0x366: {  	s8 =	sadd.s32 $0x3, s6;
	v26 =	vld [tilespmem:s4+$0xFFFFFD50];
	v27 =	vor.u32 s18, v0;
	[tilespmem:v59+s0+$0x0] =	vst.idx.msk $0xffff, v58  }
0x367: {  	s23 =	sadd.s32 $0xC, s6;
	v62 =	vor.u32 s8, v0;
	v5 =	vld [tilespmem:s4+$0xFFFFF9D0];
	[tilespmem:v61+s0+$0x0] =	vst.idx.msk $0xffff, v60  }
0x368: {  	s11 =	sadd.s32 $0x5, s6;
	v31 =	vld [tilespmem:s4+$0xFFFFFE50];
	v32 =	vor.u32 s23, v0;
	[tilespmem:v16+s0+$0x0] =	vst.idx.msk $0xffff, v63  }
0x369: {  	v17 =	vor.u32 s11, v0;
	v4 =	vld [tilespmem:s4+$0xFFFFFAD0];
	[tilespmem:v21+s0+$0x0] =	vst.idx.msk $0xffff, v20  }
0x36a: {  	v19 =	vor.u32 s20, v1;
	s25 =	sadd.s32 $0xE, s6;
	v18 =	vld [tilespmem:s4+$0xFFFFFFE0];
	[tilespmem:v24+s0+$0x0] =	vst.idx.msk $0xffff, v23  }
0x36b: {  	s15 =	sadd.s32 $0x7, s6;
	v34 =	vld [tilespmem:s4+$0xFFFFFF50];
	v35 =	vor.u32 s25, v0;
	[tilespmem:v27+s0+$0x0] =	vst.idx.msk $0xffff, v26  }
0x36c: {  	v22 =	vor.u32 s15, v0;
	[tilespmem:v62+s0+$0x0] =	vst.idx.msk $0xffff, v5;
	v5 =	vld [tilespmem:s4+$0xFFFFFBD0]  }
0x36d: {  	v40 =	vor.u32 s1, v1;
	[tilespmem:v32+s0+$0x0] =	vst.idx.msk $0xffff, v31;
	v39 =	vld [tilespmem:s4+$0xFFFFF8E0]  }
0x36e: {  	s17 =	sadd.s32 $0x9, s6;
	v42 =	vor.u32 s7, v1;
	v41 =	vld [tilespmem:s4+$0xFFFFF960];
	[tilespmem:v17+s0+$0x0] =	vst.idx.msk $0xffff, v4  }
0x36f: {  	v25 =	vor.u32 s17, v0;
	v4 =	vld [tilespmem:s4+$0xFFFFFCD0];
	[tilespmem:v19+s0+$0x0] =	vst.idx.msk $0xffff, v18  }
0x370: {  	s22 =	sadd.s32 $0xB, s6;
	v29 =	vor.u32 s20, v2;
	[tilespmem:v35+s0+$0x0] =	vst.idx.msk $0xffff, v34;
	v28 =	vld [tilespmem:s4+$0xFFFFFFF0]  }
0x371: {  	v30 =	vor.u32 s22, v0;
	[tilespmem:v22+s0+$0x0] =	vst.idx.msk $0xffff, v5;
	v5 =	vld [tilespmem:s4+$0xFFFFFDD0]  }
0x372: {  	v45 =	vor.u32 s10, v1;
	v44 =	vld [tilespmem:s4+$0xFFFFFA60];
	[tilespmem:v40+s0+$0x0] =	vst.idx.msk $0xffff, v39  }
0x373: {  	v55 =	vor.u32 s18, v1;
	v54 =	vld [tilespmem:s4+$0xFFFFFD60];
	[tilespmem:v42+s0+$0x0] =	vst.idx.msk $0xffff, v41  }
0x374: {  	s24 =	sadd.s32 $0xD, s6;
	v58 =	vor.u32 s23, v1;
	v57 =	vld [tilespmem:s4+$0xFFFFFE60];
	[tilespmem:v25+s0+$0x0] =	vst.idx.msk $0xffff, v4  }
0x375: {  	v33 =	vor.u32 s24, v0;
	v4 =	vld [tilespmem:s4+$0xFFFFFED0];
	[tilespmem:v29+s0+$0x0] =	vst.idx.msk $0xffff, v28  }
0x376: {  	v38 =	vor.u32 s20, v3;
	[tilespmem:v30+s0+$0x0] =	vst.idx.msk $0xffff, v5;
	v5 =	vld [tilespmem:s4+$0x0]  }
0x377: {  	v61 =	vor.u32 s25, v1;
	v60 =	vld [tilespmem:s4+$0xFFFFFF60];
	[tilespmem:v45+s0+$0x0] =	vst.idx.msk $0xffff, v44  }
0x378: {  	v63 =	vor.u32 s6, v1;
	v62 =	vld [tilespmem:s4+$0xFFFFF860];
	[tilespmem:v55+s0+$0x0] =	vst.idx.msk $0xffff, v54  }
0x379: {  	v47 =	vor.u32 s11, v1;
	v46 =	vld [tilespmem:s4+$0xFFFFFAE0];
	[tilespmem:v58+s0+$0x0] =	vst.idx.msk $0xffff, v57  }
0x37a: {  	v43 =	vor.u32 s8, v1;
	[tilespmem:v33+s0+$0x0] =	vst.idx.msk $0xffff, v4;
	v4 =	vld [tilespmem:s4+$0xFFFFF9E0]  }
0x37b: {  	v48 =	vor.u32 s13, v1;
	[tilespmem:v38+s0+$0x0] =	vst.idx.msk $0xffff, v5;
	v5 =	vld [tilespmem:s4+$0xFFFFFB60]  }
0x37c: {  	v50 =	vor.u32 s15, v1;
	[tilespmem:v61+s0+$0x0] =	vst.idx.msk $0xffff, v60;
	v49 =	vld [tilespmem:s4+$0xFFFFFBE0]  }
0x37d: {  	v17 =	vor.u32 s1, v2;
	[tilespmem:v63+s0+$0x0] =	vst.idx.msk $0xffff, v62;
	v16 =	vld [tilespmem:s4+$0xFFFFF8F0]  }
0x37e: {  	v53 =	vor.u32 s17, v1;
	v52 =	vld [tilespmem:s4+$0xFFFFFCE0];
	[tilespmem:v47+s0+$0x0] =	vst.idx.msk $0xffff, v46  }
0x37f: {  	v51 =	vor.u32 s16, v1;
	[tilespmem:v43+s0+$0x0] =	vst.idx.msk $0xffff, v4;
	v4 =	vld [tilespmem:s4+$0xFFFFFC60]  }
0x380: {  	v56 =	vor.u32 s22, v1;
	[tilespmem:v48+s0+$0x0] =	vst.idx.msk $0xffff, v5;
	v5 =	vld [tilespmem:s4+$0xFFFFFDE0]  }
0x381: {  	v23 =	vor.u32 s11, v2;
	v22 =	vld [tilespmem:s4+$0xFFFFFAF0];
	[tilespmem:v50+s0+$0x0] =	vst.idx.msk $0xffff, v49  }
0x382: {  	v31 =	vor.u32 s18, v2;
	v30 =	vld [tilespmem:s4+$0xFFFFFD70];
	[tilespmem:v17+s0+$0x0] =	vst.idx.msk $0xffff, v16  }
0x383: {  	v14 =	vld [tilespmem:s4+$0xFFFFF870];
	[tilespmem:v53+s0+$0x0] =	vst.idx.msk $0xffff, v52;
	v38 =	vor.u32 s6, v2  }
0x384: {  	v59 =	vor.u32 s24, v1;
	[tilespmem:v51+s0+$0x0] =	vst.idx.msk $0xffff, v4;
	v4 =	vld [tilespmem:s4+$0xFFFFFEE0]  }
0x385: {  	v18 =	vor.u32 s7, v2;
	[tilespmem:v56+s0+$0x0] =	vst.idx.msk $0xffff, v5;
	v5 =	vld [tilespmem:s4+$0xFFFFF970]  }
0x386: {  	v39 =	vor.u32 s1, v3;
	v40 =	vld [tilespmem:s4+$0xFFFFF900];
	[tilespmem:v23+s0+$0x0] =	vst.idx.msk $0xffff, v22  }
0x387: {  	v20 =	vor.u32 s8, v2;
	[tilespmem:v31+s0+$0x0] =	vst.idx.msk $0xffff, v30;
	v19 =	vld [tilespmem:s4+$0xFFFFF9F0]  }
0x388: {  	v25 =	vor.u32 s13, v2;
	[tilespmem:v38+s0+$0x0] =	vst.idx.msk $0xffff, v14;
	v24 =	vld [tilespmem:s4+$0xFFFFFB70]  }
0x389: {  	v21 =	vor.u32 s10, v2;
	[tilespmem:v59+s0+$0x0] =	vst.idx.msk $0xffff, v4;
	v4 =	vld [tilespmem:s4+$0xFFFFFA70]  }
0x38a: {  	v26 =	vor.u32 s15, v2;
	[tilespmem:v18+s0+$0x0] =	vst.idx.msk $0xffff, v5;
	v5 =	vld [tilespmem:s4+$0xFFFFFBF0]  }
0x38b: {  	v63 =	vor.u32 s6, v3;
	[tilespmem:v39+s0+$0x0] =	vst.idx.msk $0xffff, v40;
	v62 =	vld [tilespmem:s4+$0xFFFFF880]  }
0x38c: {  	v28 =	vor.u32 s16, v2;
	[tilespmem:v20+s0+$0x0] =	vst.idx.msk $0xffff, v19;
	v27 =	vld [tilespmem:s4+$0xFFFFFC70]  }
0x38d: {  	v33 =	vor.u32 s22, v2;
	[tilespmem:v25+s0+$0x0] =	vst.idx.msk $0xffff, v24;
	v32 =	vld [tilespmem:s4+$0xFFFFFDF0]  }
0x38e: {  	v29 =	vor.u32 s17, v2;
	[tilespmem:v21+s0+$0x0] =	vst.idx.msk $0xffff, v4;
	v4 =	vld [tilespmem:s4+$0xFFFFFCF0]  }
0x38f: {  	v34 =	vor.u32 s23, v2;
	[tilespmem:v26+s0+$0x0] =	vst.idx.msk $0xffff, v5;
	v5 =	vld [tilespmem:s4+$0xFFFFFE70]  }
0x390: {  	v36 =	vor.u32 s24, v2;
	[tilespmem:v63+s0+$0x0] =	vst.idx.msk $0xffff, v62;
	v35 =	vld [tilespmem:s4+$0xFFFFFEF0]  }
0x391: {  	v47 =	vor.u32 s13, v3;
	[tilespmem:v28+s0+$0x0] =	vst.idx.msk $0xffff, v27;
	v48 =	vld [tilespmem:s4+$0xFFFFFB80]  }
0x392: {  	v41 =	vor.u32 s7, v3;
	[tilespmem:v33+s0+$0x0] =	vst.idx.msk $0xffff, v32;
	v42 =	vld [tilespmem:s4+$0xFFFFF980]  }
0x393: {  	v37 =	vor.u32 s25, v2;
	[tilespmem:v29+s0+$0x0] =	vst.idx.msk $0xffff, v4;
	v4 =	vld [tilespmem:s4+$0xFFFFFF70]  }
0x394: {  	v43 =	vld [tilespmem:s4+$0xFFFFFA00];
	[tilespmem:v34+s0+$0x0] =	vst.idx.msk $0xffff, v5;
	v5 =	vor.u32 s8, v3  }
0x395: {  	v44 =	vor.u32 s10, v3;
	[tilespmem:v36+s0+$0x0] =	vst.idx.msk $0xffff, v35;
	v45 =	vld [tilespmem:s4+$0xFFFFFA80]  }
0x396: {  	v55 =	vor.u32 s22, v3;
	[tilespmem:v47+s0+$0x0] =	vst.idx.msk $0xffff, v48;
	v56 =	vld [tilespmem:s4+$0xFFFFFE00]  }
0x397: {  	v49 =	vor.u32 s15, v3;
	[tilespmem:v41+s0+$0x0] =	vst.idx.msk $0xffff, v42;
	v50 =	vld [tilespmem:s4+$0xFFFFFC00]  }
0x398: {  	v46 =	vld [tilespmem:s4+$0xFFFFFB00];
	[tilespmem:v37+s0+$0x0] =	vst.idx.msk $0xffff, v4;
	v4 =	vor.u32 s11, v3  }
0x399: {  	v51 =	vor.u32 s16, v3;
	[tilespmem:v5+s0+$0x0] =	vst.idx.msk $0xffff, v43;
	v5 =	vld [tilespmem:s4+$0xFFFFFC80]  }
0x39a: {  	v52 =	vor.u32 s17, v3;
	[tilespmem:v44+s0+$0x0] =	vst.idx.msk $0xffff, v45;
	v53 =	vld [tilespmem:s4+$0xFFFFFD00]  }
0x39b: {  	v57 =	vor.u32 s23, v3;
	[tilespmem:v55+s0+$0x0] =	vst.idx.msk $0xffff, v56;
	v58 =	vld [tilespmem:s4+$0xFFFFFE80]  }
0x39c: {  	v60 =	vor.u32 s25, v3;
	[tilespmem:v49+s0+$0x0] =	vst.idx.msk $0xffff, v50;
	v61 =	vld [tilespmem:s4+$0xFFFFFF80]  }
0x39d: {  	v54 =	vor.u32 s18, v3;
	[tilespmem:v4+s0+$0x0] =	vst.idx.msk $0xffff, v46;
	v4 =	vld [tilespmem:s4+$0xFFFFFD80]  }
0x39e: {  	v59 =	vor.u32 s24, v3;
	[tilespmem:v51+s0+$0x0] =	vst.idx.msk $0xffff, v5;
	v5 =	vld [tilespmem:s4+$0xFFFFFF00]  }
0x39f: {  	[tilespmem:v52+s0+$0x0] =	vst.idx.msk $0xffff, v53  }
0x3a0: {  	[tilespmem:v57+s0+$0x0] =	vst.idx.msk $0xffff, v58  }
0x3a1: {  	[tilespmem:v60+s0+$0x0] =	vst.idx.msk $0xffff, v61  }
0x3a2: {  	[tilespmem:v54+s0+$0x0] =	vst.idx.msk $0xffff, v4  }
0x3a3: {  	[tilespmem:v59+s0+$0x0] =	vst.idx.msk $0xffff, v5  }
0x3a4: {  	s13 =	rddreg [dreg:$0x8]  }
0x3a5: {  	s1 =	sadd.s32 s19, s13  }
0x3a6: {  	[hbm4b:s1+s2] =	stream.linear.scatter [tilespmem:s0], [sflag:$0x6], $0x400, $0x38;
	[tilespmem:$0x1F000] =	vst v63  }
0x3a7: {  	s16 =	simm.s32 $0x1B800;
	s15 =	sadd.s32 $0x4000, s1  }
0x3a8: {  	[hbm4b:s15+s2] =	stream.linear.scatter [tilespmem:s16], [sflag:$0x6], $0x400, $0x38;
	[tilespmem:$0x1F000] =	vst v63  }
0x3a9: {  	s18 =	simm.s32 $0x1C000;
	s17 =	sadd.s32 $0x8000, s1  }
0x3aa: {  	[hbm4b:s17+s2] =	stream.linear.scatter [tilespmem:s18], [sflag:$0x6], $0x400, $0x38;
	[tilespmem:$0x1F000] =	vst v63  }
0x3ab: {  	s20 =	simm.s32 $0x1C800;
	s19 =	sadd.s32 $0xC000, s1  }
0x3ac: {  	[hbm4b:s19+s2] =	stream.linear.scatter [tilespmem:s20], [sflag:$0x6], $0x400, $0x38;
	[tilespmem:$0x1F000] =	vst v63  }
0x3ad: {  	s14 =	sadd.s32 $0x1, s14;
	s23 =	simm.s32 $0x1D000;
	s22 =	sadd.s32 $0x10000, s1  }
0x3ae: {  	[hbm4b:s22+s2] =	stream.linear.scatter [tilespmem:s23], [sflag:$0x6], $0x400, $0x38;
	[tilespmem:$0x1F000] =	vst v63  }
0x3af: {  	p0 =	sne.s32 s14, $0x32;
	s25 =	simm.s32 $0x1D800;
	s24 =	sadd.s32 $0x14000, s1  }
0x3b0: {  	[hbm4b:s24+s2] =	stream.linear.scatter [tilespmem:s25], [sflag:$0x6], $0x400, $0x38;
	[tilespmem:$0x1F000] =	vst v63  }
.Ltmp7:
0x3b1: {  	_ = 	snop;
	(pc) =	sbr.rel @p0 .LBB2_2-.Ltmp7, $4  }
0x3b2: {  	s28 =	simm.s32 $0x1E000;
	s26 =	sadd.s32 $0x18000, s1  }
0x3b3: {  	[hbm4b:s26+s2] =	stream.linear.scatter [tilespmem:s28], [sflag:$0x6], $0x400, $0x38;
	[tilespmem:$0x1F000] =	vst v63  }
0x3b4: {  	s29 =	simm.s32 $0x1E800;
	s1 =	sadd.s32 $0x1C000, s1  }
0x3b5: {  	[hbm4b:s1+s2] =	stream.linear.scatter [tilespmem:s29], [sflag:$0x6], $0x400, $0x38;
	[tilespmem:$0x1F000] =	vst v63  }
0x3b6: {  	_ =	swait.ge [sflag:s9], $0x2000  }
0x3b7: {  	[sflag:s9] =	ssyncset.done $0x0  }
0x3b8: {  	[sflag:s9] =	ssyncadd.s32 $0xFFFFE000  }
0x3b9: {  	_ =	swait.ge [sflag:s31], $0x2000  }
0x3ba: {  	s4 =	rddreg [dreg:$0xa]  }
0x3bb: {  	s1 =	rddreg [dreg:$0x9];
	s4 =	sadd.s32 $0x1, s4  }
0x3bc: {  	p0 =	sne.s32 s4, s1  }
.Ltmp8:
0x3bd: {  	_ = 	snop;
	(pc) =	sbr.rel @p0 .LBB2_1-.Ltmp8, $3  }
0x3be: {  	_ =	sdelay $0x1  }
0x3bf: {  	[sflag:s31] =	ssyncset.done $0x0  }
0x3c0: {  	[sflag:s31] =	ssyncadd.s32 $0xFFFFE000  }
0x3c1: {  	_ =	sfence.sel $0x180000  }
0x3c2: {  	[bflag:$0x0] =	sbarrier.arrive $0xFFFF  }
0x3c3: {  	_ =	strace $0x90000047  }
0x3c4: {  	s0 =	stileid.u32;
	[bflag:$0x2] =	sbarrier.arrive $0xFFFF  }
0x3c5: {  	p0 =	sne.s32 s0, $0x0;
	s0 =	rddreg [dreg:$0x3]  }
0x3c6: {  	s0 =	sadd.s32 @!p0 $0x100000, s0  }
0x3c7: {  	[sflag:s0] =	ssyncadd.tile.s32 @!p0 $0x1;
	_ =	shalt  }
.Lfunc_end2:
_tile_overlayer_lowered:
.L_overlay_start_2:
0x3c8: {  	(tag) =	ssettag $0x2  }
0x3c9: {  	s0 =	rddreg [dreg:$0x0];
	s2 =	stileid.u32  }
0x3ca: {  	s1 =	rddreg [dreg:$0x1];
	p0 =	sne.s32 s2, $0x0  }
0x3cb: {  	s3 =	rddreg [dreg:$0x2];
	[bflag:$0x3] =	sbarrier.arrive $0xFFFF;
	s2 =	simm.s32 @!p0 $0x1C07  }
0x3cc: {  	[timem:s3], [sflag:s2] =	dma.local @!p0 [hbm:s0], s1  }
0x3cd: {  	s0 =	simm.s32 @!p0 $0x7  }
0x3ce: {  	_ =	swait.ge @!p0 [sflag:s0], s1  }
0x3cf: {  	s1 =	ssub.s32 @!p0 $0x0, s1;
	[sflag:s0] =	ssyncset.done @!p0 $0x0  }
0x3d0: {  	[sflag:s0] =	ssyncadd.s32 @!p0 s1  }
0x3d1: {  	[bflag:$0x3] =	sbarrier.arrive $0xFFFF  }
0x3d2: {  	_ =	shalt  }

</sc_bundles>
